<compile_context>
chip_gen: v7x
topology: tpu7x:2x2x1
jax: 0.10.2.dev20260603
libtpu: 0.0.44.dev20260713+nightly
codegen_flags: <defaults>
</compile_context>

<pallas_src>
import functools
import jax
import jax.numpy as jnp
from jax import lax
from jax.experimental import pallas as pl
from jax.experimental.pallas import tpu as pltpu
from jax.experimental.pallas import tpu_sc as plsc

N = 2048
D = 768
E = 8
DFF = 3072
K = 2
NK = N * K
BLK = 128
M = NK + E * BLK
NB = M // BLK
FB = 512
NFB = DFF // FB
CH = 16
NCH = N // CH
V_MAX = 3.0
FEAT_CLAMP = 10.0
NEG_BIG = -1e30
NW = 32



def _router_body(x_ref, wr_ref, br_ref, i12_ref, g12_ref):
    logits = jnp.dot(x_ref[...], wr_ref[...],
                     preferred_element_type=jnp.float32) + br_ref[...]
    idx = jax.lax.broadcasted_iota(jnp.int32, (N, E), 1)
    m1 = jnp.max(logits, axis=1, keepdims=True)
    i1 = jnp.min(jnp.where(logits == m1, idx, E), axis=1, keepdims=True)
    l2 = jnp.where(idx == i1, NEG_BIG, logits)
    m2 = jnp.max(l2, axis=1, keepdims=True)
    i2 = jnp.min(jnp.where(l2 == m2, idx, E), axis=1, keepdims=True)
    e2 = jnp.exp(m2 - m1)
    denom = 1.0 + e2
    i12_ref[...] = jnp.concatenate([i1, i2], axis=1)
    g12_ref[...] = jnp.concatenate([1.0 / denom, e2 / denom], axis=1)


def _router(x2, Wr, br):
    return pl.pallas_call(
        _router_body,
        grid=(1,),
        in_specs=[
            pl.BlockSpec((N, D), lambda i: (0, 0)),
            pl.BlockSpec((D, E), lambda i: (0, 0)),
            pl.BlockSpec((1, E), lambda i: (0, 0)),
        ],
        out_specs=[
            pl.BlockSpec((N, K), lambda i: (0, 0)),
            pl.BlockSpec((N, K), lambda i: (0, 0)),
        ],
        out_shape=[
            jax.ShapeDtypeStruct((N, K), jnp.int32),
            jax.ShapeDtypeStruct((N, K), jnp.float32),
        ],
    )(x2, Wr, br.reshape(1, E))



def _sc_gather(table, idx):
    rows, _ = table.shape
    b = idx.shape[0]
    rpw = b // NW
    mesh = plsc.VectorSubcoreMesh(core_axis_name="c", subcore_axis_name="s")

    @functools.partial(
        pl.kernel, mesh=mesh,
        out_type=jax.ShapeDtypeStruct((b, D), jnp.float32),
        scratch_types=[
            pltpu.VMEM((rpw,), jnp.int32),
            pltpu.VMEM((rpw, D), jnp.float32),
            pltpu.SemaphoreType.DMA,
        ],
    )
    def k(table_hbm, idx_hbm, out_hbm, idx_v, rows_v, sem):
        wid = lax.axis_index("s") * 2 + lax.axis_index("c")
        base = wid * rpw
        pltpu.sync_copy(idx_hbm.at[pl.ds(base, rpw)], idx_v)
        pltpu.async_copy(table_hbm.at[idx_v], rows_v, sem).wait()
        pltpu.sync_copy(rows_v, out_hbm.at[pl.ds(base, rpw)])

    return k(table, idx)



def _gffn_body(be_ref, xg_ref, gate_ref, w1_ref, b1_ref, w2_ref, b2_ref,
               ys_ref):
    f = pl.program_id(0)
    b = pl.program_id(1)
    rows = pl.ds(b * BLK, BLK)
    g = gate_ref[rows, :]
    h = jnp.dot(xg_ref[rows, :], w1_ref[0],
                preferred_element_type=jnp.float32)
    h = jnp.maximum(h + b1_ref[0], 0.0) * g
    part = jnp.dot(h, w2_ref[0], preferred_element_type=jnp.float32)

    @pl.when(f == 0)
    def _init():
        ys_ref[rows, :] = g * b2_ref[0] + part

    @pl.when(f != 0)
    def _acc():
        ys_ref[rows, :] += part


def _grouped_ffn(be, xg, gates_m, W1, b1, W2, b2):
    grid_spec = pltpu.PrefetchScalarGridSpec(
        num_scalar_prefetch=1,
        grid=(NFB, NB),
        in_specs=[
            pl.BlockSpec((M, D), lambda f, b, be: (0, 0)),
            pl.BlockSpec((M, 1), lambda f, b, be: (0, 0)),
            pl.BlockSpec((1, D, FB), lambda f, b, be: (be[b], 0, f)),
            pl.BlockSpec((1, 1, FB), lambda f, b, be: (be[b], 0, f)),
            pl.BlockSpec((1, FB, D), lambda f, b, be: (be[b], f, 0)),
            pl.BlockSpec((1, 1, D), lambda f, b, be: (be[b], 0, 0)),
        ],
        out_specs=pl.BlockSpec((M, D), lambda f, b, be: (0, 0)),
    )
    return pl.pallas_call(
        _gffn_body,
        grid_spec=grid_spec,
        out_shape=jax.ShapeDtypeStruct((M, D), jnp.float32),
    )(be, xg, gates_m, W1, b1.reshape(E, 1, DFF), W2, b2.reshape(E, 1, D))



def _sumv_body(yg_ref, wv_ref, bv_ref, ffn_ref, v_ref):
    ffn = yg_ref[0] + yg_ref[1]
    ffn_ref[...] = ffn
    v = jnp.dot(ffn, wv_ref[...], preferred_element_type=jnp.float32)
    v_ref[...] = jnp.clip(v + bv_ref[0, 0], -V_MAX, V_MAX)


def _sumv(yg2, Wv, bv):
    return pl.pallas_call(
        _sumv_body,
        grid=(1,),
        in_specs=[
            pl.BlockSpec((2, N, D), lambda i: (0, 0, 0)),
            pl.BlockSpec((D, 1), lambda i: (0, 0)),
            pl.BlockSpec(memory_space=pltpu.SMEM),
        ],
        out_specs=[
            pl.BlockSpec((N, D), lambda i: (0, 0)),
            pl.BlockSpec((N, 1), lambda i: (0, 0)),
        ],
        out_shape=[
            jax.ShapeDtypeStruct((N, D), jnp.float32),
            jax.ShapeDtypeStruct((N, 1), jnp.float32),
        ],
    )(yg2, Wv, bv.reshape(1, 1))



def _directional_scan(dr, mat_ref, start_ref, out_re_ref, out_im_ref):
    one = jnp.ones((NCH, 1), jnp.float32)
    zero = jnp.zeros((NCH, 1), jnp.float32)
    m00r, m00i = one, zero
    m01r, m01i = zero, zero
    m10r, m10i = zero, zero
    m11r, m11i = one, zero
    for j in range(CH):
        dj = dr[:, j:j + 1]
        n10r = dj * m10r - m10i - m00r
        n10i = dj * m10i + m10r - m00i
        n11r = dj * m11r - m11i - m01r
        n11i = dj * m11i + m11r - m01i
        m00r, m00i = m10r, m10i
        m01r, m01i = m11r, m11i
        m10r, m10i = n10r, n10i
        m11r, m11i = n11r, n11i
    mat_ref[:, 0:1] = m00r
    mat_ref[:, 1:2] = m00i
    mat_ref[:, 2:3] = m01r
    mat_ref[:, 3:4] = m01i
    mat_ref[:, 4:5] = m10r
    mat_ref[:, 5:6] = m10i
    mat_ref[:, 6:7] = m11r
    mat_ref[:, 7:8] = m11i

    def boundary(c, carry):
        are, aim = carry
        start_ref[pl.ds(c, 1), :] = jnp.concatenate([are, aim], axis=1)
        row = mat_ref[pl.ds(c, 1), :]
        numr = row[:, 0:1] * are - row[:, 1:2] * aim + row[:, 2:3]
        numi = row[:, 0:1] * aim + row[:, 1:2] * are + row[:, 3:4]
        denr = row[:, 4:5] * are - row[:, 5:6] * aim + row[:, 6:7]
        deni = row[:, 4:5] * aim + row[:, 5:6] * are + row[:, 7:8]
        nrm = denr * denr + deni * deni
        return ((numr * denr + numi * deni) / nrm,
                (numi * denr - numr * deni) / nrm)

    z11 = jnp.zeros((1, 1), jnp.float32)
    jax.lax.fori_loop(0, NCH, boundary, (z11, z11))

    are = start_ref[:, 0:1]
    aim = start_ref[:, 1:2]
    for j in range(CH):
        out_re_ref[:, j:j + 1] = are
        out_im_ref[:, j:j + 1] = aim
        x = dr[:, j:j + 1] - are
        y = 1.0 - aim
        nrm = x * x + y * y
        are = x / nrm
        aim = -y / nrm


def _scan_body(v_ref, vrev_ref, are_ref, aim_ref, bre_ref, bim_ref,
               mat_ref, start_ref):
    _directional_scan(2.0 - v_ref[...], mat_ref, start_ref, are_ref, aim_ref)
    _directional_scan(2.0 - vrev_ref[...], mat_ref, start_ref,
                      bre_ref, bim_ref)


def _bk_scan(v16, v16rev):
    return pl.pallas_call(
        _scan_body,
        grid=(1,),
        in_specs=[
            pl.BlockSpec((NCH, CH), lambda i: (0, 0)),
            pl.BlockSpec((NCH, CH), lambda i: (0, 0)),
        ],
        out_specs=[pl.BlockSpec((NCH, CH), lambda i: (0, 0))] * 4,
        out_shape=[jax.ShapeDtypeStruct((NCH, CH), jnp.float32)] * 4,
        scratch_shapes=[
            pltpu.VMEM((NCH, 8), jnp.float32),
            pltpu.VMEM((NCH, 2), jnp.float32),
        ],
    )(v16, v16rev)



def _combine_body(ffn_ref, v_ref, are_ref, aim_ref, rre_ref, rim_ref,
                  wo_ref, bo_ref, sc_ref, out_ref):
    x = (2.0 - v_ref[...]) - are_ref[...] - rre_ref[...]
    y = 1.0 - aim_ref[...] - rim_ref[...]
    nrm = x * x + y * y
    gre = jnp.clip(x / nrm, -FEAT_CLAMP, FEAT_CLAMP)
    gim = jnp.clip(-y / nrm, -FEAT_CLAMP, FEAT_CLAMP)
    spec = gre * wo_ref[0:1, :] + gim * wo_ref[1:2, :] + bo_ref[...]
    out_ref[...] = ffn_ref[...] + sc_ref[0, 0] * spec


def _combine(ffn, v2, are, aim, rre, rim, Wo, bo, bk_scale):
    return pl.pallas_call(
        _combine_body,
        grid=(1,),
        in_specs=[
            pl.BlockSpec((N, D), lambda i: (0, 0)),
            pl.BlockSpec((N, 1), lambda i: (0, 0)),
            pl.BlockSpec((N, 1), lambda i: (0, 0)),
            pl.BlockSpec((N, 1), lambda i: (0, 0)),
            pl.BlockSpec((N, 1), lambda i: (0, 0)),
            pl.BlockSpec((N, 1), lambda i: (0, 0)),
            pl.BlockSpec((2, D), lambda i: (0, 0)),
            pl.BlockSpec((1, D), lambda i: (0, 0)),
            pl.BlockSpec(memory_space=pltpu.SMEM),
        ],
        out_specs=pl.BlockSpec((N, D), lambda i: (0, 0)),
        out_shape=jax.ShapeDtypeStruct((N, D), jnp.float32),
    )(ffn, v2, are, aim, rre, rim, Wo, bo.reshape(1, D),
      bk_scale.reshape(1, 1))



def _dispatch_meta(i12, g12):
    eflat = i12.reshape(NK)
    gflat = g12.reshape(NK)
    oh = (eflat[:, None] == jnp.arange(E, dtype=jnp.int32)[None, :])
    oh = oh.astype(jnp.int32)
    csum = jnp.cumsum(oh, axis=0)
    rank = jnp.sum(oh * (csum - 1), axis=1)
    counts = csum[-1]
    padded = ((counts + BLK - 1) // BLK) * BLK
    pstart = jnp.concatenate(
        [jnp.zeros((1,), jnp.int32), jnp.cumsum(padded)])[:E]
    pos = pstart[eflat] + rank
    tok = jnp.arange(NK, dtype=jnp.int32) // K
    packed = jnp.stack([tok.astype(jnp.float32), gflat], axis=1)
    dst = jnp.zeros((M, 2), jnp.float32).at[pos].set(
        packed, unique_indices=True, mode="drop")
    tok_ids = dst[:, 0].astype(jnp.int32)
    gates_m = dst[:, 1]
    bstart = pstart // BLK
    be = jnp.sum(jnp.arange(NB, dtype=jnp.int32)[:, None] >= bstart[None, :],
                 axis=1).astype(jnp.int32) - 1
    pos_t = pos.reshape(N, K).T.reshape(NK)
    return tok_ids, gates_m, be, pos_t


def kernel(x, Wr, br, W1, b1, W2, b2, Wv, bv, Wo, bo, bk_scale):
    x2 = x.reshape(N, D)
    i12, g12 = _router(x2, Wr, br)
    tok_ids, gates_m, be, pos_t = _dispatch_meta(i12, g12)
    xg = _sc_gather(x2, tok_ids)
    ys = _grouped_ffn(be, xg, gates_m.reshape(M, 1), W1, b1, W2, b2)
    yg = _sc_gather(ys, pos_t)
    ffn, v2 = _sumv(yg.reshape(2, N, D), Wv, bv)
    v16 = v2.reshape(NCH, CH)
    v16rev = v16[::-1, ::-1]
    are, aim, bre, bim = _bk_scan(v16, v16rev)
    rre = bre[::-1, ::-1].reshape(N, 1)
    rim = bim[::-1, ::-1].reshape(N, 1)
    out = _combine(ffn, v2, are.reshape(N, 1), aim.reshape(N, 1),
                   rre, rim, Wo, bo, bk_scale)
    return out.reshape(x.shape)

# --- scband reference (transcript-rebuilt; emitter-appended) ---
"""Pipeline reference for scband-mo-eres-net-bklayer-9002251452583 (READ-ONLY COPY).

The authoritative reference and input builder live on the scoring server;
editing this copy changes nothing except your own understanding.
"""

import jax, jax.numpy as jnp
import numpy as np

B, N, D, E, DFF, TOP_K = 1, 2048, 768, 8, 3072, 2
V_MAX = 3.0
FEAT_CLAMP = 10.0


def setup_inputs(seed: int = 0) -> dict:
    key = jax.random.key(seed)
    ks = jax.random.split(key, 8)
    inp = {
        "x": jax.random.normal(ks[0], (B, N, D), dtype=jnp.float32),
        "Wr": jax.random.normal(ks[1], (D, E), dtype=jnp.float32) * 0.02,
        "br": jnp.zeros((E,), jnp.float32),
        "W1": jax.random.normal(ks[2], (E, D, DFF), dtype=jnp.float32) * 0.02,
        "b1": jnp.zeros((E, DFF), jnp.float32),
        "W2": jax.random.normal(ks[3], (E, DFF, D), dtype=jnp.float32) * 0.02,
        "b2": jnp.zeros((E, D), jnp.float32),
        "Wv": jax.random.normal(ks[4], (D, 1), dtype=jnp.float32) * 0.02,
        "bv": jnp.zeros((1,), jnp.float32),
        "Wo": jax.random.normal(ks[5], (2, D), dtype=jnp.float32) * 0.02,
        "bo": jnp.zeros((D,), jnp.float32),
        "bk_scale": jnp.float32(1.0),
    }
    return inp


def _moe_ffn(x, Wr, br, W1, b1, W2, b2):
    # Sparse MoE layer (eval mode -> dropout is identity).
    logits = jnp.einsum('bnd,de->bne', x, Wr) + br          # (B,N,E)
    topv, topi = jax.lax.top_k(logits, TOP_K)               # (B,N,k)
    gates = jax.nn.softmax(topv, axis=-1)                   # (B,N,k)
    onehot = jax.nn.one_hot(topi, E, dtype=x.dtype)         # (B,N,k,E)
    w_e = jnp.sum(gates[..., None] * onehot, axis=-2)       # (B,N,E) combine weights
    h = jnp.einsum('bnd,edf->benf', x, W1) + b1[None, :, None, :]
    h = jax.nn.relu(h)
    y = jnp.einsum('benf,efd->bend', h, W2) + b2[None, :, None, :]  # (B,E,N,D)
    out = jnp.sum(jnp.transpose(w_e, (0, 2, 1))[..., None] * y, axis=1)  # (B,N,D)
    return out


def _bk_core(he_diag, h0_super, h0_sub, z):
    # Diagonal of the resolvent G = diag((z*I - H)^{-1}) of the tridiagonal
    # Hamiltonian H (diag he_diag, sub/super off-diagonals), via the stable
    # two-sided continued-fraction recursion.
    Bb, Nn = he_diag.shape
    d = z - he_diag.astype(jnp.complex64)                    # (B,N)
    w = (h0_sub * h0_super).astype(jnp.complex64)            # (B,N-1)

    def left_step(a, inp):
        d_prev, w_prev = inp
        a_new = w_prev / (d_prev - a)
        return a_new, a_new

    a0 = jnp.zeros((Bb,), jnp.complex64)
    _, a_rest = jax.lax.scan(left_step, a0, (d[:, :-1].T, w.T))
    a = jnp.concatenate([jnp.zeros((1, Bb), jnp.complex64), a_rest], axis=0).T  # (B,N)

    def right_step(r, inp):
        d_next, w_i = inp
        r_new = w_i / (d_next - r)
        return r_new, r_new

    r0 = jnp.zeros((Bb,), jnp.complex64)
    _, r_rev = jax.lax.scan(right_step, r0, (d[:, 1:][:, ::-1].T, w[:, ::-1].T))
    r = jnp.concatenate([r_rev[::-1], jnp.zeros((1, Bb), jnp.complex64)], axis=0).T  # (B,N)

    G = 1.0 / (d - a - r)
    feats = jnp.stack([jnp.real(G), jnp.imag(G)], axis=-1)   # (B,N,2)
    return feats.astype(jnp.float32)


def reference(x, Wr, br, W1, b1, W2, b2, Wv, bv, Wo, bo, bk_scale):
    Bb, Nn, Dd = x.shape
    ffn_out = _moe_ffn(x, Wr, br, W1, b1, W2, b2)
    v = jnp.einsum('bnd,do->bno', ffn_out, Wv)[..., 0] + bv[0]   # (B,N)
    v = jnp.clip(v, -V_MAX, V_MAX)
    he_diag = jnp.full((Bb, Nn), -2.0, jnp.float32) + v
    h0_sub = jnp.ones((Bb, Nn - 1), jnp.float32)
    h0_super = jnp.ones((Bb, Nn - 1), jnp.float32)
    z = jnp.complex64(1j)
    feats = _bk_core(he_diag, h0_super, h0_sub, z)
    feats = jnp.clip(feats, -FEAT_CLAMP, FEAT_CLAMP)
    spec_out = jnp.einsum('bnk,kd->bnd', feats, Wo) + bo
    return ffn_out + bk_scale * spec_out

if __name__ == "__main__":
    import jax
    _d = setup_inputs()
    print(jax.jit(kernel)(*tuple(_d.values())))

</pallas_src>

<mosaic_0001>
#map = affine_map<(d0, d1) -> (0, 0)>
#map1 = affine_map<(d0, d1) -> (0)>
module attributes {stable_mosaic.version = 14 : i64} {
  func.func @k(%arg0: i32, %arg1: i32, %arg2: memref<5120x768xf32, #tpu.memory_space<hbm>>, %arg3: memref<4096xi32, #tpu.memory_space<hbm>>, %arg4: memref<4096x768xf32, #tpu.memory_space<hbm>>, %arg5: memref<128xi32, #tpu.memory_space<vmem>>, %arg6: memref<128x768xf32, #tpu.memory_space<vmem>>, %arg7: memref<!tpu.dma_semaphore, #tpu.memory_space<semaphore_mem>>) attributes {dimension_semantics = [#tpu.dimension_semantics<core_parallel>, #tpu.dimension_semantics<subcore_parallel>], iteration_bounds = array<i64: 2, 16>, scalar_prefetch = 0 : i64, scratch_operands = 3 : i64, tpu.core_type = #tpu.core_type<sc_vector_subcore>, window_params = [{transform_indices = #map}, {transform_indices = #map1}, {transform_indices = #map}]} {
    %mul3A = arith.constant 2 : i32
    %mul3A_0 = arith.muli %arg1, %mul3A : i32
    %add3A = arith.addi %mul3A_0, %arg0 : i32
    %mul3A_1 = arith.constant 128 : i32
    %mul3A_2 = arith.muli %add3A, %mul3A_1 : i32
    "tpu.region"() ({
      %run_scoped3A = tpu.sem_alloc : memref<!tpu.dma_semaphore, #tpu.memory_space<semaphore_mem>>
      %dma_start3A_7 = tpu.memref_slice %arg3[%mul3A_2] : memref<4096xi32, #tpu.memory_space<hbm>> -> memref<128xi32, #tpu.memory_space<hbm>>
      %dma_start3A_8 = tpu.memref_slice %arg3[%mul3A_2] : memref<4096xi32, #tpu.memory_space<hbm>> -> memref<128xi32, #tpu.memory_space<hbm>>
      tpu.enqueue_dma source(%dma_start3A_8 : memref<128xi32, #tpu.memory_space<hbm>>) target(%arg5 : memref<128xi32, #tpu.memory_space<vmem>>) target_semaphore(%run_scoped3A : memref<!tpu.dma_semaphore, #tpu.memory_space<semaphore_mem>>)
      %dma_wait3A_9 = tpu.memref_slice %arg3[%mul3A_2] : memref<4096xi32, #tpu.memory_space<hbm>> -> memref<128xi32, #tpu.memory_space<hbm>>
      %dma_wait3A_10 = tpu.memref_slice %arg3[%mul3A_2] : memref<4096xi32, #tpu.memory_space<hbm>> -> memref<128xi32, #tpu.memory_space<hbm>>
      tpu.wait_dma2 semaphore(%run_scoped3A : memref<!tpu.dma_semaphore, #tpu.memory_space<semaphore_mem>>) src(%dma_wait3A_10 : memref<128xi32, #tpu.memory_space<hbm>>) dst(%arg5 : memref<128xi32, #tpu.memory_space<vmem>>)
      tpu.yield
    }) : () -> ()
    %dma_start3A = arith.constant 0 : i32
    %dma_start3A_3 = arith.constant 0 : i32
    %dma_start3A_4 = tpu.memref_slice %arg2[%dma_start3A, %dma_start3A_3] : memref<5120x768xf32, #tpu.memory_space<hbm>> -> memref<5120x768xf32, #tpu.memory_space<hbm>>
    tpu.enqueue_indirect_dma source(%dma_start3A_4 : memref<5120x768xf32, #tpu.memory_space<hbm>>) target(%arg6 : memref<128x768xf32, #tpu.memory_space<vmem>>) offsets(%arg5 : memref<128xi32, #tpu.memory_space<vmem>>) semaphore(%arg7 : memref<!tpu.dma_semaphore, #tpu.memory_space<semaphore_mem>>)
    %dma_wait3A = arith.constant 0 : i32
    %dma_wait3A_5 = arith.constant 0 : i32
    %dma_wait3A_6 = tpu.memref_slice %arg2[%dma_wait3A, %dma_wait3A_5] : memref<5120x768xf32, #tpu.memory_space<hbm>> -> memref<5120x768xf32, #tpu.memory_space<hbm>>
    tpu.wait_indirect_dma semaphore(%arg7 : memref<!tpu.dma_semaphore, #tpu.memory_space<semaphore_mem>>) src(%dma_wait3A_6 : memref<5120x768xf32, #tpu.memory_space<hbm>>) dst(%arg6 : memref<128x768xf32, #tpu.memory_space<vmem>>)
    "tpu.region"() ({
      %run_scoped3A = tpu.sem_alloc : memref<!tpu.dma_semaphore, #tpu.memory_space<semaphore_mem>>
      %dma_start3A_7 = arith.constant 0 : i32
      %dma_start3A_8 = tpu.memref_slice %arg4[%mul3A_2, %dma_start3A_7] : memref<4096x768xf32, #tpu.memory_space<hbm>> -> memref<128x768xf32, #tpu.memory_space<hbm>>
      %dma_start3A_9 = arith.constant 0 : i32
      %dma_start3A_10 = tpu.memref_slice %arg4[%mul3A_2, %dma_start3A_9] : memref<4096x768xf32, #tpu.memory_space<hbm>> -> memref<128x768xf32, #tpu.memory_space<hbm>>
      tpu.enqueue_dma source(%arg6 : memref<128x768xf32, #tpu.memory_space<vmem>>) target(%dma_start3A_10 : memref<128x768xf32, #tpu.memory_space<hbm>>) target_semaphore(%run_scoped3A : memref<!tpu.dma_semaphore, #tpu.memory_space<semaphore_mem>>)
      %dma_wait3A_11 = arith.constant 0 : i32
      %dma_wait3A_12 = tpu.memref_slice %arg4[%mul3A_2, %dma_wait3A_11] : memref<4096x768xf32, #tpu.memory_space<hbm>> -> memref<128x768xf32, #tpu.memory_space<hbm>>
      %dma_wait3A_13 = arith.constant 0 : i32
      %dma_wait3A_14 = tpu.memref_slice %arg4[%mul3A_2, %dma_wait3A_13] : memref<4096x768xf32, #tpu.memory_space<hbm>> -> memref<128x768xf32, #tpu.memory_space<hbm>>
      tpu.wait_dma2 semaphore(%run_scoped3A : memref<!tpu.dma_semaphore, #tpu.memory_space<semaphore_mem>>) src(%arg6 : memref<128x768xf32, #tpu.memory_space<vmem>>) dst(%dma_wait3A_14 : memref<128x768xf32, #tpu.memory_space<hbm>>)
      tpu.yield
    }) : () -> ()
    return
  }
}

#map = affine_map<(d0, d1) -> (0, 0)>
#map1 = affine_map<(d0, d1) -> (0)>
module attributes {stable_mosaic.version = 14 : i64} {
  func.func @k(%arg0: i32, %arg1: i32, %arg2: memref<2048x768xf32, #tpu.memory_space<hbm>>, %arg3: memref<5120xi32, #tpu.memory_space<hbm>>, %arg4: memref<5120x768xf32, #tpu.memory_space<hbm>>, %arg5: memref<160xi32, #tpu.memory_space<vmem>>, %arg6: memref<160x768xf32, #tpu.memory_space<vmem>>, %arg7: memref<!tpu.dma_semaphore, #tpu.memory_space<semaphore_mem>>) attributes {dimension_semantics = [#tpu.dimension_semantics<core_parallel>, #tpu.dimension_semantics<subcore_parallel>], iteration_bounds = array<i64: 2, 16>, scalar_prefetch = 0 : i64, scratch_operands = 3 : i64, tpu.core_type = #tpu.core_type<sc_vector_subcore>, window_params = [{transform_indices = #map}, {transform_indices = #map1}, {transform_indices = #map}]} {
    %mul3A = arith.constant 2 : i32
    %mul3A_0 = arith.muli %arg1, %mul3A : i32
    %add3A = arith.addi %mul3A_0, %arg0 : i32
    %mul3A_1 = arith.constant 160 : i32
    %mul3A_2 = arith.muli %add3A, %mul3A_1 : i32
    "tpu.region"() ({
      %run_scoped3A = tpu.sem_alloc : memref<!tpu.dma_semaphore, #tpu.memory_space<semaphore_mem>>
      %dma_start3A_7 = tpu.memref_slice %arg3[%mul3A_2] : memref<5120xi32, #tpu.memory_space<hbm>> -> memref<160xi32, #tpu.memory_space<hbm>>
      %dma_start3A_8 = tpu.memref_slice %arg3[%mul3A_2] : memref<5120xi32, #tpu.memory_space<hbm>> -> memref<160xi32, #tpu.memory_space<hbm>>
      tpu.enqueue_dma source(%dma_start3A_8 : memref<160xi32, #tpu.memory_space<hbm>>) target(%arg5 : memref<160xi32, #tpu.memory_space<vmem>>) target_semaphore(%run_scoped3A : memref<!tpu.dma_semaphore, #tpu.memory_space<semaphore_mem>>)
      %dma_wait3A_9 = tpu.memref_slice %arg3[%mul3A_2] : memref<5120xi32, #tpu.memory_space<hbm>> -> memref<160xi32, #tpu.memory_space<hbm>>
      %dma_wait3A_10 = tpu.memref_slice %arg3[%mul3A_2] : memref<5120xi32, #tpu.memory_space<hbm>> -> memref<160xi32, #tpu.memory_space<hbm>>
      tpu.wait_dma2 semaphore(%run_scoped3A : memref<!tpu.dma_semaphore, #tpu.memory_space<semaphore_mem>>) src(%dma_wait3A_10 : memref<160xi32, #tpu.memory_space<hbm>>) dst(%arg5 : memref<160xi32, #tpu.memory_space<vmem>>)
      tpu.yield
    }) : () -> ()
    %dma_start3A = arith.constant 0 : i32
    %dma_start3A_3 = arith.constant 0 : i32
    %dma_start3A_4 = tpu.memref_slice %arg2[%dma_start3A, %dma_start3A_3] : memref<2048x768xf32, #tpu.memory_space<hbm>> -> memref<2048x768xf32, #tpu.memory_space<hbm>>
    tpu.enqueue_indirect_dma source(%dma_start3A_4 : memref<2048x768xf32, #tpu.memory_space<hbm>>) target(%arg6 : memref<160x768xf32, #tpu.memory_space<vmem>>) offsets(%arg5 : memref<160xi32, #tpu.memory_space<vmem>>) semaphore(%arg7 : memref<!tpu.dma_semaphore, #tpu.memory_space<semaphore_mem>>)
    %dma_wait3A = arith.constant 0 : i32
    %dma_wait3A_5 = arith.constant 0 : i32
    %dma_wait3A_6 = tpu.memref_slice %arg2[%dma_wait3A, %dma_wait3A_5] : memref<2048x768xf32, #tpu.memory_space<hbm>> -> memref<2048x768xf32, #tpu.memory_space<hbm>>
    tpu.wait_indirect_dma semaphore(%arg7 : memref<!tpu.dma_semaphore, #tpu.memory_space<semaphore_mem>>) src(%dma_wait3A_6 : memref<2048x768xf32, #tpu.memory_space<hbm>>) dst(%arg6 : memref<160x768xf32, #tpu.memory_space<vmem>>)
    "tpu.region"() ({
      %run_scoped3A = tpu.sem_alloc : memref<!tpu.dma_semaphore, #tpu.memory_space<semaphore_mem>>
      %dma_start3A_7 = arith.constant 0 : i32
      %dma_start3A_8 = tpu.memref_slice %arg4[%mul3A_2, %dma_start3A_7] : memref<5120x768xf32, #tpu.memory_space<hbm>> -> memref<160x768xf32, #tpu.memory_space<hbm>>
      %dma_start3A_9 = arith.constant 0 : i32
      %dma_start3A_10 = tpu.memref_slice %arg4[%mul3A_2, %dma_start3A_9] : memref<5120x768xf32, #tpu.memory_space<hbm>> -> memref<160x768xf32, #tpu.memory_space<hbm>>
      tpu.enqueue_dma source(%arg6 : memref<160x768xf32, #tpu.memory_space<vmem>>) target(%dma_start3A_10 : memref<160x768xf32, #tpu.memory_space<hbm>>) target_semaphore(%run_scoped3A : memref<!tpu.dma_semaphore, #tpu.memory_space<semaphore_mem>>)
      %dma_wait3A_11 = arith.constant 0 : i32
      %dma_wait3A_12 = tpu.memref_slice %arg4[%mul3A_2, %dma_wait3A_11] : memref<5120x768xf32, #tpu.memory_space<hbm>> -> memref<160x768xf32, #tpu.memory_space<hbm>>
      %dma_wait3A_13 = arith.constant 0 : i32
      %dma_wait3A_14 = tpu.memref_slice %arg4[%mul3A_2, %dma_wait3A_13] : memref<5120x768xf32, #tpu.memory_space<hbm>> -> memref<160x768xf32, #tpu.memory_space<hbm>>
      tpu.wait_dma2 semaphore(%run_scoped3A : memref<!tpu.dma_semaphore, #tpu.memory_space<semaphore_mem>>) src(%arg6 : memref<160x768xf32, #tpu.memory_space<vmem>>) dst(%dma_wait3A_14 : memref<160x768xf32, #tpu.memory_space<hbm>>)
      tpu.yield
    }) : () -> ()
    return
  }
}

module attributes {stable_mosaic.version = 14 : i64} {
  func.func @_router_body(%arg0: i32, %arg1: memref<2048x768xf32, #tpu.memory_space<vmem>>, %arg2: memref<768x8xf32, #tpu.memory_space<vmem>>, %arg3: memref<1x8xf32, #tpu.memory_space<vmem>>, %arg4: memref<2048x2xi32, #tpu.memory_space<vmem>>, %arg5: memref<2048x2xf32, #tpu.memory_space<vmem>>) attributes {dimension_semantics = [#tpu.dimension_semantics<arbitrary>], iteration_bounds = array<i64: 1>, scalar_prefetch = 0 : i64, scratch_operands = 0 : i64, tpu.core_type = #tpu.core_type<tc>, window_params = [{pipeline_mode = #tpu.pipeline_mode<synchronous>, transform_indices = @transform_0, window_bounds = array<i64: 2048, 768>}, {pipeline_mode = #tpu.pipeline_mode<synchronous>, transform_indices = @transform_1, window_bounds = array<i64: 768, 8>}, {pipeline_mode = #tpu.pipeline_mode<synchronous>, transform_indices = @transform_2, window_bounds = array<i64: 1, 8>}, {pipeline_mode = #tpu.pipeline_mode<synchronous>, transform_indices = @transform_3, window_bounds = array<i64: 2048, 2>}, {pipeline_mode = #tpu.pipeline_mode<synchronous>, transform_indices = @transform_4, window_bounds = array<i64: 2048, 2>}]} {
    %get3A = arith.constant 0 : index
    %get3A_0 = arith.constant 0 : index
    %get3A_1 = vector.load %arg1[%get3A, %get3A_0] : memref<2048x768xf32, #tpu.memory_space<vmem>>, vector<2048x768xf32>
    %get3A_2 = arith.constant 0 : index
    %get3A_3 = arith.constant 0 : index
    %get3A_4 = vector.load %arg2[%get3A_2, %get3A_3] : memref<768x8xf32, #tpu.memory_space<vmem>>, vector<768x8xf32>
    %dot_general3A = arith.constant dense<0.000000e+00> : vector<2048x8xf32>
    %dot_general3A_5 = tpu.matmul %get3A_1, %get3A_4, %dot_general3A {dimension_numbers = #tpu.dot_dimension_numbers<[1], [0], [0], [1], [0, 0, 1, 1], [], []>, transpose_lhs_hint = false} : vector<2048x768xf32>, vector<768x8xf32>, vector<2048x8xf32> -> vector<2048x8xf32>
    %get3A_6 = arith.constant 0 : index
    %get3A_7 = arith.constant 0 : index
    %get3A_8 = vector.load %arg3[%get3A_6, %get3A_7] : memref<1x8xf32, #tpu.memory_space<vmem>>, vector<1x8xf32>
    %add3A = vector.broadcast %get3A_8 : vector<1x8xf32> to vector<2048x8xf32>
    %add3A_9 = arith.addf %dot_general3A_5, %add3A : vector<2048x8xf32>
    %iota3A = tpu.iota {dimensions = array<i32: 1>} : vector<2048x8xi32>
    %reduce_max3A = arith.constant dense<0xFF800000> : vector<2048xf32>
    %reduce_max3A_10 = vector.multi_reduction <maximumf>, %add3A_9, %reduce_max3A [1] : vector<2048x8xf32> to vector<2048xf32>
    %broadcast_in_dim3A = vector.shape_cast %reduce_max3A_10 : vector<2048xf32> to vector<2048x1xf32>
    %eq3A = vector.broadcast %broadcast_in_dim3A : vector<2048x1xf32> to vector<2048x8xf32>
    %eq3A_11 = arith.cmpf oeq, %add3A_9, %eq3A : vector<2048x8xf32>
    %jit3A = arith.constant 8 : i32
    %broadcast_in_dim3A_12 = vector.broadcast %jit3A : i32 to vector<2048x8xi32>
    %select_n3A = arith.select %eq3A_11, %iota3A, %broadcast_in_dim3A_12 : vector<2048x8xi1>, vector<2048x8xi32>
    %reduce_min3A = arith.constant dense<2147483647> : vector<2048xi32>
    %reduce_min3A_13 = vector.multi_reduction <minsi>, %select_n3A, %reduce_min3A [1] : vector<2048x8xi32> to vector<2048xi32>
    %broadcast_in_dim3A_14 = vector.shape_cast %reduce_min3A_13 : vector<2048xi32> to vector<2048x1xi32>
    %eq3A_15 = vector.broadcast %broadcast_in_dim3A_14 : vector<2048x1xi32> to vector<2048x8xi32>
    %eq3A_16 = arith.cmpi eq, %iota3A, %eq3A_15 : vector<2048x8xi32>
    %jit3A_17 = arith.constant -1.000000e+30 : f32
    %broadcast_in_dim3A_18 = vector.broadcast %jit3A_17 : f32 to vector<2048x8xf32>
    %select_n3A_19 = arith.select %eq3A_16, %broadcast_in_dim3A_18, %add3A_9 : vector<2048x8xi1>, vector<2048x8xf32>
    %reduce_max3A_20 = arith.constant dense<0xFF800000> : vector<2048xf32>
    %reduce_max3A_21 = vector.multi_reduction <maximumf>, %select_n3A_19, %reduce_max3A_20 [1] : vector<2048x8xf32> to vector<2048xf32>
    %broadcast_in_dim3A_22 = vector.shape_cast %reduce_max3A_21 : vector<2048xf32> to vector<2048x1xf32>
    %eq3A_23 = vector.broadcast %broadcast_in_dim3A_22 : vector<2048x1xf32> to vector<2048x8xf32>
    %eq3A_24 = arith.cmpf oeq, %select_n3A_19, %eq3A_23 : vector<2048x8xf32>
    %jit3A_25 = arith.constant 8 : i32
    %broadcast_in_dim3A_26 = vector.broadcast %jit3A_25 : i32 to vector<2048x8xi32>
    %select_n3A_27 = arith.select %eq3A_24, %iota3A, %broadcast_in_dim3A_26 : vector<2048x8xi1>, vector<2048x8xi32>
    %reduce_min3A_28 = arith.constant dense<2147483647> : vector<2048xi32>
    %reduce_min3A_29 = vector.multi_reduction <minsi>, %select_n3A_27, %reduce_min3A_28 [1] : vector<2048x8xi32> to vector<2048xi32>
    %broadcast_in_dim3A_30 = vector.shape_cast %reduce_min3A_29 : vector<2048xi32> to vector<2048x1xi32>
    %sub3A = arith.subf %broadcast_in_dim3A_22, %broadcast_in_dim3A : vector<2048x1xf32>
    %exp3A = math.exp %sub3A : vector<2048x1xf32>
    %add3A_31 = arith.constant 1.000000e+00 : f32
    %add3A_32 = vector.broadcast %add3A_31 : f32 to vector<2048x1xf32>
    %add3A_33 = arith.addf %add3A_32, %exp3A : vector<2048x1xf32>
    %concatenate3A = tpu.concatenate %broadcast_in_dim3A_14, %broadcast_in_dim3A_30 in 1 : vector<2048x1xi32>, vector<2048x1xi32> -> vector<2048x2xi32>
    %swap3A = arith.constant 0 : index
    %swap3A_34 = arith.constant 0 : index
    %swap3A_35 = vector.load %arg4[%swap3A, %swap3A_34] : memref<2048x2xi32, #tpu.memory_space<vmem>>, vector<2048x2xi32>
    tpu.vector_store %arg4[%swap3A, %swap3A_34], %concatenate3A {strides = array<i32>} : memref<2048x2xi32, #tpu.memory_space<vmem>>, vector<2048x2xi32>,
    %div3A = arith.constant 1.000000e+00 : f32
    %div3A_36 = vector.broadcast %div3A : f32 to vector<2048x1xf32>
    %div3A_37 = arith.divf %div3A_36, %add3A_33 : vector<2048x1xf32>
    %div3A_38 = arith.divf %exp3A, %add3A_33 : vector<2048x1xf32>
    %concatenate3A_39 = tpu.concatenate %div3A_37, %div3A_38 in 1 : vector<2048x1xf32>, vector<2048x1xf32> -> vector<2048x2xf32>
    %swap3A_40 = arith.constant 0 : index
    %swap3A_41 = arith.constant 0 : index
    %swap3A_42 = vector.load %arg5[%swap3A_40, %swap3A_41] : memref<2048x2xf32, #tpu.memory_space<vmem>>, vector<2048x2xf32>
    tpu.vector_store %arg5[%swap3A_40, %swap3A_41], %concatenate3A_39 {strides = array<i32>} : memref<2048x2xf32, #tpu.memory_space<vmem>>, vector<2048x2xf32>,
    return
  }
  func.func @transform_0(%arg0: i32) -> (i32, i32) {
    %c0_i32 = arith.constant 0 : i32
    %c0_i32_0 = arith.constant 0 : i32
    %c0_i32_1 = arith.constant 0 : i32
    return %c0_i32, %c0_i32_0 : i32, i32
  }
  func.func @transform_1(%arg0: i32) -> (i32, i32) {
    %c0_i32 = arith.constant 0 : i32
    %c0_i32_0 = arith.constant 0 : i32
    %c0_i32_1 = arith.constant 0 : i32
    return %c0_i32, %c0_i32_0 : i32, i32
  }
  func.func @transform_2(%arg0: i32) -> (i32, i32) {
    %c0_i32 = arith.constant 0 : i32
    %c0_i32_0 = arith.constant 0 : i32
    %c0_i32_1 = arith.constant 0 : i32
    return %c0_i32, %c0_i32_0 : i32, i32
  }
  func.func @transform_3(%arg0: i32) -> (i32, i32) {
    %c0_i32 = arith.constant 0 : i32
    %c0_i32_0 = arith.constant 0 : i32
    %c0_i32_1 = arith.constant 0 : i32
    return %c0_i32, %c0_i32_0 : i32, i32
  }
  func.func @transform_4(%arg0: i32) -> (i32, i32) {
    %c0_i32 = arith.constant 0 : i32
    %c0_i32_0 = arith.constant 0 : i32
    %c0_i32_1 = arith.constant 0 : i32
    return %c0_i32, %c0_i32_0 : i32, i32
  }
}

module attributes {stable_mosaic.version = 14 : i64} {
  func.func @_gffn_body(%arg0: i32, %arg1: i32, %arg2: memref<40xi32, #tpu.memory_space<smem>>, %arg3: memref<5120x768xf32, #tpu.memory_space<vmem>>, %arg4: memref<5120x1xf32, #tpu.memory_space<vmem>>, %arg5: memref<1x768x512xf32, #tpu.memory_space<vmem>>, %arg6: memref<1x1x512xf32, #tpu.memory_space<vmem>>, %arg7: memref<1x512x768xf32, #tpu.memory_space<vmem>>, %arg8: memref<1x1x768xf32, #tpu.memory_space<vmem>>, %arg9: memref<5120x768xf32, #tpu.memory_space<vmem>>) attributes {dimension_semantics = [#tpu.dimension_semantics<arbitrary>, #tpu.dimension_semantics<arbitrary>], iteration_bounds = array<i64: 6, 40>, scalar_prefetch = 1 : i64, scratch_operands = 0 : i64, tpu.core_type = #tpu.core_type<tc>, window_params = [{pipeline_mode = #tpu.pipeline_mode<synchronous>, transform_indices = @transform_0, window_bounds = array<i64: 5120, 768>}, {pipeline_mode = #tpu.pipeline_mode<synchronous>, transform_indices = @transform_1, window_bounds = array<i64: 5120, 1>}, {transform_indices = @transform_2, window_bounds = array<i64: 1, 768, 512>}, {transform_indices = @transform_3, window_bounds = array<i64: 1, 1, 512>}, {transform_indices = @transform_4, window_bounds = array<i64: 1, 512, 768>}, {transform_indices = @transform_5, window_bounds = array<i64: 1, 1, 768>}, {pipeline_mode = #tpu.pipeline_mode<synchronous>, transform_indices = @transform_6, window_bounds = array<i64: 5120, 768>}]} {
    %mul3A = arith.constant 128 : i32
    %mul3A_0 = arith.muli %arg1, %mul3A : i32
    %get3A = arith.index_cast %mul3A_0 : i32 to index
    %get3A_1 = arith.constant 0 : index
    %get3A_2 = vector.load %arg4[%get3A, %get3A_1] : memref<5120x1xf32, #tpu.memory_space<vmem>>, vector<128x1xf32>
    %get3A_3 = arith.index_cast %mul3A_0 : i32 to index
    %get3A_4 = arith.constant 0 : index
    %get3A_5 = vector.load %arg3[%get3A_3, %get3A_4] : memref<5120x768xf32, #tpu.memory_space<vmem>>, vector<128x768xf32>
    %get3A_6 = arith.constant 0 : index
    %get3A_7 = arith.constant 0 : index
    %get3A_8 = arith.constant 0 : index
    %get3A_9 = vector.load %arg5[%get3A_6, %get3A_7, %get3A_8] : memref<1x768x512xf32, #tpu.memory_space<vmem>>, vector<1x768x512xf32>
    %get3A_10 = vector.shape_cast %get3A_9 : vector<1x768x512xf32> to vector<768x512xf32>
    %dot_general3A = arith.constant dense<0.000000e+00> : vector<128x512xf32>
    %dot_general3A_11 = tpu.matmul %get3A_5, %get3A_10, %dot_general3A {dimension_numbers = #tpu.dot_dimension_numbers<[1], [0], [0], [1], [0, 0, 1, 1], [], []>, transpose_lhs_hint = false} : vector<128x768xf32>, vector<768x512xf32>, vector<128x512xf32> -> vector<128x512xf32>
    %get3A_12 = arith.constant 0 : index
    %get3A_13 = arith.constant 0 : index
    %get3A_14 = arith.constant 0 : index
    %get3A_15 = vector.load %arg6[%get3A_12, %get3A_13, %get3A_14] : memref<1x1x512xf32, #tpu.memory_space<vmem>>, vector<1x1x512xf32>
    %get3A_16 = vector.shape_cast %get3A_15 : vector<1x1x512xf32> to vector<1x512xf32>
    %add3A = vector.broadcast %get3A_16 : vector<1x512xf32> to vector<128x512xf32>
    %add3A_17 = arith.addf %dot_general3A_11, %add3A : vector<128x512xf32>
    %max3A = arith.constant 0.000000e+00 : f32
    %max3A_18 = vector.broadcast %max3A : f32 to vector<128x512xf32>
    %max3A_19 = arith.maximumf %add3A_17, %max3A_18 : vector<128x512xf32>
    %mul3A_20 = vector.broadcast %get3A_2 : vector<128x1xf32> to vector<128x512xf32>
    %mul3A_21 = arith.mulf %max3A_19, %mul3A_20 : vector<128x512xf32>
    %get3A_22 = arith.constant 0 : index
    %get3A_23 = arith.constant 0 : index
    %get3A_24 = arith.constant 0 : index
    %get3A_25 = vector.load %arg7[%get3A_22, %get3A_23, %get3A_24] : memref<1x512x768xf32, #tpu.memory_space<vmem>>, vector<1x512x768xf32>
    %get3A_26 = vector.shape_cast %get3A_25 : vector<1x512x768xf32> to vector<512x768xf32>
    %dot_general3A_27 = arith.constant dense<0.000000e+00> : vector<128x768xf32>
    %dot_general3A_28 = tpu.matmul %mul3A_21, %get3A_26, %dot_general3A_27 {dimension_numbers = #tpu.dot_dimension_numbers<[1], [0], [0], [1], [0, 0, 1, 1], [], []>, transpose_lhs_hint = false} : vector<128x512xf32>, vector<512x768xf32>, vector<128x768xf32> -> vector<128x768xf32>
    %eq3A = arith.constant 0 : i32
    %eq3A_29 = arith.cmpi eq, %arg0, %eq3A : i32
    %convert_element_type3A = arith.extui %eq3A_29 : i1 to i32
    %cond3A = arith.constant 0 : i32
    %cond3A_30 = arith.cmpi ne, %convert_element_type3A, %cond3A : i32
    scf.if %cond3A_30 {
      %get3A_35 = arith.constant 0 : index
      %get3A_36 = arith.constant 0 : index
      %get3A_37 = arith.constant 0 : index
      %get3A_38 = vector.load %arg8[%get3A_35, %get3A_36, %get3A_37] : memref<1x1x768xf32, #tpu.memory_space<vmem>>, vector<1x1x768xf32>
      %get3A_39 = vector.shape_cast %get3A_38 : vector<1x1x768xf32> to vector<1x768xf32>
      %mul3A_40 = vector.broadcast %get3A_2 : vector<128x1xf32> to vector<128x768xf32>
      %mul3A_41 = vector.broadcast %get3A_39 : vector<1x768xf32> to vector<128x768xf32>
      %mul3A_42 = arith.mulf %mul3A_40, %mul3A_41 : vector<128x768xf32>
      %add3A_43 = arith.addf %mul3A_42, %dot_general3A_28 : vector<128x768xf32>
      %swap3A = arith.index_cast %mul3A_0 : i32 to index
      %swap3A_44 = arith.constant 0 : index
      %swap3A_45 = vector.load %arg9[%swap3A, %swap3A_44] : memref<5120x768xf32, #tpu.memory_space<vmem>>, vector<128x768xf32>
      tpu.vector_store %arg9[%swap3A, %swap3A_44], %add3A_43 {strides = array<i32>} : memref<5120x768xf32, #tpu.memory_space<vmem>>, vector<128x768xf32>,
    } else {
    }
    %ne3A = arith.constant 0 : i32
    %ne3A_31 = arith.cmpi ne, %arg0, %ne3A : i32
    %convert_element_type3A_32 = arith.extui %ne3A_31 : i1 to i32
    %cond3A_33 = arith.constant 0 : i32
    %cond3A_34 = arith.cmpi ne, %convert_element_type3A_32, %cond3A_33 : i32
    scf.if %cond3A_34 {
      %get3A_35 = arith.index_cast %mul3A_0 : i32 to index
      %get3A_36 = arith.constant 0 : index
      %get3A_37 = vector.load %arg9[%get3A_35, %get3A_36] : memref<5120x768xf32, #tpu.memory_space<vmem>>, vector<128x768xf32>
      %add3A_38 = arith.addf %get3A_37, %dot_general3A_28 : vector<128x768xf32>
      %swap3A = arith.index_cast %mul3A_0 : i32 to index
      %swap3A_39 = arith.constant 0 : index
      %swap3A_40 = vector.load %arg9[%swap3A, %swap3A_39] : memref<5120x768xf32, #tpu.memory_space<vmem>>, vector<128x768xf32>
      tpu.vector_store %arg9[%swap3A, %swap3A_39], %add3A_38 {strides = array<i32>} : memref<5120x768xf32, #tpu.memory_space<vmem>>, vector<128x768xf32>,
    } else {
    }
    return
  }
  func.func @transform_0(%arg0: i32, %arg1: i32, %arg2: memref<40xi32, #tpu.memory_space<smem>>) -> (i32, i32) {
    %c0_i32 = arith.constant 0 : i32
    %c0_i32_0 = arith.constant 0 : i32
    %c0_i32_1 = arith.constant 0 : i32
    return %c0_i32, %c0_i32_0 : i32, i32
  }
  func.func @transform_1(%arg0: i32, %arg1: i32, %arg2: memref<40xi32, #tpu.memory_space<smem>>) -> (i32, i32) {
    %c0_i32 = arith.constant 0 : i32
    %c0_i32_0 = arith.constant 0 : i32
    %c0_i32_1 = arith.constant 0 : i32
    return %c0_i32, %c0_i32_0 : i32, i32
  }
  func.func @transform_2(%arg0: i32, %arg1: i32, %arg2: memref<40xi32, #tpu.memory_space<smem>>) -> (i32, i32, i32) {
    %get3A = arith.index_cast %arg1 : i32 to index
    %get3A_0 = memref.load %arg2[%get3A] : memref<40xi32, #tpu.memory_space<smem>>
    %c0_i32 = arith.constant 0 : i32
    %c0_i32_1 = arith.constant 0 : i32
    return %get3A_0, %c0_i32, %arg0 : i32, i32, i32
  }
  func.func @transform_3(%arg0: i32, %arg1: i32, %arg2: memref<40xi32, #tpu.memory_space<smem>>) -> (i32, i32, i32) {
    %get3A = arith.index_cast %arg1 : i32 to index
    %get3A_0 = memref.load %arg2[%get3A] : memref<40xi32, #tpu.memory_space<smem>>
    %c0_i32 = arith.constant 0 : i32
    %c0_i32_1 = arith.constant 0 : i32
    return %get3A_0, %c0_i32, %arg0 : i32, i32, i32
  }
  func.func @transform_4(%arg0: i32, %arg1: i32, %arg2: memref<40xi32, #tpu.memory_space<smem>>) -> (i32, i32, i32) {
    %get3A = arith.index_cast %arg1 : i32 to index
    %get3A_0 = memref.load %arg2[%get3A] : memref<40xi32, #tpu.memory_space<smem>>
    %c0_i32 = arith.constant 0 : i32
    %c0_i32_1 = arith.constant 0 : i32
    return %get3A_0, %arg0, %c0_i32 : i32, i32, i32
  }
  func.func @transform_5(%arg0: i32, %arg1: i32, %arg2: memref<40xi32, #tpu.memory_space<smem>>) -> (i32, i32, i32) {
    %get3A = arith.index_cast %arg1 : i32 to index
    %get3A_0 = memref.load %arg2[%get3A] : memref<40xi32, #tpu.memory_space<smem>>
    %c0_i32 = arith.constant 0 : i32
    %c0_i32_1 = arith.constant 0 : i32
    %c0_i32_2 = arith.constant 0 : i32
    return %get3A_0, %c0_i32, %c0_i32_1 : i32, i32, i32
  }
  func.func @transform_6(%arg0: i32, %arg1: i32, %arg2: memref<40xi32, #tpu.memory_space<smem>>) -> (i32, i32) {
    %c0_i32 = arith.constant 0 : i32
    %c0_i32_0 = arith.constant 0 : i32
    %c0_i32_1 = arith.constant 0 : i32
    return %c0_i32, %c0_i32_0 : i32, i32
  }
}

module attributes {stable_mosaic.version = 14 : i64} {
  func.func @_sumv_body(%arg0: i32, %arg1: memref<2x2048x768xf32, #tpu.memory_space<vmem>>, %arg2: memref<768x1xf32, #tpu.memory_space<vmem>>, %arg3: memref<1x1xf32, #tpu.memory_space<smem>>, %arg4: memref<2048x768xf32, #tpu.memory_space<vmem>>, %arg5: memref<2048x1xf32, #tpu.memory_space<vmem>>) attributes {dimension_semantics = [#tpu.dimension_semantics<arbitrary>], iteration_bounds = array<i64: 1>, scalar_prefetch = 0 : i64, scratch_operands = 0 : i64, tpu.core_type = #tpu.core_type<tc>, window_params = [{pipeline_mode = #tpu.pipeline_mode<synchronous>, transform_indices = @transform_0, window_bounds = array<i64: 2, 2048, 768>}, {pipeline_mode = #tpu.pipeline_mode<synchronous>, transform_indices = @transform_1, window_bounds = array<i64: 768, 1>}, {transform_indices = @transform_2, window_bounds = array<i64: 1, 1>}, {pipeline_mode = #tpu.pipeline_mode<synchronous>, transform_indices = @transform_3, window_bounds = array<i64: 2048, 768>}, {pipeline_mode = #tpu.pipeline_mode<synchronous>, transform_indices = @transform_4, window_bounds = array<i64: 2048, 1>}]} {
    %get3A = arith.constant 0 : index
    %get3A_0 = arith.constant 0 : index
    %get3A_1 = arith.constant 0 : index
    %get3A_2 = vector.load %arg1[%get3A, %get3A_0, %get3A_1] : memref<2x2048x768xf32, #tpu.memory_space<vmem>>, vector<1x2048x768xf32>
    %get3A_3 = vector.shape_cast %get3A_2 : vector<1x2048x768xf32> to vector<2048x768xf32>
    %get3A_4 = arith.constant 1 : index
    %get3A_5 = arith.constant 0 : index
    %get3A_6 = arith.constant 0 : index
    %get3A_7 = vector.load %arg1[%get3A_4, %get3A_5, %get3A_6] : memref<2x2048x768xf32, #tpu.memory_space<vmem>>, vector<1x2048x768xf32>
    %get3A_8 = vector.shape_cast %get3A_7 : vector<1x2048x768xf32> to vector<2048x768xf32>
    %add3A = arith.addf %get3A_3, %get3A_8 : vector<2048x768xf32>
    %swap3A = arith.constant 0 : index
    %swap3A_9 = arith.constant 0 : index
    %swap3A_10 = vector.load %arg4[%swap3A, %swap3A_9] : memref<2048x768xf32, #tpu.memory_space<vmem>>, vector<2048x768xf32>
    tpu.vector_store %arg4[%swap3A, %swap3A_9], %add3A {strides = array<i32>} : memref<2048x768xf32, #tpu.memory_space<vmem>>, vector<2048x768xf32>,
    %get3A_11 = arith.constant 0 : index
    %get3A_12 = arith.constant 0 : index
    %get3A_13 = vector.load %arg2[%get3A_11, %get3A_12] : memref<768x1xf32, #tpu.memory_space<vmem>>, vector<768x1xf32>
    %dot_general3A = arith.constant dense<0.000000e+00> : vector<2048x1xf32>
    %dot_general3A_14 = tpu.matmul %add3A, %get3A_13, %dot_general3A {dimension_numbers = #tpu.dot_dimension_numbers<[1], [0], [0], [1], [0, 0, 1, 1], [], []>, transpose_lhs_hint = false} : vector<2048x768xf32>, vector<768x1xf32>, vector<2048x1xf32> -> vector<2048x1xf32>
    %get3A_15 = arith.constant 0 : index
    %get3A_16 = arith.constant 0 : index
    %get3A_17 = memref.load %arg3[%get3A_15, %get3A_16] : memref<1x1xf32, #tpu.memory_space<smem>>
    %add3A_18 = vector.broadcast %get3A_17 : f32 to vector<2048x1xf32>
    %add3A_19 = arith.addf %dot_general3A_14, %add3A_18 : vector<2048x1xf32>
    %jit3A = arith.constant -3.000000e+00 : f32
    %jit3A_20 = arith.constant 3.000000e+00 : f32
    %max3A = vector.broadcast %jit3A : f32 to vector<2048x1xf32>
    %max3A_21 = arith.maximumf %max3A, %add3A_19 : vector<2048x1xf32>
    %min3A = vector.broadcast %jit3A_20 : f32 to vector<2048x1xf32>
    %min3A_22 = arith.minimumf %min3A, %max3A_21 : vector<2048x1xf32>
    %swap3A_23 = arith.constant 0 : index
    %swap3A_24 = arith.constant 0 : index
    %swap3A_25 = vector.load %arg5[%swap3A_23, %swap3A_24] : memref<2048x1xf32, #tpu.memory_space<vmem>>, vector<2048x1xf32>
    tpu.vector_store %arg5[%swap3A_23, %swap3A_24], %min3A_22 {strides = array<i32>} : memref<2048x1xf32, #tpu.memory_space<vmem>>, vector<2048x1xf32>,
    return
  }
  func.func @transform_0(%arg0: i32) -> (i32, i32, i32) {
    %c0_i32 = arith.constant 0 : i32
    %c0_i32_0 = arith.constant 0 : i32
    %c0_i32_1 = arith.constant 0 : i32
    %c0_i32_2 = arith.constant 0 : i32
    return %c0_i32, %c0_i32_0, %c0_i32_1 : i32, i32, i32
  }
  func.func @transform_1(%arg0: i32) -> (i32, i32) {
    %c0_i32 = arith.constant 0 : i32
    %c0_i32_0 = arith.constant 0 : i32
    %c0_i32_1 = arith.constant 0 : i32
    return %c0_i32, %c0_i32_0 : i32, i32
  }
  func.func @transform_2(%arg0: i32) -> (i32, i32) {
    %c0_i32 = arith.constant 0 : i32
    %c0_i32_0 = arith.constant 0 : i32
    %c0_i32_1 = arith.constant 0 : i32
    return %c0_i32, %c0_i32_0 : i32, i32
  }
  func.func @transform_3(%arg0: i32) -> (i32, i32) {
    %c0_i32 = arith.constant 0 : i32
    %c0_i32_0 = arith.constant 0 : i32
    %c0_i32_1 = arith.constant 0 : i32
    return %c0_i32, %c0_i32_0 : i32, i32
  }
  func.func @transform_4(%arg0: i32) -> (i32, i32) {
    %c0_i32 = arith.constant 0 : i32
    %c0_i32_0 = arith.constant 0 : i32
    %c0_i32_1 = arith.constant 0 : i32
    return %c0_i32, %c0_i32_0 : i32, i32
  }
}

module attributes {stable_mosaic.version = 14 : i64} {
  func.func @_scan_body(%arg0: i32, %arg1: memref<128x16xf32, #tpu.memory_space<vmem>>, %arg2: memref<128x16xf32, #tpu.memory_space<vmem>>, %arg3: memref<128x16xf32, #tpu.memory_space<vmem>>, %arg4: memref<128x16xf32, #tpu.memory_space<vmem>>, %arg5: memref<128x16xf32, #tpu.memory_space<vmem>>, %arg6: memref<128x16xf32, #tpu.memory_space<vmem>>, %arg7: memref<128x8xf32, #tpu.memory_space<vmem>>, %arg8: memref<128x2xf32, #tpu.memory_space<vmem>>) attributes {dimension_semantics = [#tpu.dimension_semantics<arbitrary>], iteration_bounds = array<i64: 1>, scalar_prefetch = 0 : i64, scratch_operands = 2 : i64, tpu.core_type = #tpu.core_type<tc>, window_params = [{pipeline_mode = #tpu.pipeline_mode<synchronous>, transform_indices = @transform_0, window_bounds = array<i64: 128, 16>}, {pipeline_mode = #tpu.pipeline_mode<synchronous>, transform_indices = @transform_1, window_bounds = array<i64: 128, 16>}, {pipeline_mode = #tpu.pipeline_mode<synchronous>, transform_indices = @transform_2, window_bounds = array<i64: 128, 16>}, {pipeline_mode = #tpu.pipeline_mode<synchronous>, transform_indices = @transform_3, window_bounds = array<i64: 128, 16>}, {pipeline_mode = #tpu.pipeline_mode<synchronous>, transform_indices = @transform_4, window_bounds = array<i64: 128, 16>}, {pipeline_mode = #tpu.pipeline_mode<synchronous>, transform_indices = @transform_5, window_bounds = array<i64: 128, 16>}]} {
    %get3A = arith.constant 0 : index
    %get3A_0 = arith.constant 0 : index
    %get3A_1 = vector.load %arg1[%get3A, %get3A_0] : memref<128x16xf32, #tpu.memory_space<vmem>>, vector<128x16xf32>
    %sub3A = arith.constant 2.000000e+00 : f32
    %sub3A_2 = vector.broadcast %sub3A : f32 to vector<128x16xf32>
    %sub3A_3 = arith.subf %sub3A_2, %get3A_1 : vector<128x16xf32>
    %broadcast_in_dim3A = arith.constant 1.000000e+00 : f32
    %broadcast_in_dim3A_4 = vector.broadcast %broadcast_in_dim3A : f32 to vector<128x1xf32>
    %broadcast_in_dim3A_5 = arith.constant 0.000000e+00 : f32
    %broadcast_in_dim3A_6 = vector.broadcast %broadcast_in_dim3A_5 : f32 to vector<128x1xf32>
    %slice3A = vector.extract_strided_slice %sub3A_3 {offsets = [0, 0], sizes = [128, 1], strides = [1, 1]} : vector<128x16xf32> to vector<128x1xf32>
    %mul3A = arith.mulf %slice3A, %broadcast_in_dim3A_6 : vector<128x1xf32>
    %sub3A_7 = arith.subf %mul3A, %broadcast_in_dim3A_6 : vector<128x1xf32>
    %sub3A_8 = arith.subf %sub3A_7, %broadcast_in_dim3A_4 : vector<128x1xf32>
    %mul3A_9 = arith.mulf %slice3A, %broadcast_in_dim3A_6 : vector<128x1xf32>
    %add3A = arith.addf %mul3A_9, %broadcast_in_dim3A_6 : vector<128x1xf32>
    %sub3A_10 = arith.subf %add3A, %broadcast_in_dim3A_6 : vector<128x1xf32>
    %mul3A_11 = arith.mulf %slice3A, %broadcast_in_dim3A_4 : vector<128x1xf32>
    %sub3A_12 = arith.subf %mul3A_11, %broadcast_in_dim3A_6 : vector<128x1xf32>
    %sub3A_13 = arith.subf %sub3A_12, %broadcast_in_dim3A_6 : vector<128x1xf32>
    %mul3A_14 = arith.mulf %slice3A, %broadcast_in_dim3A_6 : vector<128x1xf32>
    %add3A_15 = arith.addf %mul3A_14, %broadcast_in_dim3A_4 : vector<128x1xf32>
    %sub3A_16 = arith.subf %add3A_15, %broadcast_in_dim3A_6 : vector<128x1xf32>
    %slice3A_17 = vector.extract_strided_slice %sub3A_3 {offsets = [0, 1], sizes = [128, 1], strides = [1, 1]} : vector<128x16xf32> to vector<128x1xf32>
    %mul3A_18 = arith.mulf %slice3A_17, %sub3A_8 : vector<128x1xf32>
    %sub3A_19 = arith.subf %mul3A_18, %sub3A_10 : vector<128x1xf32>
    %sub3A_20 = arith.subf %sub3A_19, %broadcast_in_dim3A_6 : vector<128x1xf32>
    %mul3A_21 = arith.mulf %slice3A_17, %sub3A_10 : vector<128x1xf32>
    %add3A_22 = arith.addf %mul3A_21, %sub3A_8 : vector<128x1xf32>
    %sub3A_23 = arith.subf %add3A_22, %broadcast_in_dim3A_6 : vector<128x1xf32>
    %mul3A_24 = arith.mulf %slice3A_17, %sub3A_13 : vector<128x1xf32>
    %sub3A_25 = arith.subf %mul3A_24, %sub3A_16 : vector<128x1xf32>
    %sub3A_26 = arith.subf %sub3A_25, %broadcast_in_dim3A_4 : vector<128x1xf32>
    %mul3A_27 = arith.mulf %slice3A_17, %sub3A_16 : vector<128x1xf32>
    %add3A_28 = arith.addf %mul3A_27, %sub3A_13 : vector<128x1xf32>
    %sub3A_29 = arith.subf %add3A_28, %broadcast_in_dim3A_6 : vector<128x1xf32>
    %slice3A_30 = vector.extract_strided_slice %sub3A_3 {offsets = [0, 2], sizes = [128, 1], strides = [1, 1]} : vector<128x16xf32> to vector<128x1xf32>
    %mul3A_31 = arith.mulf %slice3A_30, %sub3A_20 : vector<128x1xf32>
    %sub3A_32 = arith.subf %mul3A_31, %sub3A_23 : vector<128x1xf32>
    %sub3A_33 = arith.subf %sub3A_32, %sub3A_8 : vector<128x1xf32>
    %mul3A_34 = arith.mulf %slice3A_30, %sub3A_23 : vector<128x1xf32>
    %add3A_35 = arith.addf %mul3A_34, %sub3A_20 : vector<128x1xf32>
    %sub3A_36 = arith.subf %add3A_35, %sub3A_10 : vector<128x1xf32>
    %mul3A_37 = arith.mulf %slice3A_30, %sub3A_26 : vector<128x1xf32>
    %sub3A_38 = arith.subf %mul3A_37, %sub3A_29 : vector<128x1xf32>
    %sub3A_39 = arith.subf %sub3A_38, %sub3A_13 : vector<128x1xf32>
    %mul3A_40 = arith.mulf %slice3A_30, %sub3A_29 : vector<128x1xf32>
    %add3A_41 = arith.addf %mul3A_40, %sub3A_26 : vector<128x1xf32>
    %sub3A_42 = arith.subf %add3A_41, %sub3A_16 : vector<128x1xf32>
    %slice3A_43 = vector.extract_strided_slice %sub3A_3 {offsets = [0, 3], sizes = [128, 1], strides = [1, 1]} : vector<128x16xf32> to vector<128x1xf32>
    %mul3A_44 = arith.mulf %slice3A_43, %sub3A_33 : vector<128x1xf32>
    %sub3A_45 = arith.subf %mul3A_44, %sub3A_36 : vector<128x1xf32>
    %sub3A_46 = arith.subf %sub3A_45, %sub3A_20 : vector<128x1xf32>
    %mul3A_47 = arith.mulf %slice3A_43, %sub3A_36 : vector<128x1xf32>
    %add3A_48 = arith.addf %mul3A_47, %sub3A_33 : vector<128x1xf32>
    %sub3A_49 = arith.subf %add3A_48, %sub3A_23 : vector<128x1xf32>
    %mul3A_50 = arith.mulf %slice3A_43, %sub3A_39 : vector<128x1xf32>
    %sub3A_51 = arith.subf %mul3A_50, %sub3A_42 : vector<128x1xf32>
    %sub3A_52 = arith.subf %sub3A_51, %sub3A_26 : vector<128x1xf32>
    %mul3A_53 = arith.mulf %slice3A_43, %sub3A_42 : vector<128x1xf32>
    %add3A_54 = arith.addf %mul3A_53, %sub3A_39 : vector<128x1xf32>
    %sub3A_55 = arith.subf %add3A_54, %sub3A_29 : vector<128x1xf32>
    %slice3A_56 = vector.extract_strided_slice %sub3A_3 {offsets = [0, 4], sizes = [128, 1], strides = [1, 1]} : vector<128x16xf32> to vector<128x1xf32>
    %mul3A_57 = arith.mulf %slice3A_56, %sub3A_46 : vector<128x1xf32>
    %sub3A_58 = arith.subf %mul3A_57, %sub3A_49 : vector<128x1xf32>
    %sub3A_59 = arith.subf %sub3A_58, %sub3A_33 : vector<128x1xf32>
    %mul3A_60 = arith.mulf %slice3A_56, %sub3A_49 : vector<128x1xf32>
    %add3A_61 = arith.addf %mul3A_60, %sub3A_46 : vector<128x1xf32>
    %sub3A_62 = arith.subf %add3A_61, %sub3A_36 : vector<128x1xf32>
    %mul3A_63 = arith.mulf %slice3A_56, %sub3A_52 : vector<128x1xf32>
    %sub3A_64 = arith.subf %mul3A_63, %sub3A_55 : vector<128x1xf32>
    %sub3A_65 = arith.subf %sub3A_64, %sub3A_39 : vector<128x1xf32>
    %mul3A_66 = arith.mulf %slice3A_56, %sub3A_55 : vector<128x1xf32>
    %add3A_67 = arith.addf %mul3A_66, %sub3A_52 : vector<128x1xf32>
    %sub3A_68 = arith.subf %add3A_67, %sub3A_42 : vector<128x1xf32>
    %slice3A_69 = vector.extract_strided_slice %sub3A_3 {offsets = [0, 5], sizes = [128, 1], strides = [1, 1]} : vector<128x16xf32> to vector<128x1xf32>
    %mul3A_70 = arith.mulf %slice3A_69, %sub3A_59 : vector<128x1xf32>
    %sub3A_71 = arith.subf %mul3A_70, %sub3A_62 : vector<128x1xf32>
    %sub3A_72 = arith.subf %sub3A_71, %sub3A_46 : vector<128x1xf32>
    %mul3A_73 = arith.mulf %slice3A_69, %sub3A_62 : vector<128x1xf32>
    %add3A_74 = arith.addf %mul3A_73, %sub3A_59 : vector<128x1xf32>
    %sub3A_75 = arith.subf %add3A_74, %sub3A_49 : vector<128x1xf32>
    %mul3A_76 = arith.mulf %slice3A_69, %sub3A_65 : vector<128x1xf32>
    %sub3A_77 = arith.subf %mul3A_76, %sub3A_68 : vector<128x1xf32>
    %sub3A_78 = arith.subf %sub3A_77, %sub3A_52 : vector<128x1xf32>
    %mul3A_79 = arith.mulf %slice3A_69, %sub3A_68 : vector<128x1xf32>
    %add3A_80 = arith.addf %mul3A_79, %sub3A_65 : vector<128x1xf32>
    %sub3A_81 = arith.subf %add3A_80, %sub3A_55 : vector<128x1xf32>
    %slice3A_82 = vector.extract_strided_slice %sub3A_3 {offsets = [0, 6], sizes = [128, 1], strides = [1, 1]} : vector<128x16xf32> to vector<128x1xf32>
    %mul3A_83 = arith.mulf %slice3A_82, %sub3A_72 : vector<128x1xf32>
    %sub3A_84 = arith.subf %mul3A_83, %sub3A_75 : vector<128x1xf32>
    %sub3A_85 = arith.subf %sub3A_84, %sub3A_59 : vector<128x1xf32>
    %mul3A_86 = arith.mulf %slice3A_82, %sub3A_75 : vector<128x1xf32>
    %add3A_87 = arith.addf %mul3A_86, %sub3A_72 : vector<128x1xf32>
    %sub3A_88 = arith.subf %add3A_87, %sub3A_62 : vector<128x1xf32>
    %mul3A_89 = arith.mulf %slice3A_82, %sub3A_78 : vector<128x1xf32>
    %sub3A_90 = arith.subf %mul3A_89, %sub3A_81 : vector<128x1xf32>
    %sub3A_91 = arith.subf %sub3A_90, %sub3A_65 : vector<128x1xf32>
    %mul3A_92 = arith.mulf %slice3A_82, %sub3A_81 : vector<128x1xf32>
    %add3A_93 = arith.addf %mul3A_92, %sub3A_78 : vector<128x1xf32>
    %sub3A_94 = arith.subf %add3A_93, %sub3A_68 : vector<128x1xf32>
    %slice3A_95 = vector.extract_strided_slice %sub3A_3 {offsets = [0, 7], sizes = [128, 1], strides = [1, 1]} : vector<128x16xf32> to vector<128x1xf32>
    %mul3A_96 = arith.mulf %slice3A_95, %sub3A_85 : vector<128x1xf32>
    %sub3A_97 = arith.subf %mul3A_96, %sub3A_88 : vector<128x1xf32>
    %sub3A_98 = arith.subf %sub3A_97, %sub3A_72 : vector<128x1xf32>
    %mul3A_99 = arith.mulf %slice3A_95, %sub3A_88 : vector<128x1xf32>
    %add3A_100 = arith.addf %mul3A_99, %sub3A_85 : vector<128x1xf32>
    %sub3A_101 = arith.subf %add3A_100, %sub3A_75 : vector<128x1xf32>
    %mul3A_102 = arith.mulf %slice3A_95, %sub3A_91 : vector<128x1xf32>
    %sub3A_103 = arith.subf %mul3A_102, %sub3A_94 : vector<128x1xf32>
    %sub3A_104 = arith.subf %sub3A_103, %sub3A_78 : vector<128x1xf32>
    %mul3A_105 = arith.mulf %slice3A_95, %sub3A_94 : vector<128x1xf32>
    %add3A_106 = arith.addf %mul3A_105, %sub3A_91 : vector<128x1xf32>
    %sub3A_107 = arith.subf %add3A_106, %sub3A_81 : vector<128x1xf32>
    %slice3A_108 = vector.extract_strided_slice %sub3A_3 {offsets = [0, 8], sizes = [128, 1], strides = [1, 1]} : vector<128x16xf32> to vector<128x1xf32>
    %mul3A_109 = arith.mulf %slice3A_108, %sub3A_98 : vector<128x1xf32>
    %sub3A_110 = arith.subf %mul3A_109, %sub3A_101 : vector<128x1xf32>
    %sub3A_111 = arith.subf %sub3A_110, %sub3A_85 : vector<128x1xf32>
    %mul3A_112 = arith.mulf %slice3A_108, %sub3A_101 : vector<128x1xf32>
    %add3A_113 = arith.addf %mul3A_112, %sub3A_98 : vector<128x1xf32>
    %sub3A_114 = arith.subf %add3A_113, %sub3A_88 : vector<128x1xf32>
    %mul3A_115 = arith.mulf %slice3A_108, %sub3A_104 : vector<128x1xf32>
    %sub3A_116 = arith.subf %mul3A_115, %sub3A_107 : vector<128x1xf32>
    %sub3A_117 = arith.subf %sub3A_116, %sub3A_91 : vector<128x1xf32>
    %mul3A_118 = arith.mulf %slice3A_108, %sub3A_107 : vector<128x1xf32>
    %add3A_119 = arith.addf %mul3A_118, %sub3A_104 : vector<128x1xf32>
    %sub3A_120 = arith.subf %add3A_119, %sub3A_94 : vector<128x1xf32>
    %slice3A_121 = vector.extract_strided_slice %sub3A_3 {offsets = [0, 9], sizes = [128, 1], strides = [1, 1]} : vector<128x16xf32> to vector<128x1xf32>
    %mul3A_122 = arith.mulf %slice3A_121, %sub3A_111 : vector<128x1xf32>
    %sub3A_123 = arith.subf %mul3A_122, %sub3A_114 : vector<128x1xf32>
    %sub3A_124 = arith.subf %sub3A_123, %sub3A_98 : vector<128x1xf32>
    %mul3A_125 = arith.mulf %slice3A_121, %sub3A_114 : vector<128x1xf32>
    %add3A_126 = arith.addf %mul3A_125, %sub3A_111 : vector<128x1xf32>
    %sub3A_127 = arith.subf %add3A_126, %sub3A_101 : vector<128x1xf32>
    %mul3A_128 = arith.mulf %slice3A_121, %sub3A_117 : vector<128x1xf32>
    %sub3A_129 = arith.subf %mul3A_128, %sub3A_120 : vector<128x1xf32>
    %sub3A_130 = arith.subf %sub3A_129, %sub3A_104 : vector<128x1xf32>
    %mul3A_131 = arith.mulf %slice3A_121, %sub3A_120 : vector<128x1xf32>
    %add3A_132 = arith.addf %mul3A_131, %sub3A_117 : vector<128x1xf32>
    %sub3A_133 = arith.subf %add3A_132, %sub3A_107 : vector<128x1xf32>
    %slice3A_134 = vector.extract_strided_slice %sub3A_3 {offsets = [0, 10], sizes = [128, 1], strides = [1, 1]} : vector<128x16xf32> to vector<128x1xf32>
    %mul3A_135 = arith.mulf %slice3A_134, %sub3A_124 : vector<128x1xf32>
    %sub3A_136 = arith.subf %mul3A_135, %sub3A_127 : vector<128x1xf32>
    %sub3A_137 = arith.subf %sub3A_136, %sub3A_111 : vector<128x1xf32>
    %mul3A_138 = arith.mulf %slice3A_134, %sub3A_127 : vector<128x1xf32>
    %add3A_139 = arith.addf %mul3A_138, %sub3A_124 : vector<128x1xf32>
    %sub3A_140 = arith.subf %add3A_139, %sub3A_114 : vector<128x1xf32>
    %mul3A_141 = arith.mulf %slice3A_134, %sub3A_130 : vector<128x1xf32>
    %sub3A_142 = arith.subf %mul3A_141, %sub3A_133 : vector<128x1xf32>
    %sub3A_143 = arith.subf %sub3A_142, %sub3A_117 : vector<128x1xf32>
    %mul3A_144 = arith.mulf %slice3A_134, %sub3A_133 : vector<128x1xf32>
    %add3A_145 = arith.addf %mul3A_144, %sub3A_130 : vector<128x1xf32>
    %sub3A_146 = arith.subf %add3A_145, %sub3A_120 : vector<128x1xf32>
    %slice3A_147 = vector.extract_strided_slice %sub3A_3 {offsets = [0, 11], sizes = [128, 1], strides = [1, 1]} : vector<128x16xf32> to vector<128x1xf32>
    %mul3A_148 = arith.mulf %slice3A_147, %sub3A_137 : vector<128x1xf32>
    %sub3A_149 = arith.subf %mul3A_148, %sub3A_140 : vector<128x1xf32>
    %sub3A_150 = arith.subf %sub3A_149, %sub3A_124 : vector<128x1xf32>
    %mul3A_151 = arith.mulf %slice3A_147, %sub3A_140 : vector<128x1xf32>
    %add3A_152 = arith.addf %mul3A_151, %sub3A_137 : vector<128x1xf32>
    %sub3A_153 = arith.subf %add3A_152, %sub3A_127 : vector<128x1xf32>
    %mul3A_154 = arith.mulf %slice3A_147, %sub3A_143 : vector<128x1xf32>
    %sub3A_155 = arith.subf %mul3A_154, %sub3A_146 : vector<128x1xf32>
    %sub3A_156 = arith.subf %sub3A_155, %sub3A_130 : vector<128x1xf32>
    %mul3A_157 = arith.mulf %slice3A_147, %sub3A_146 : vector<128x1xf32>
    %add3A_158 = arith.addf %mul3A_157, %sub3A_143 : vector<128x1xf32>
    %sub3A_159 = arith.subf %add3A_158, %sub3A_133 : vector<128x1xf32>
    %slice3A_160 = vector.extract_strided_slice %sub3A_3 {offsets = [0, 12], sizes = [128, 1], strides = [1, 1]} : vector<128x16xf32> to vector<128x1xf32>
    %mul3A_161 = arith.mulf %slice3A_160, %sub3A_150 : vector<128x1xf32>
    %sub3A_162 = arith.subf %mul3A_161, %sub3A_153 : vector<128x1xf32>
    %sub3A_163 = arith.subf %sub3A_162, %sub3A_137 : vector<128x1xf32>
    %mul3A_164 = arith.mulf %slice3A_160, %sub3A_153 : vector<128x1xf32>
    %add3A_165 = arith.addf %mul3A_164, %sub3A_150 : vector<128x1xf32>
    %sub3A_166 = arith.subf %add3A_165, %sub3A_140 : vector<128x1xf32>
    %mul3A_167 = arith.mulf %slice3A_160, %sub3A_156 : vector<128x1xf32>
    %sub3A_168 = arith.subf %mul3A_167, %sub3A_159 : vector<128x1xf32>
    %sub3A_169 = arith.subf %sub3A_168, %sub3A_143 : vector<128x1xf32>
    %mul3A_170 = arith.mulf %slice3A_160, %sub3A_159 : vector<128x1xf32>
    %add3A_171 = arith.addf %mul3A_170, %sub3A_156 : vector<128x1xf32>
    %sub3A_172 = arith.subf %add3A_171, %sub3A_146 : vector<128x1xf32>
    %slice3A_173 = vector.extract_strided_slice %sub3A_3 {offsets = [0, 13], sizes = [128, 1], strides = [1, 1]} : vector<128x16xf32> to vector<128x1xf32>
    %mul3A_174 = arith.mulf %slice3A_173, %sub3A_163 : vector<128x1xf32>
    %sub3A_175 = arith.subf %mul3A_174, %sub3A_166 : vector<128x1xf32>
    %sub3A_176 = arith.subf %sub3A_175, %sub3A_150 : vector<128x1xf32>
    %mul3A_177 = arith.mulf %slice3A_173, %sub3A_166 : vector<128x1xf32>
    %add3A_178 = arith.addf %mul3A_177, %sub3A_163 : vector<128x1xf32>
    %sub3A_179 = arith.subf %add3A_178, %sub3A_153 : vector<128x1xf32>
    %mul3A_180 = arith.mulf %slice3A_173, %sub3A_169 : vector<128x1xf32>
    %sub3A_181 = arith.subf %mul3A_180, %sub3A_172 : vector<128x1xf32>
    %sub3A_182 = arith.subf %sub3A_181, %sub3A_156 : vector<128x1xf32>
    %mul3A_183 = arith.mulf %slice3A_173, %sub3A_172 : vector<128x1xf32>
    %add3A_184 = arith.addf %mul3A_183, %sub3A_169 : vector<128x1xf32>
    %sub3A_185 = arith.subf %add3A_184, %sub3A_159 : vector<128x1xf32>
    %slice3A_186 = vector.extract_strided_slice %sub3A_3 {offsets = [0, 14], sizes = [128, 1], strides = [1, 1]} : vector<128x16xf32> to vector<128x1xf32>
    %mul3A_187 = arith.mulf %slice3A_186, %sub3A_176 : vector<128x1xf32>
    %sub3A_188 = arith.subf %mul3A_187, %sub3A_179 : vector<128x1xf32>
    %sub3A_189 = arith.subf %sub3A_188, %sub3A_163 : vector<128x1xf32>
    %mul3A_190 = arith.mulf %slice3A_186, %sub3A_179 : vector<128x1xf32>
    %add3A_191 = arith.addf %mul3A_190, %sub3A_176 : vector<128x1xf32>
    %sub3A_192 = arith.subf %add3A_191, %sub3A_166 : vector<128x1xf32>
    %mul3A_193 = arith.mulf %slice3A_186, %sub3A_182 : vector<128x1xf32>
    %sub3A_194 = arith.subf %mul3A_193, %sub3A_185 : vector<128x1xf32>
    %sub3A_195 = arith.subf %sub3A_194, %sub3A_169 : vector<128x1xf32>
    %mul3A_196 = arith.mulf %slice3A_186, %sub3A_185 : vector<128x1xf32>
    %add3A_197 = arith.addf %mul3A_196, %sub3A_182 : vector<128x1xf32>
    %sub3A_198 = arith.subf %add3A_197, %sub3A_172 : vector<128x1xf32>
    %slice3A_199 = vector.extract_strided_slice %sub3A_3 {offsets = [0, 15], sizes = [128, 1], strides = [1, 1]} : vector<128x16xf32> to vector<128x1xf32>
    %mul3A_200 = arith.mulf %slice3A_199, %sub3A_189 : vector<128x1xf32>
    %sub3A_201 = arith.subf %mul3A_200, %sub3A_192 : vector<128x1xf32>
    %sub3A_202 = arith.subf %sub3A_201, %sub3A_176 : vector<128x1xf32>
    %mul3A_203 = arith.mulf %slice3A_199, %sub3A_192 : vector<128x1xf32>
    %add3A_204 = arith.addf %mul3A_203, %sub3A_189 : vector<128x1xf32>
    %sub3A_205 = arith.subf %add3A_204, %sub3A_179 : vector<128x1xf32>
    %mul3A_206 = arith.mulf %slice3A_199, %sub3A_195 : vector<128x1xf32>
    %sub3A_207 = arith.subf %mul3A_206, %sub3A_198 : vector<128x1xf32>
    %sub3A_208 = arith.subf %sub3A_207, %sub3A_182 : vector<128x1xf32>
    %mul3A_209 = arith.mulf %slice3A_199, %sub3A_198 : vector<128x1xf32>
    %add3A_210 = arith.addf %mul3A_209, %sub3A_195 : vector<128x1xf32>
    %sub3A_211 = arith.subf %add3A_210, %sub3A_185 : vector<128x1xf32>
    %swap3A = arith.constant 0 : index
    %swap3A_212 = arith.constant 0 : index
    %swap3A_213 = vector.load %arg7[%swap3A, %swap3A_212] : memref<128x8xf32, #tpu.memory_space<vmem>>, vector<128x1xf32>
    tpu.vector_store %arg7[%swap3A, %swap3A_212], %sub3A_189 {strides = array<i32>} : memref<128x8xf32, #tpu.memory_space<vmem>>, vector<128x1xf32>,
    %swap3A_214 = arith.constant 0 : index
    %swap3A_215 = arith.constant 1 : index
    %swap3A_216 = vector.load %arg7[%swap3A_214, %swap3A_215] : memref<128x8xf32, #tpu.memory_space<vmem>>, vector<128x1xf32>
    tpu.vector_store %arg7[%swap3A_214, %swap3A_215], %sub3A_192 {strides = array<i32>} : memref<128x8xf32, #tpu.memory_space<vmem>>, vector<128x1xf32>,
    %swap3A_217 = arith.constant 0 : index
    %swap3A_218 = arith.constant 2 : index
    %swap3A_219 = vector.load %arg7[%swap3A_217, %swap3A_218] : memref<128x8xf32, #tpu.memory_space<vmem>>, vector<128x1xf32>
    tpu.vector_store %arg7[%swap3A_217, %swap3A_218], %sub3A_195 {strides = array<i32>} : memref<128x8xf32, #tpu.memory_space<vmem>>, vector<128x1xf32>,
    %swap3A_220 = arith.constant 0 : index
    %swap3A_221 = arith.constant 3 : index
    %swap3A_222 = vector.load %arg7[%swap3A_220, %swap3A_221] : memref<128x8xf32, #tpu.memory_space<vmem>>, vector<128x1xf32>
    tpu.vector_store %arg7[%swap3A_220, %swap3A_221], %sub3A_198 {strides = array<i32>} : memref<128x8xf32, #tpu.memory_space<vmem>>, vector<128x1xf32>,
    %swap3A_223 = arith.constant 0 : index
    %swap3A_224 = arith.constant 4 : index
    %swap3A_225 = vector.load %arg7[%swap3A_223, %swap3A_224] : memref<128x8xf32, #tpu.memory_space<vmem>>, vector<128x1xf32>
    tpu.vector_store %arg7[%swap3A_223, %swap3A_224], %sub3A_202 {strides = array<i32>} : memref<128x8xf32, #tpu.memory_space<vmem>>, vector<128x1xf32>,
    %swap3A_226 = arith.constant 0 : index
    %swap3A_227 = arith.constant 5 : index
    %swap3A_228 = vector.load %arg7[%swap3A_226, %swap3A_227] : memref<128x8xf32, #tpu.memory_space<vmem>>, vector<128x1xf32>
    tpu.vector_store %arg7[%swap3A_226, %swap3A_227], %sub3A_205 {strides = array<i32>} : memref<128x8xf32, #tpu.memory_space<vmem>>, vector<128x1xf32>,
    %swap3A_229 = arith.constant 0 : index
    %swap3A_230 = arith.constant 6 : index
    %swap3A_231 = vector.load %arg7[%swap3A_229, %swap3A_230] : memref<128x8xf32, #tpu.memory_space<vmem>>, vector<128x1xf32>
    tpu.vector_store %arg7[%swap3A_229, %swap3A_230], %sub3A_208 {strides = array<i32>} : memref<128x8xf32, #tpu.memory_space<vmem>>, vector<128x1xf32>,
    %swap3A_232 = arith.constant 0 : index
    %swap3A_233 = arith.constant 7 : index
    %swap3A_234 = vector.load %arg7[%swap3A_232, %swap3A_233] : memref<128x8xf32, #tpu.memory_space<vmem>>, vector<128x1xf32>
    tpu.vector_store %arg7[%swap3A_232, %swap3A_233], %sub3A_211 {strides = array<i32>} : memref<128x8xf32, #tpu.memory_space<vmem>>, vector<128x1xf32>,
    %broadcast_in_dim3A_235 = arith.constant 0.000000e+00 : f32
    %broadcast_in_dim3A_236 = vector.broadcast %broadcast_in_dim3A_235 : f32 to vector<1x1xf32>
    %scan3A = arith.constant 0 : i32
    %scan3A_237 = arith.constant 128 : i32
    %scan3A_238 = arith.addi %scan3A, %scan3A_237 : i32
    %scan3A_239 = arith.constant 1 : i32
    %scan3A_240:2 = scf.for %scan3A_1084 = %scan3A to %scan3A_238 step %scan3A_239 iter_args(%scan3A_1085 = %broadcast_in_dim3A_236, %scan3A_1086 = %broadcast_in_dim3A_236) -> (vector<1x1xf32>, vector<1x1xf32>)  : i32 {
      %concatenate3A = tpu.concatenate %scan3A_1085, %scan3A_1086 in 1 : vector<1x1xf32>, vector<1x1xf32> -> vector<1x2xf32>
      %swap3A_1087 = arith.index_cast %scan3A_1084 : i32 to index
      %swap3A_1088 = arith.constant 0 : index
      %swap3A_1089 = vector.load %arg8[%swap3A_1087, %swap3A_1088] : memref<128x2xf32, #tpu.memory_space<vmem>>, vector<1x2xf32>
      tpu.vector_store %arg8[%swap3A_1087, %swap3A_1088], %concatenate3A {strides = array<i32>} : memref<128x2xf32, #tpu.memory_space<vmem>>, vector<1x2xf32>,
      %get3A_1090 = arith.index_cast %scan3A_1084 : i32 to index
      %get3A_1091 = arith.constant 0 : index
      %get3A_1092 = vector.load %arg7[%get3A_1090, %get3A_1091] : memref<128x8xf32, #tpu.memory_space<vmem>>, vector<1x8xf32>
      %slice3A_1093 = vector.extract_strided_slice %get3A_1092 {offsets = [0, 0], sizes = [1, 1], strides = [1, 1]} : vector<1x8xf32> to vector<1x1xf32>
      %mul3A_1094 = arith.mulf %slice3A_1093, %scan3A_1085 : vector<1x1xf32>
      %slice3A_1095 = vector.extract_strided_slice %get3A_1092 {offsets = [0, 1], sizes = [1, 1], strides = [1, 1]} : vector<1x8xf32> to vector<1x1xf32>
      %mul3A_1096 = arith.mulf %slice3A_1095, %scan3A_1086 : vector<1x1xf32>
      %sub3A_1097 = arith.subf %mul3A_1094, %mul3A_1096 : vector<1x1xf32>
      %slice3A_1098 = vector.extract_strided_slice %get3A_1092 {offsets = [0, 2], sizes = [1, 1], strides = [1, 1]} : vector<1x8xf32> to vector<1x1xf32>
      %add3A_1099 = arith.addf %sub3A_1097, %slice3A_1098 : vector<1x1xf32>
      %slice3A_1100 = vector.extract_strided_slice %get3A_1092 {offsets = [0, 0], sizes = [1, 1], strides = [1, 1]} : vector<1x8xf32> to vector<1x1xf32>
      %mul3A_1101 = arith.mulf %slice3A_1100, %scan3A_1086 : vector<1x1xf32>
      %slice3A_1102 = vector.extract_strided_slice %get3A_1092 {offsets = [0, 1], sizes = [1, 1], strides = [1, 1]} : vector<1x8xf32> to vector<1x1xf32>
      %mul3A_1103 = arith.mulf %slice3A_1102, %scan3A_1085 : vector<1x1xf32>
      %add3A_1104 = arith.addf %mul3A_1101, %mul3A_1103 : vector<1x1xf32>
      %slice3A_1105 = vector.extract_strided_slice %get3A_1092 {offsets = [0, 3], sizes = [1, 1], strides = [1, 1]} : vector<1x8xf32> to vector<1x1xf32>
      %add3A_1106 = arith.addf %add3A_1104, %slice3A_1105 : vector<1x1xf32>
      %slice3A_1107 = vector.extract_strided_slice %get3A_1092 {offsets = [0, 4], sizes = [1, 1], strides = [1, 1]} : vector<1x8xf32> to vector<1x1xf32>
      %mul3A_1108 = arith.mulf %slice3A_1107, %scan3A_1085 : vector<1x1xf32>
      %slice3A_1109 = vector.extract_strided_slice %get3A_1092 {offsets = [0, 5], sizes = [1, 1], strides = [1, 1]} : vector<1x8xf32> to vector<1x1xf32>
      %mul3A_1110 = arith.mulf %slice3A_1109, %scan3A_1086 : vector<1x1xf32>
      %sub3A_1111 = arith.subf %mul3A_1108, %mul3A_1110 : vector<1x1xf32>
      %slice3A_1112 = vector.extract_strided_slice %get3A_1092 {offsets = [0, 6], sizes = [1, 1], strides = [1, 1]} : vector<1x8xf32> to vector<1x1xf32>
      %add3A_1113 = arith.addf %sub3A_1111, %slice3A_1112 : vector<1x1xf32>
      %slice3A_1114 = vector.extract_strided_slice %get3A_1092 {offsets = [0, 4], sizes = [1, 1], strides = [1, 1]} : vector<1x8xf32> to vector<1x1xf32>
      %mul3A_1115 = arith.mulf %slice3A_1114, %scan3A_1086 : vector<1x1xf32>
      %slice3A_1116 = vector.extract_strided_slice %get3A_1092 {offsets = [0, 5], sizes = [1, 1], strides = [1, 1]} : vector<1x8xf32> to vector<1x1xf32>
      %mul3A_1117 = arith.mulf %slice3A_1116, %scan3A_1085 : vector<1x1xf32>
      %add3A_1118 = arith.addf %mul3A_1115, %mul3A_1117 : vector<1x1xf32>
      %slice3A_1119 = vector.extract_strided_slice %get3A_1092 {offsets = [0, 7], sizes = [1, 1], strides = [1, 1]} : vector<1x8xf32> to vector<1x1xf32>
      %add3A_1120 = arith.addf %add3A_1118, %slice3A_1119 : vector<1x1xf32>
      %mul3A_1121 = arith.mulf %add3A_1113, %add3A_1113 : vector<1x1xf32>
      %mul3A_1122 = arith.mulf %add3A_1120, %add3A_1120 : vector<1x1xf32>
      %add3A_1123 = arith.addf %mul3A_1121, %mul3A_1122 : vector<1x1xf32>
      %mul3A_1124 = arith.mulf %add3A_1099, %add3A_1113 : vector<1x1xf32>
      %mul3A_1125 = arith.mulf %add3A_1106, %add3A_1120 : vector<1x1xf32>
      %add3A_1126 = arith.addf %mul3A_1124, %mul3A_1125 : vector<1x1xf32>
      %div3A_1127 = arith.divf %add3A_1126, %add3A_1123 : vector<1x1xf32>
      %mul3A_1128 = arith.mulf %add3A_1106, %add3A_1113 : vector<1x1xf32>
      %mul3A_1129 = arith.mulf %add3A_1099, %add3A_1120 : vector<1x1xf32>
      %sub3A_1130 = arith.subf %mul3A_1128, %mul3A_1129 : vector<1x1xf32>
      %div3A_1131 = arith.divf %sub3A_1130, %add3A_1123 : vector<1x1xf32>
      scf.yield %div3A_1127, %div3A_1131 : vector<1x1xf32>, vector<1x1xf32>
    }
    %scan3A_241 = arith.constant 128 : i32
    %get3A_242 = arith.constant 0 : index
    %get3A_243 = arith.constant 0 : index
    %get3A_244 = vector.load %arg8[%get3A_242, %get3A_243] : memref<128x2xf32, #tpu.memory_space<vmem>>, vector<128x1xf32>
    %get3A_245 = arith.constant 0 : index
    %get3A_246 = arith.constant 1 : index
    %get3A_247 = vector.load %arg8[%get3A_245, %get3A_246] : memref<128x2xf32, #tpu.memory_space<vmem>>, vector<128x1xf32>
    %swap3A_248 = arith.constant 0 : index
    %swap3A_249 = arith.constant 0 : index
    %swap3A_250 = vector.load %arg3[%swap3A_248, %swap3A_249] : memref<128x16xf32, #tpu.memory_space<vmem>>, vector<128x1xf32>
    tpu.vector_store %arg3[%swap3A_248, %swap3A_249], %get3A_244 {strides = array<i32>} : memref<128x16xf32, #tpu.memory_space<vmem>>, vector<128x1xf32>,
    %swap3A_251 = arith.constant 0 : index
    %swap3A_252 = arith.constant 0 : index
    %swap3A_253 = vector.load %arg4[%swap3A_251, %swap3A_252] : memref<128x16xf32, #tpu.memory_space<vmem>>, vector<128x1xf32>
    tpu.vector_store %arg4[%swap3A_251, %swap3A_252], %get3A_247 {strides = array<i32>} : memref<128x16xf32, #tpu.memory_space<vmem>>, vector<128x1xf32>,
    %slice3A_254 = vector.extract_strided_slice %sub3A_3 {offsets = [0, 0], sizes = [128, 1], strides = [1, 1]} : vector<128x16xf32> to vector<128x1xf32>
    %sub3A_255 = arith.subf %slice3A_254, %get3A_244 : vector<128x1xf32>
    %sub3A_256 = arith.constant 1.000000e+00 : f32
    %sub3A_257 = vector.broadcast %sub3A_256 : f32 to vector<128x1xf32>
    %sub3A_258 = arith.subf %sub3A_257, %get3A_247 : vector<128x1xf32>
    %mul3A_259 = arith.mulf %sub3A_255, %sub3A_255 : vector<128x1xf32>
    %mul3A_260 = arith.mulf %sub3A_258, %sub3A_258 : vector<128x1xf32>
    %add3A_261 = arith.addf %mul3A_259, %mul3A_260 : vector<128x1xf32>
    %div3A = arith.divf %sub3A_255, %add3A_261 : vector<128x1xf32>
    %neg3A = arith.constant 0.000000e+00 : f32
    %neg3A_262 = vector.broadcast %neg3A : f32 to vector<128x1xf32>
    %neg3A_263 = arith.subf %neg3A_262, %sub3A_258 : vector<128x1xf32>
    %div3A_264 = arith.divf %neg3A_263, %add3A_261 : vector<128x1xf32>
    %swap3A_265 = arith.constant 0 : index
    %swap3A_266 = arith.constant 1 : index
    %swap3A_267 = vector.load %arg3[%swap3A_265, %swap3A_266] : memref<128x16xf32, #tpu.memory_space<vmem>>, vector<128x1xf32>
    tpu.vector_store %arg3[%swap3A_265, %swap3A_266], %div3A {strides = array<i32>} : memref<128x16xf32, #tpu.memory_space<vmem>>, vector<128x1xf32>,
    %swap3A_268 = arith.constant 0 : index
    %swap3A_269 = arith.constant 1 : index
    %swap3A_270 = vector.load %arg4[%swap3A_268, %swap3A_269] : memref<128x16xf32, #tpu.memory_space<vmem>>, vector<128x1xf32>
    tpu.vector_store %arg4[%swap3A_268, %swap3A_269], %div3A_264 {strides = array<i32>} : memref<128x16xf32, #tpu.memory_space<vmem>>, vector<128x1xf32>,
    %slice3A_271 = vector.extract_strided_slice %sub3A_3 {offsets = [0, 1], sizes = [128, 1], strides = [1, 1]} : vector<128x16xf32> to vector<128x1xf32>
    %sub3A_272 = arith.subf %slice3A_271, %div3A : vector<128x1xf32>
    %sub3A_273 = arith.constant 1.000000e+00 : f32
    %sub3A_274 = vector.broadcast %sub3A_273 : f32 to vector<128x1xf32>
    %sub3A_275 = arith.subf %sub3A_274, %div3A_264 : vector<128x1xf32>
    %mul3A_276 = arith.mulf %sub3A_272, %sub3A_272 : vector<128x1xf32>
    %mul3A_277 = arith.mulf %sub3A_275, %sub3A_275 : vector<128x1xf32>
    %add3A_278 = arith.addf %mul3A_276, %mul3A_277 : vector<128x1xf32>
    %div3A_279 = arith.divf %sub3A_272, %add3A_278 : vector<128x1xf32>
    %neg3A_280 = arith.constant 0.000000e+00 : f32
    %neg3A_281 = vector.broadcast %neg3A_280 : f32 to vector<128x1xf32>
    %neg3A_282 = arith.subf %neg3A_281, %sub3A_275 : vector<128x1xf32>
    %div3A_283 = arith.divf %neg3A_282, %add3A_278 : vector<128x1xf32>
    %swap3A_284 = arith.constant 0 : index
    %swap3A_285 = arith.constant 2 : index
    %swap3A_286 = vector.load %arg3[%swap3A_284, %swap3A_285] : memref<128x16xf32, #tpu.memory_space<vmem>>, vector<128x1xf32>
    tpu.vector_store %arg3[%swap3A_284, %swap3A_285], %div3A_279 {strides = array<i32>} : memref<128x16xf32, #tpu.memory_space<vmem>>, vector<128x1xf32>,
    %swap3A_287 = arith.constant 0 : index
    %swap3A_288 = arith.constant 2 : index
    %swap3A_289 = vector.load %arg4[%swap3A_287, %swap3A_288] : memref<128x16xf32, #tpu.memory_space<vmem>>, vector<128x1xf32>
    tpu.vector_store %arg4[%swap3A_287, %swap3A_288], %div3A_283 {strides = array<i32>} : memref<128x16xf32, #tpu.memory_space<vmem>>, vector<128x1xf32>,
    %slice3A_290 = vector.extract_strided_slice %sub3A_3 {offsets = [0, 2], sizes = [128, 1], strides = [1, 1]} : vector<128x16xf32> to vector<128x1xf32>
    %sub3A_291 = arith.subf %slice3A_290, %div3A_279 : vector<128x1xf32>
    %sub3A_292 = arith.constant 1.000000e+00 : f32
    %sub3A_293 = vector.broadcast %sub3A_292 : f32 to vector<128x1xf32>
    %sub3A_294 = arith.subf %sub3A_293, %div3A_283 : vector<128x1xf32>
    %mul3A_295 = arith.mulf %sub3A_291, %sub3A_291 : vector<128x1xf32>
    %mul3A_296 = arith.mulf %sub3A_294, %sub3A_294 : vector<128x1xf32>
    %add3A_297 = arith.addf %mul3A_295, %mul3A_296 : vector<128x1xf32>
    %div3A_298 = arith.divf %sub3A_291, %add3A_297 : vector<128x1xf32>
    %neg3A_299 = arith.constant 0.000000e+00 : f32
    %neg3A_300 = vector.broadcast %neg3A_299 : f32 to vector<128x1xf32>
    %neg3A_301 = arith.subf %neg3A_300, %sub3A_294 : vector<128x1xf32>
    %div3A_302 = arith.divf %neg3A_301, %add3A_297 : vector<128x1xf32>
    %swap3A_303 = arith.constant 0 : index
    %swap3A_304 = arith.constant 3 : index
    %swap3A_305 = vector.load %arg3[%swap3A_303, %swap3A_304] : memref<128x16xf32, #tpu.memory_space<vmem>>, vector<128x1xf32>
    tpu.vector_store %arg3[%swap3A_303, %swap3A_304], %div3A_298 {strides = array<i32>} : memref<128x16xf32, #tpu.memory_space<vmem>>, vector<128x1xf32>,
    %swap3A_306 = arith.constant 0 : index
    %swap3A_307 = arith.constant 3 : index
    %swap3A_308 = vector.load %arg4[%swap3A_306, %swap3A_307] : memref<128x16xf32, #tpu.memory_space<vmem>>, vector<128x1xf32>
    tpu.vector_store %arg4[%swap3A_306, %swap3A_307], %div3A_302 {strides = array<i32>} : memref<128x16xf32, #tpu.memory_space<vmem>>, vector<128x1xf32>,
    %slice3A_309 = vector.extract_strided_slice %sub3A_3 {offsets = [0, 3], sizes = [128, 1], strides = [1, 1]} : vector<128x16xf32> to vector<128x1xf32>
    %sub3A_310 = arith.subf %slice3A_309, %div3A_298 : vector<128x1xf32>
    %sub3A_311 = arith.constant 1.000000e+00 : f32
    %sub3A_312 = vector.broadcast %sub3A_311 : f32 to vector<128x1xf32>
    %sub3A_313 = arith.subf %sub3A_312, %div3A_302 : vector<128x1xf32>
    %mul3A_314 = arith.mulf %sub3A_310, %sub3A_310 : vector<128x1xf32>
    %mul3A_315 = arith.mulf %sub3A_313, %sub3A_313 : vector<128x1xf32>
    %add3A_316 = arith.addf %mul3A_314, %mul3A_315 : vector<128x1xf32>
    %div3A_317 = arith.divf %sub3A_310, %add3A_316 : vector<128x1xf32>
    %neg3A_318 = arith.constant 0.000000e+00 : f32
    %neg3A_319 = vector.broadcast %neg3A_318 : f32 to vector<128x1xf32>
    %neg3A_320 = arith.subf %neg3A_319, %sub3A_313 : vector<128x1xf32>
    %div3A_321 = arith.divf %neg3A_320, %add3A_316 : vector<128x1xf32>
    %swap3A_322 = arith.constant 0 : index
    %swap3A_323 = arith.constant 4 : index
    %swap3A_324 = vector.load %arg3[%swap3A_322, %swap3A_323] : memref<128x16xf32, #tpu.memory_space<vmem>>, vector<128x1xf32>
    tpu.vector_store %arg3[%swap3A_322, %swap3A_323], %div3A_317 {strides = array<i32>} : memref<128x16xf32, #tpu.memory_space<vmem>>, vector<128x1xf32>,
    %swap3A_325 = arith.constant 0 : index
    %swap3A_326 = arith.constant 4 : index
    %swap3A_327 = vector.load %arg4[%swap3A_325, %swap3A_326] : memref<128x16xf32, #tpu.memory_space<vmem>>, vector<128x1xf32>
    tpu.vector_store %arg4[%swap3A_325, %swap3A_326], %div3A_321 {strides = array<i32>} : memref<128x16xf32, #tpu.memory_space<vmem>>, vector<128x1xf32>,
    %slice3A_328 = vector.extract_strided_slice %sub3A_3 {offsets = [0, 4], sizes = [128, 1], strides = [1, 1]} : vector<128x16xf32> to vector<128x1xf32>
    %sub3A_329 = arith.subf %slice3A_328, %div3A_317 : vector<128x1xf32>
    %sub3A_330 = arith.constant 1.000000e+00 : f32
    %sub3A_331 = vector.broadcast %sub3A_330 : f32 to vector<128x1xf32>
    %sub3A_332 = arith.subf %sub3A_331, %div3A_321 : vector<128x1xf32>
    %mul3A_333 = arith.mulf %sub3A_329, %sub3A_329 : vector<128x1xf32>
    %mul3A_334 = arith.mulf %sub3A_332, %sub3A_332 : vector<128x1xf32>
    %add3A_335 = arith.addf %mul3A_333, %mul3A_334 : vector<128x1xf32>
    %div3A_336 = arith.divf %sub3A_329, %add3A_335 : vector<128x1xf32>
    %neg3A_337 = arith.constant 0.000000e+00 : f32
    %neg3A_338 = vector.broadcast %neg3A_337 : f32 to vector<128x1xf32>
    %neg3A_339 = arith.subf %neg3A_338, %sub3A_332 : vector<128x1xf32>
    %div3A_340 = arith.divf %neg3A_339, %add3A_335 : vector<128x1xf32>
    %swap3A_341 = arith.constant 0 : index
    %swap3A_342 = arith.constant 5 : index
    %swap3A_343 = vector.load %arg3[%swap3A_341, %swap3A_342] : memref<128x16xf32, #tpu.memory_space<vmem>>, vector<128x1xf32>
    tpu.vector_store %arg3[%swap3A_341, %swap3A_342], %div3A_336 {strides = array<i32>} : memref<128x16xf32, #tpu.memory_space<vmem>>, vector<128x1xf32>,
    %swap3A_344 = arith.constant 0 : index
    %swap3A_345 = arith.constant 5 : index
    %swap3A_346 = vector.load %arg4[%swap3A_344, %swap3A_345] : memref<128x16xf32, #tpu.memory_space<vmem>>, vector<128x1xf32>
    tpu.vector_store %arg4[%swap3A_344, %swap3A_345], %div3A_340 {strides = array<i32>} : memref<128x16xf32, #tpu.memory_space<vmem>>, vector<128x1xf32>,
    %slice3A_347 = vector.extract_strided_slice %sub3A_3 {offsets = [0, 5], sizes = [128, 1], strides = [1, 1]} : vector<128x16xf32> to vector<128x1xf32>
    %sub3A_348 = arith.subf %slice3A_347, %div3A_336 : vector<128x1xf32>
    %sub3A_349 = arith.constant 1.000000e+00 : f32
    %sub3A_350 = vector.broadcast %sub3A_349 : f32 to vector<128x1xf32>
    %sub3A_351 = arith.subf %sub3A_350, %div3A_340 : vector<128x1xf32>
    %mul3A_352 = arith.mulf %sub3A_348, %sub3A_348 : vector<128x1xf32>
    %mul3A_353 = arith.mulf %sub3A_351, %sub3A_351 : vector<128x1xf32>
    %add3A_354 = arith.addf %mul3A_352, %mul3A_353 : vector<128x1xf32>
    %div3A_355 = arith.divf %sub3A_348, %add3A_354 : vector<128x1xf32>
    %neg3A_356 = arith.constant 0.000000e+00 : f32
    %neg3A_357 = vector.broadcast %neg3A_356 : f32 to vector<128x1xf32>
    %neg3A_358 = arith.subf %neg3A_357, %sub3A_351 : vector<128x1xf32>
    %div3A_359 = arith.divf %neg3A_358, %add3A_354 : vector<128x1xf32>
    %swap3A_360 = arith.constant 0 : index
    %swap3A_361 = arith.constant 6 : index
    %swap3A_362 = vector.load %arg3[%swap3A_360, %swap3A_361] : memref<128x16xf32, #tpu.memory_space<vmem>>, vector<128x1xf32>
    tpu.vector_store %arg3[%swap3A_360, %swap3A_361], %div3A_355 {strides = array<i32>} : memref<128x16xf32, #tpu.memory_space<vmem>>, vector<128x1xf32>,
    %swap3A_363 = arith.constant 0 : index
    %swap3A_364 = arith.constant 6 : index
    %swap3A_365 = vector.load %arg4[%swap3A_363, %swap3A_364] : memref<128x16xf32, #tpu.memory_space<vmem>>, vector<128x1xf32>
    tpu.vector_store %arg4[%swap3A_363, %swap3A_364], %div3A_359 {strides = array<i32>} : memref<128x16xf32, #tpu.memory_space<vmem>>, vector<128x1xf32>,
    %slice3A_366 = vector.extract_strided_slice %sub3A_3 {offsets = [0, 6], sizes = [128, 1], strides = [1, 1]} : vector<128x16xf32> to vector<128x1xf32>
    %sub3A_367 = arith.subf %slice3A_366, %div3A_355 : vector<128x1xf32>
    %sub3A_368 = arith.constant 1.000000e+00 : f32
    %sub3A_369 = vector.broadcast %sub3A_368 : f32 to vector<128x1xf32>
    %sub3A_370 = arith.subf %sub3A_369, %div3A_359 : vector<128x1xf32>
    %mul3A_371 = arith.mulf %sub3A_367, %sub3A_367 : vector<128x1xf32>
    %mul3A_372 = arith.mulf %sub3A_370, %sub3A_370 : vector<128x1xf32>
    %add3A_373 = arith.addf %mul3A_371, %mul3A_372 : vector<128x1xf32>
    %div3A_374 = arith.divf %sub3A_367, %add3A_373 : vector<128x1xf32>
    %neg3A_375 = arith.constant 0.000000e+00 : f32
    %neg3A_376 = vector.broadcast %neg3A_375 : f32 to vector<128x1xf32>
    %neg3A_377 = arith.subf %neg3A_376, %sub3A_370 : vector<128x1xf32>
    %div3A_378 = arith.divf %neg3A_377, %add3A_373 : vector<128x1xf32>
    %swap3A_379 = arith.constant 0 : index
    %swap3A_380 = arith.constant 7 : index
    %swap3A_381 = vector.load %arg3[%swap3A_379, %swap3A_380] : memref<128x16xf32, #tpu.memory_space<vmem>>, vector<128x1xf32>
    tpu.vector_store %arg3[%swap3A_379, %swap3A_380], %div3A_374 {strides = array<i32>} : memref<128x16xf32, #tpu.memory_space<vmem>>, vector<128x1xf32>,
    %swap3A_382 = arith.constant 0 : index
    %swap3A_383 = arith.constant 7 : index
    %swap3A_384 = vector.load %arg4[%swap3A_382, %swap3A_383] : memref<128x16xf32, #tpu.memory_space<vmem>>, vector<128x1xf32>
    tpu.vector_store %arg4[%swap3A_382, %swap3A_383], %div3A_378 {strides = array<i32>} : memref<128x16xf32, #tpu.memory_space<vmem>>, vector<128x1xf32>,
    %slice3A_385 = vector.extract_strided_slice %sub3A_3 {offsets = [0, 7], sizes = [128, 1], strides = [1, 1]} : vector<128x16xf32> to vector<128x1xf32>
    %sub3A_386 = arith.subf %slice3A_385, %div3A_374 : vector<128x1xf32>
    %sub3A_387 = arith.constant 1.000000e+00 : f32
    %sub3A_388 = vector.broadcast %sub3A_387 : f32 to vector<128x1xf32>
    %sub3A_389 = arith.subf %sub3A_388, %div3A_378 : vector<128x1xf32>
    %mul3A_390 = arith.mulf %sub3A_386, %sub3A_386 : vector<128x1xf32>
    %mul3A_391 = arith.mulf %sub3A_389, %sub3A_389 : vector<128x1xf32>
    %add3A_392 = arith.addf %mul3A_390, %mul3A_391 : vector<128x1xf32>
    %div3A_393 = arith.divf %sub3A_386, %add3A_392 : vector<128x1xf32>
    %neg3A_394 = arith.constant 0.000000e+00 : f32
    %neg3A_395 = vector.broadcast %neg3A_394 : f32 to vector<128x1xf32>
    %neg3A_396 = arith.subf %neg3A_395, %sub3A_389 : vector<128x1xf32>
    %div3A_397 = arith.divf %neg3A_396, %add3A_392 : vector<128x1xf32>
    %swap3A_398 = arith.constant 0 : index
    %swap3A_399 = arith.constant 8 : index
    %swap3A_400 = vector.load %arg3[%swap3A_398, %swap3A_399] : memref<128x16xf32, #tpu.memory_space<vmem>>, vector<128x1xf32>
    tpu.vector_store %arg3[%swap3A_398, %swap3A_399], %div3A_393 {strides = array<i32>} : memref<128x16xf32, #tpu.memory_space<vmem>>, vector<128x1xf32>,
    %swap3A_401 = arith.constant 0 : index
    %swap3A_402 = arith.constant 8 : index
    %swap3A_403 = vector.load %arg4[%swap3A_401, %swap3A_402] : memref<128x16xf32, #tpu.memory_space<vmem>>, vector<128x1xf32>
    tpu.vector_store %arg4[%swap3A_401, %swap3A_402], %div3A_397 {strides = array<i32>} : memref<128x16xf32, #tpu.memory_space<vmem>>, vector<128x1xf32>,
    %slice3A_404 = vector.extract_strided_slice %sub3A_3 {offsets = [0, 8], sizes = [128, 1], strides = [1, 1]} : vector<128x16xf32> to vector<128x1xf32>
    %sub3A_405 = arith.subf %slice3A_404, %div3A_393 : vector<128x1xf32>
    %sub3A_406 = arith.constant 1.000000e+00 : f32
    %sub3A_407 = vector.broadcast %sub3A_406 : f32 to vector<128x1xf32>
    %sub3A_408 = arith.subf %sub3A_407, %div3A_397 : vector<128x1xf32>
    %mul3A_409 = arith.mulf %sub3A_405, %sub3A_405 : vector<128x1xf32>
    %mul3A_410 = arith.mulf %sub3A_408, %sub3A_408 : vector<128x1xf32>
    %add3A_411 = arith.addf %mul3A_409, %mul3A_410 : vector<128x1xf32>
    %div3A_412 = arith.divf %sub3A_405, %add3A_411 : vector<128x1xf32>
    %neg3A_413 = arith.constant 0.000000e+00 : f32
    %neg3A_414 = vector.broadcast %neg3A_413 : f32 to vector<128x1xf32>
    %neg3A_415 = arith.subf %neg3A_414, %sub3A_408 : vector<128x1xf32>
    %div3A_416 = arith.divf %neg3A_415, %add3A_411 : vector<128x1xf32>
    %swap3A_417 = arith.constant 0 : index
    %swap3A_418 = arith.constant 9 : index
    %swap3A_419 = vector.load %arg3[%swap3A_417, %swap3A_418] : memref<128x16xf32, #tpu.memory_space<vmem>>, vector<128x1xf32>
    tpu.vector_store %arg3[%swap3A_417, %swap3A_418], %div3A_412 {strides = array<i32>} : memref<128x16xf32, #tpu.memory_space<vmem>>, vector<128x1xf32>,
    %swap3A_420 = arith.constant 0 : index
    %swap3A_421 = arith.constant 9 : index
    %swap3A_422 = vector.load %arg4[%swap3A_420, %swap3A_421] : memref<128x16xf32, #tpu.memory_space<vmem>>, vector<128x1xf32>
    tpu.vector_store %arg4[%swap3A_420, %swap3A_421], %div3A_416 {strides = array<i32>} : memref<128x16xf32, #tpu.memory_space<vmem>>, vector<128x1xf32>,
    %slice3A_423 = vector.extract_strided_slice %sub3A_3 {offsets = [0, 9], sizes = [128, 1], strides = [1, 1]} : vector<128x16xf32> to vector<128x1xf32>
    %sub3A_424 = arith.subf %slice3A_423, %div3A_412 : vector<128x1xf32>
    %sub3A_425 = arith.constant 1.000000e+00 : f32
    %sub3A_426 = vector.broadcast %sub3A_425 : f32 to vector<128x1xf32>
    %sub3A_427 = arith.subf %sub3A_426, %div3A_416 : vector<128x1xf32>
    %mul3A_428 = arith.mulf %sub3A_424, %sub3A_424 : vector<128x1xf32>
    %mul3A_429 = arith.mulf %sub3A_427, %sub3A_427 : vector<128x1xf32>
    %add3A_430 = arith.addf %mul3A_428, %mul3A_429 : vector<128x1xf32>
    %div3A_431 = arith.divf %sub3A_424, %add3A_430 : vector<128x1xf32>
    %neg3A_432 = arith.constant 0.000000e+00 : f32
    %neg3A_433 = vector.broadcast %neg3A_432 : f32 to vector<128x1xf32>
    %neg3A_434 = arith.subf %neg3A_433, %sub3A_427 : vector<128x1xf32>
    %div3A_435 = arith.divf %neg3A_434, %add3A_430 : vector<128x1xf32>
    %swap3A_436 = arith.constant 0 : index
    %swap3A_437 = arith.constant 10 : index
    %swap3A_438 = vector.load %arg3[%swap3A_436, %swap3A_437] : memref<128x16xf32, #tpu.memory_space<vmem>>, vector<128x1xf32>
    tpu.vector_store %arg3[%swap3A_436, %swap3A_437], %div3A_431 {strides = array<i32>} : memref<128x16xf32, #tpu.memory_space<vmem>>, vector<128x1xf32>,
    %swap3A_439 = arith.constant 0 : index
    %swap3A_440 = arith.constant 10 : index
    %swap3A_441 = vector.load %arg4[%swap3A_439, %swap3A_440] : memref<128x16xf32, #tpu.memory_space<vmem>>, vector<128x1xf32>
    tpu.vector_store %arg4[%swap3A_439, %swap3A_440], %div3A_435 {strides = array<i32>} : memref<128x16xf32, #tpu.memory_space<vmem>>, vector<128x1xf32>,
    %slice3A_442 = vector.extract_strided_slice %sub3A_3 {offsets = [0, 10], sizes = [128, 1], strides = [1, 1]} : vector<128x16xf32> to vector<128x1xf32>
    %sub3A_443 = arith.subf %slice3A_442, %div3A_431 : vector<128x1xf32>
    %sub3A_444 = arith.constant 1.000000e+00 : f32
    %sub3A_445 = vector.broadcast %sub3A_444 : f32 to vector<128x1xf32>
    %sub3A_446 = arith.subf %sub3A_445, %div3A_435 : vector<128x1xf32>
    %mul3A_447 = arith.mulf %sub3A_443, %sub3A_443 : vector<128x1xf32>
    %mul3A_448 = arith.mulf %sub3A_446, %sub3A_446 : vector<128x1xf32>
    %add3A_449 = arith.addf %mul3A_447, %mul3A_448 : vector<128x1xf32>
    %div3A_450 = arith.divf %sub3A_443, %add3A_449 : vector<128x1xf32>
    %neg3A_451 = arith.constant 0.000000e+00 : f32
    %neg3A_452 = vector.broadcast %neg3A_451 : f32 to vector<128x1xf32>
    %neg3A_453 = arith.subf %neg3A_452, %sub3A_446 : vector<128x1xf32>
    %div3A_454 = arith.divf %neg3A_453, %add3A_449 : vector<128x1xf32>
    %swap3A_455 = arith.constant 0 : index
    %swap3A_456 = arith.constant 11 : index
    %swap3A_457 = vector.load %arg3[%swap3A_455, %swap3A_456] : memref<128x16xf32, #tpu.memory_space<vmem>>, vector<128x1xf32>
    tpu.vector_store %arg3[%swap3A_455, %swap3A_456], %div3A_450 {strides = array<i32>} : memref<128x16xf32, #tpu.memory_space<vmem>>, vector<128x1xf32>,
    %swap3A_458 = arith.constant 0 : index
    %swap3A_459 = arith.constant 11 : index
    %swap3A_460 = vector.load %arg4[%swap3A_458, %swap3A_459] : memref<128x16xf32, #tpu.memory_space<vmem>>, vector<128x1xf32>
    tpu.vector_store %arg4[%swap3A_458, %swap3A_459], %div3A_454 {strides = array<i32>} : memref<128x16xf32, #tpu.memory_space<vmem>>, vector<128x1xf32>,
    %slice3A_461 = vector.extract_strided_slice %sub3A_3 {offsets = [0, 11], sizes = [128, 1], strides = [1, 1]} : vector<128x16xf32> to vector<128x1xf32>
    %sub3A_462 = arith.subf %slice3A_461, %div3A_450 : vector<128x1xf32>
    %sub3A_463 = arith.constant 1.000000e+00 : f32
    %sub3A_464 = vector.broadcast %sub3A_463 : f32 to vector<128x1xf32>
    %sub3A_465 = arith.subf %sub3A_464, %div3A_454 : vector<128x1xf32>
    %mul3A_466 = arith.mulf %sub3A_462, %sub3A_462 : vector<128x1xf32>
    %mul3A_467 = arith.mulf %sub3A_465, %sub3A_465 : vector<128x1xf32>
    %add3A_468 = arith.addf %mul3A_466, %mul3A_467 : vector<128x1xf32>
    %div3A_469 = arith.divf %sub3A_462, %add3A_468 : vector<128x1xf32>
    %neg3A_470 = arith.constant 0.000000e+00 : f32
    %neg3A_471 = vector.broadcast %neg3A_470 : f32 to vector<128x1xf32>
    %neg3A_472 = arith.subf %neg3A_471, %sub3A_465 : vector<128x1xf32>
    %div3A_473 = arith.divf %neg3A_472, %add3A_468 : vector<128x1xf32>
    %swap3A_474 = arith.constant 0 : index
    %swap3A_475 = arith.constant 12 : index
    %swap3A_476 = vector.load %arg3[%swap3A_474, %swap3A_475] : memref<128x16xf32, #tpu.memory_space<vmem>>, vector<128x1xf32>
    tpu.vector_store %arg3[%swap3A_474, %swap3A_475], %div3A_469 {strides = array<i32>} : memref<128x16xf32, #tpu.memory_space<vmem>>, vector<128x1xf32>,
    %swap3A_477 = arith.constant 0 : index
    %swap3A_478 = arith.constant 12 : index
    %swap3A_479 = vector.load %arg4[%swap3A_477, %swap3A_478] : memref<128x16xf32, #tpu.memory_space<vmem>>, vector<128x1xf32>
    tpu.vector_store %arg4[%swap3A_477, %swap3A_478], %div3A_473 {strides = array<i32>} : memref<128x16xf32, #tpu.memory_space<vmem>>, vector<128x1xf32>,
    %slice3A_480 = vector.extract_strided_slice %sub3A_3 {offsets = [0, 12], sizes = [128, 1], strides = [1, 1]} : vector<128x16xf32> to vector<128x1xf32>
    %sub3A_481 = arith.subf %slice3A_480, %div3A_469 : vector<128x1xf32>
    %sub3A_482 = arith.constant 1.000000e+00 : f32
    %sub3A_483 = vector.broadcast %sub3A_482 : f32 to vector<128x1xf32>
    %sub3A_484 = arith.subf %sub3A_483, %div3A_473 : vector<128x1xf32>
    %mul3A_485 = arith.mulf %sub3A_481, %sub3A_481 : vector<128x1xf32>
    %mul3A_486 = arith.mulf %sub3A_484, %sub3A_484 : vector<128x1xf32>
    %add3A_487 = arith.addf %mul3A_485, %mul3A_486 : vector<128x1xf32>
    %div3A_488 = arith.divf %sub3A_481, %add3A_487 : vector<128x1xf32>
    %neg3A_489 = arith.constant 0.000000e+00 : f32
    %neg3A_490 = vector.broadcast %neg3A_489 : f32 to vector<128x1xf32>
    %neg3A_491 = arith.subf %neg3A_490, %sub3A_484 : vector<128x1xf32>
    %div3A_492 = arith.divf %neg3A_491, %add3A_487 : vector<128x1xf32>
    %swap3A_493 = arith.constant 0 : index
    %swap3A_494 = arith.constant 13 : index
    %swap3A_495 = vector.load %arg3[%swap3A_493, %swap3A_494] : memref<128x16xf32, #tpu.memory_space<vmem>>, vector<128x1xf32>
    tpu.vector_store %arg3[%swap3A_493, %swap3A_494], %div3A_488 {strides = array<i32>} : memref<128x16xf32, #tpu.memory_space<vmem>>, vector<128x1xf32>,
    %swap3A_496 = arith.constant 0 : index
    %swap3A_497 = arith.constant 13 : index
    %swap3A_498 = vector.load %arg4[%swap3A_496, %swap3A_497] : memref<128x16xf32, #tpu.memory_space<vmem>>, vector<128x1xf32>
    tpu.vector_store %arg4[%swap3A_496, %swap3A_497], %div3A_492 {strides = array<i32>} : memref<128x16xf32, #tpu.memory_space<vmem>>, vector<128x1xf32>,
    %slice3A_499 = vector.extract_strided_slice %sub3A_3 {offsets = [0, 13], sizes = [128, 1], strides = [1, 1]} : vector<128x16xf32> to vector<128x1xf32>
    %sub3A_500 = arith.subf %slice3A_499, %div3A_488 : vector<128x1xf32>
    %sub3A_501 = arith.constant 1.000000e+00 : f32
    %sub3A_502 = vector.broadcast %sub3A_501 : f32 to vector<128x1xf32>
    %sub3A_503 = arith.subf %sub3A_502, %div3A_492 : vector<128x1xf32>
    %mul3A_504 = arith.mulf %sub3A_500, %sub3A_500 : vector<128x1xf32>
    %mul3A_505 = arith.mulf %sub3A_503, %sub3A_503 : vector<128x1xf32>
    %add3A_506 = arith.addf %mul3A_504, %mul3A_505 : vector<128x1xf32>
    %div3A_507 = arith.divf %sub3A_500, %add3A_506 : vector<128x1xf32>
    %neg3A_508 = arith.constant 0.000000e+00 : f32
    %neg3A_509 = vector.broadcast %neg3A_508 : f32 to vector<128x1xf32>
    %neg3A_510 = arith.subf %neg3A_509, %sub3A_503 : vector<128x1xf32>
    %div3A_511 = arith.divf %neg3A_510, %add3A_506 : vector<128x1xf32>
    %swap3A_512 = arith.constant 0 : index
    %swap3A_513 = arith.constant 14 : index
    %swap3A_514 = vector.load %arg3[%swap3A_512, %swap3A_513] : memref<128x16xf32, #tpu.memory_space<vmem>>, vector<128x1xf32>
    tpu.vector_store %arg3[%swap3A_512, %swap3A_513], %div3A_507 {strides = array<i32>} : memref<128x16xf32, #tpu.memory_space<vmem>>, vector<128x1xf32>,
    %swap3A_515 = arith.constant 0 : index
    %swap3A_516 = arith.constant 14 : index
    %swap3A_517 = vector.load %arg4[%swap3A_515, %swap3A_516] : memref<128x16xf32, #tpu.memory_space<vmem>>, vector<128x1xf32>
    tpu.vector_store %arg4[%swap3A_515, %swap3A_516], %div3A_511 {strides = array<i32>} : memref<128x16xf32, #tpu.memory_space<vmem>>, vector<128x1xf32>,
    %slice3A_518 = vector.extract_strided_slice %sub3A_3 {offsets = [0, 14], sizes = [128, 1], strides = [1, 1]} : vector<128x16xf32> to vector<128x1xf32>
    %sub3A_519 = arith.subf %slice3A_518, %div3A_507 : vector<128x1xf32>
    %sub3A_520 = arith.constant 1.000000e+00 : f32
    %sub3A_521 = vector.broadcast %sub3A_520 : f32 to vector<128x1xf32>
    %sub3A_522 = arith.subf %sub3A_521, %div3A_511 : vector<128x1xf32>
    %mul3A_523 = arith.mulf %sub3A_519, %sub3A_519 : vector<128x1xf32>
    %mul3A_524 = arith.mulf %sub3A_522, %sub3A_522 : vector<128x1xf32>
    %add3A_525 = arith.addf %mul3A_523, %mul3A_524 : vector<128x1xf32>
    %div3A_526 = arith.divf %sub3A_519, %add3A_525 : vector<128x1xf32>
    %neg3A_527 = arith.constant 0.000000e+00 : f32
    %neg3A_528 = vector.broadcast %neg3A_527 : f32 to vector<128x1xf32>
    %neg3A_529 = arith.subf %neg3A_528, %sub3A_522 : vector<128x1xf32>
    %div3A_530 = arith.divf %neg3A_529, %add3A_525 : vector<128x1xf32>
    %swap3A_531 = arith.constant 0 : index
    %swap3A_532 = arith.constant 15 : index
    %swap3A_533 = vector.load %arg3[%swap3A_531, %swap3A_532] : memref<128x16xf32, #tpu.memory_space<vmem>>, vector<128x1xf32>
    tpu.vector_store %arg3[%swap3A_531, %swap3A_532], %div3A_526 {strides = array<i32>} : memref<128x16xf32, #tpu.memory_space<vmem>>, vector<128x1xf32>,
    %swap3A_534 = arith.constant 0 : index
    %swap3A_535 = arith.constant 15 : index
    %swap3A_536 = vector.load %arg4[%swap3A_534, %swap3A_535] : memref<128x16xf32, #tpu.memory_space<vmem>>, vector<128x1xf32>
    tpu.vector_store %arg4[%swap3A_534, %swap3A_535], %div3A_530 {strides = array<i32>} : memref<128x16xf32, #tpu.memory_space<vmem>>, vector<128x1xf32>,
    %get3A_537 = arith.constant 0 : index
    %get3A_538 = arith.constant 0 : index
    %get3A_539 = vector.load %arg2[%get3A_537, %get3A_538] : memref<128x16xf32, #tpu.memory_space<vmem>>, vector<128x16xf32>
    %sub3A_540 = arith.constant 2.000000e+00 : f32
    %sub3A_541 = vector.broadcast %sub3A_540 : f32 to vector<128x16xf32>
    %sub3A_542 = arith.subf %sub3A_541, %get3A_539 : vector<128x16xf32>
    %broadcast_in_dim3A_543 = arith.constant 1.000000e+00 : f32
    %broadcast_in_dim3A_544 = vector.broadcast %broadcast_in_dim3A_543 : f32 to vector<128x1xf32>
    %broadcast_in_dim3A_545 = arith.constant 0.000000e+00 : f32
    %broadcast_in_dim3A_546 = vector.broadcast %broadcast_in_dim3A_545 : f32 to vector<128x1xf32>
    %slice3A_547 = vector.extract_strided_slice %sub3A_542 {offsets = [0, 0], sizes = [128, 1], strides = [1, 1]} : vector<128x16xf32> to vector<128x1xf32>
    %mul3A_548 = arith.mulf %slice3A_547, %broadcast_in_dim3A_546 : vector<128x1xf32>
    %sub3A_549 = arith.subf %mul3A_548, %broadcast_in_dim3A_546 : vector<128x1xf32>
    %sub3A_550 = arith.subf %sub3A_549, %broadcast_in_dim3A_544 : vector<128x1xf32>
    %mul3A_551 = arith.mulf %slice3A_547, %broadcast_in_dim3A_546 : vector<128x1xf32>
    %add3A_552 = arith.addf %mul3A_551, %broadcast_in_dim3A_546 : vector<128x1xf32>
    %sub3A_553 = arith.subf %add3A_552, %broadcast_in_dim3A_546 : vector<128x1xf32>
    %mul3A_554 = arith.mulf %slice3A_547, %broadcast_in_dim3A_544 : vector<128x1xf32>
    %sub3A_555 = arith.subf %mul3A_554, %broadcast_in_dim3A_546 : vector<128x1xf32>
    %sub3A_556 = arith.subf %sub3A_555, %broadcast_in_dim3A_546 : vector<128x1xf32>
    %mul3A_557 = arith.mulf %slice3A_547, %broadcast_in_dim3A_546 : vector<128x1xf32>
    %add3A_558 = arith.addf %mul3A_557, %broadcast_in_dim3A_544 : vector<128x1xf32>
    %sub3A_559 = arith.subf %add3A_558, %broadcast_in_dim3A_546 : vector<128x1xf32>
    %slice3A_560 = vector.extract_strided_slice %sub3A_542 {offsets = [0, 1], sizes = [128, 1], strides = [1, 1]} : vector<128x16xf32> to vector<128x1xf32>
    %mul3A_561 = arith.mulf %slice3A_560, %sub3A_550 : vector<128x1xf32>
    %sub3A_562 = arith.subf %mul3A_561, %sub3A_553 : vector<128x1xf32>
    %sub3A_563 = arith.subf %sub3A_562, %broadcast_in_dim3A_546 : vector<128x1xf32>
    %mul3A_564 = arith.mulf %slice3A_560, %sub3A_553 : vector<128x1xf32>
    %add3A_565 = arith.addf %mul3A_564, %sub3A_550 : vector<128x1xf32>
    %sub3A_566 = arith.subf %add3A_565, %broadcast_in_dim3A_546 : vector<128x1xf32>
    %mul3A_567 = arith.mulf %slice3A_560, %sub3A_556 : vector<128x1xf32>
    %sub3A_568 = arith.subf %mul3A_567, %sub3A_559 : vector<128x1xf32>
    %sub3A_569 = arith.subf %sub3A_568, %broadcast_in_dim3A_544 : vector<128x1xf32>
    %mul3A_570 = arith.mulf %slice3A_560, %sub3A_559 : vector<128x1xf32>
    %add3A_571 = arith.addf %mul3A_570, %sub3A_556 : vector<128x1xf32>
    %sub3A_572 = arith.subf %add3A_571, %broadcast_in_dim3A_546 : vector<128x1xf32>
    %slice3A_573 = vector.extract_strided_slice %sub3A_542 {offsets = [0, 2], sizes = [128, 1], strides = [1, 1]} : vector<128x16xf32> to vector<128x1xf32>
    %mul3A_574 = arith.mulf %slice3A_573, %sub3A_563 : vector<128x1xf32>
    %sub3A_575 = arith.subf %mul3A_574, %sub3A_566 : vector<128x1xf32>
    %sub3A_576 = arith.subf %sub3A_575, %sub3A_550 : vector<128x1xf32>
    %mul3A_577 = arith.mulf %slice3A_573, %sub3A_566 : vector<128x1xf32>
    %add3A_578 = arith.addf %mul3A_577, %sub3A_563 : vector<128x1xf32>
    %sub3A_579 = arith.subf %add3A_578, %sub3A_553 : vector<128x1xf32>
    %mul3A_580 = arith.mulf %slice3A_573, %sub3A_569 : vector<128x1xf32>
    %sub3A_581 = arith.subf %mul3A_580, %sub3A_572 : vector<128x1xf32>
    %sub3A_582 = arith.subf %sub3A_581, %sub3A_556 : vector<128x1xf32>
    %mul3A_583 = arith.mulf %slice3A_573, %sub3A_572 : vector<128x1xf32>
    %add3A_584 = arith.addf %mul3A_583, %sub3A_569 : vector<128x1xf32>
    %sub3A_585 = arith.subf %add3A_584, %sub3A_559 : vector<128x1xf32>
    %slice3A_586 = vector.extract_strided_slice %sub3A_542 {offsets = [0, 3], sizes = [128, 1], strides = [1, 1]} : vector<128x16xf32> to vector<128x1xf32>
    %mul3A_587 = arith.mulf %slice3A_586, %sub3A_576 : vector<128x1xf32>
    %sub3A_588 = arith.subf %mul3A_587, %sub3A_579 : vector<128x1xf32>
    %sub3A_589 = arith.subf %sub3A_588, %sub3A_563 : vector<128x1xf32>
    %mul3A_590 = arith.mulf %slice3A_586, %sub3A_579 : vector<128x1xf32>
    %add3A_591 = arith.addf %mul3A_590, %sub3A_576 : vector<128x1xf32>
    %sub3A_592 = arith.subf %add3A_591, %sub3A_566 : vector<128x1xf32>
    %mul3A_593 = arith.mulf %slice3A_586, %sub3A_582 : vector<128x1xf32>
    %sub3A_594 = arith.subf %mul3A_593, %sub3A_585 : vector<128x1xf32>
    %sub3A_595 = arith.subf %sub3A_594, %sub3A_569 : vector<128x1xf32>
    %mul3A_596 = arith.mulf %slice3A_586, %sub3A_585 : vector<128x1xf32>
    %add3A_597 = arith.addf %mul3A_596, %sub3A_582 : vector<128x1xf32>
    %sub3A_598 = arith.subf %add3A_597, %sub3A_572 : vector<128x1xf32>
    %slice3A_599 = vector.extract_strided_slice %sub3A_542 {offsets = [0, 4], sizes = [128, 1], strides = [1, 1]} : vector<128x16xf32> to vector<128x1xf32>
    %mul3A_600 = arith.mulf %slice3A_599, %sub3A_589 : vector<128x1xf32>
    %sub3A_601 = arith.subf %mul3A_600, %sub3A_592 : vector<128x1xf32>
    %sub3A_602 = arith.subf %sub3A_601, %sub3A_576 : vector<128x1xf32>
    %mul3A_603 = arith.mulf %slice3A_599, %sub3A_592 : vector<128x1xf32>
    %add3A_604 = arith.addf %mul3A_603, %sub3A_589 : vector<128x1xf32>
    %sub3A_605 = arith.subf %add3A_604, %sub3A_579 : vector<128x1xf32>
    %mul3A_606 = arith.mulf %slice3A_599, %sub3A_595 : vector<128x1xf32>
    %sub3A_607 = arith.subf %mul3A_606, %sub3A_598 : vector<128x1xf32>
    %sub3A_608 = arith.subf %sub3A_607, %sub3A_582 : vector<128x1xf32>
    %mul3A_609 = arith.mulf %slice3A_599, %sub3A_598 : vector<128x1xf32>
    %add3A_610 = arith.addf %mul3A_609, %sub3A_595 : vector<128x1xf32>
    %sub3A_611 = arith.subf %add3A_610, %sub3A_585 : vector<128x1xf32>
    %slice3A_612 = vector.extract_strided_slice %sub3A_542 {offsets = [0, 5], sizes = [128, 1], strides = [1, 1]} : vector<128x16xf32> to vector<128x1xf32>
    %mul3A_613 = arith.mulf %slice3A_612, %sub3A_602 : vector<128x1xf32>
    %sub3A_614 = arith.subf %mul3A_613, %sub3A_605 : vector<128x1xf32>
    %sub3A_615 = arith.subf %sub3A_614, %sub3A_589 : vector<128x1xf32>
    %mul3A_616 = arith.mulf %slice3A_612, %sub3A_605 : vector<128x1xf32>
    %add3A_617 = arith.addf %mul3A_616, %sub3A_602 : vector<128x1xf32>
    %sub3A_618 = arith.subf %add3A_617, %sub3A_592 : vector<128x1xf32>
    %mul3A_619 = arith.mulf %slice3A_612, %sub3A_608 : vector<128x1xf32>
    %sub3A_620 = arith.subf %mul3A_619, %sub3A_611 : vector<128x1xf32>
    %sub3A_621 = arith.subf %sub3A_620, %sub3A_595 : vector<128x1xf32>
    %mul3A_622 = arith.mulf %slice3A_612, %sub3A_611 : vector<128x1xf32>
    %add3A_623 = arith.addf %mul3A_622, %sub3A_608 : vector<128x1xf32>
    %sub3A_624 = arith.subf %add3A_623, %sub3A_598 : vector<128x1xf32>
    %slice3A_625 = vector.extract_strided_slice %sub3A_542 {offsets = [0, 6], sizes = [128, 1], strides = [1, 1]} : vector<128x16xf32> to vector<128x1xf32>
    %mul3A_626 = arith.mulf %slice3A_625, %sub3A_615 : vector<128x1xf32>
    %sub3A_627 = arith.subf %mul3A_626, %sub3A_618 : vector<128x1xf32>
    %sub3A_628 = arith.subf %sub3A_627, %sub3A_602 : vector<128x1xf32>
    %mul3A_629 = arith.mulf %slice3A_625, %sub3A_618 : vector<128x1xf32>
    %add3A_630 = arith.addf %mul3A_629, %sub3A_615 : vector<128x1xf32>
    %sub3A_631 = arith.subf %add3A_630, %sub3A_605 : vector<128x1xf32>
    %mul3A_632 = arith.mulf %slice3A_625, %sub3A_621 : vector<128x1xf32>
    %sub3A_633 = arith.subf %mul3A_632, %sub3A_624 : vector<128x1xf32>
    %sub3A_634 = arith.subf %sub3A_633, %sub3A_608 : vector<128x1xf32>
    %mul3A_635 = arith.mulf %slice3A_625, %sub3A_624 : vector<128x1xf32>
    %add3A_636 = arith.addf %mul3A_635, %sub3A_621 : vector<128x1xf32>
    %sub3A_637 = arith.subf %add3A_636, %sub3A_611 : vector<128x1xf32>
    %slice3A_638 = vector.extract_strided_slice %sub3A_542 {offsets = [0, 7], sizes = [128, 1], strides = [1, 1]} : vector<128x16xf32> to vector<128x1xf32>
    %mul3A_639 = arith.mulf %slice3A_638, %sub3A_628 : vector<128x1xf32>
    %sub3A_640 = arith.subf %mul3A_639, %sub3A_631 : vector<128x1xf32>
    %sub3A_641 = arith.subf %sub3A_640, %sub3A_615 : vector<128x1xf32>
    %mul3A_642 = arith.mulf %slice3A_638, %sub3A_631 : vector<128x1xf32>
    %add3A_643 = arith.addf %mul3A_642, %sub3A_628 : vector<128x1xf32>
    %sub3A_644 = arith.subf %add3A_643, %sub3A_618 : vector<128x1xf32>
    %mul3A_645 = arith.mulf %slice3A_638, %sub3A_634 : vector<128x1xf32>
    %sub3A_646 = arith.subf %mul3A_645, %sub3A_637 : vector<128x1xf32>
    %sub3A_647 = arith.subf %sub3A_646, %sub3A_621 : vector<128x1xf32>
    %mul3A_648 = arith.mulf %slice3A_638, %sub3A_637 : vector<128x1xf32>
    %add3A_649 = arith.addf %mul3A_648, %sub3A_634 : vector<128x1xf32>
    %sub3A_650 = arith.subf %add3A_649, %sub3A_624 : vector<128x1xf32>
    %slice3A_651 = vector.extract_strided_slice %sub3A_542 {offsets = [0, 8], sizes = [128, 1], strides = [1, 1]} : vector<128x16xf32> to vector<128x1xf32>
    %mul3A_652 = arith.mulf %slice3A_651, %sub3A_641 : vector<128x1xf32>
    %sub3A_653 = arith.subf %mul3A_652, %sub3A_644 : vector<128x1xf32>
    %sub3A_654 = arith.subf %sub3A_653, %sub3A_628 : vector<128x1xf32>
    %mul3A_655 = arith.mulf %slice3A_651, %sub3A_644 : vector<128x1xf32>
    %add3A_656 = arith.addf %mul3A_655, %sub3A_641 : vector<128x1xf32>
    %sub3A_657 = arith.subf %add3A_656, %sub3A_631 : vector<128x1xf32>
    %mul3A_658 = arith.mulf %slice3A_651, %sub3A_647 : vector<128x1xf32>
    %sub3A_659 = arith.subf %mul3A_658, %sub3A_650 : vector<128x1xf32>
    %sub3A_660 = arith.subf %sub3A_659, %sub3A_634 : vector<128x1xf32>
    %mul3A_661 = arith.mulf %slice3A_651, %sub3A_650 : vector<128x1xf32>
    %add3A_662 = arith.addf %mul3A_661, %sub3A_647 : vector<128x1xf32>
    %sub3A_663 = arith.subf %add3A_662, %sub3A_637 : vector<128x1xf32>
    %slice3A_664 = vector.extract_strided_slice %sub3A_542 {offsets = [0, 9], sizes = [128, 1], strides = [1, 1]} : vector<128x16xf32> to vector<128x1xf32>
    %mul3A_665 = arith.mulf %slice3A_664, %sub3A_654 : vector<128x1xf32>
    %sub3A_666 = arith.subf %mul3A_665, %sub3A_657 : vector<128x1xf32>
    %sub3A_667 = arith.subf %sub3A_666, %sub3A_641 : vector<128x1xf32>
    %mul3A_668 = arith.mulf %slice3A_664, %sub3A_657 : vector<128x1xf32>
    %add3A_669 = arith.addf %mul3A_668, %sub3A_654 : vector<128x1xf32>
    %sub3A_670 = arith.subf %add3A_669, %sub3A_644 : vector<128x1xf32>
    %mul3A_671 = arith.mulf %slice3A_664, %sub3A_660 : vector<128x1xf32>
    %sub3A_672 = arith.subf %mul3A_671, %sub3A_663 : vector<128x1xf32>
    %sub3A_673 = arith.subf %sub3A_672, %sub3A_647 : vector<128x1xf32>
    %mul3A_674 = arith.mulf %slice3A_664, %sub3A_663 : vector<128x1xf32>
    %add3A_675 = arith.addf %mul3A_674, %sub3A_660 : vector<128x1xf32>
    %sub3A_676 = arith.subf %add3A_675, %sub3A_650 : vector<128x1xf32>
    %slice3A_677 = vector.extract_strided_slice %sub3A_542 {offsets = [0, 10], sizes = [128, 1], strides = [1, 1]} : vector<128x16xf32> to vector<128x1xf32>
    %mul3A_678 = arith.mulf %slice3A_677, %sub3A_667 : vector<128x1xf32>
    %sub3A_679 = arith.subf %mul3A_678, %sub3A_670 : vector<128x1xf32>
    %sub3A_680 = arith.subf %sub3A_679, %sub3A_654 : vector<128x1xf32>
    %mul3A_681 = arith.mulf %slice3A_677, %sub3A_670 : vector<128x1xf32>
    %add3A_682 = arith.addf %mul3A_681, %sub3A_667 : vector<128x1xf32>
    %sub3A_683 = arith.subf %add3A_682, %sub3A_657 : vector<128x1xf32>
    %mul3A_684 = arith.mulf %slice3A_677, %sub3A_673 : vector<128x1xf32>
    %sub3A_685 = arith.subf %mul3A_684, %sub3A_676 : vector<128x1xf32>
    %sub3A_686 = arith.subf %sub3A_685, %sub3A_660 : vector<128x1xf32>
    %mul3A_687 = arith.mulf %slice3A_677, %sub3A_676 : vector<128x1xf32>
    %add3A_688 = arith.addf %mul3A_687, %sub3A_673 : vector<128x1xf32>
    %sub3A_689 = arith.subf %add3A_688, %sub3A_663 : vector<128x1xf32>
    %slice3A_690 = vector.extract_strided_slice %sub3A_542 {offsets = [0, 11], sizes = [128, 1], strides = [1, 1]} : vector<128x16xf32> to vector<128x1xf32>
    %mul3A_691 = arith.mulf %slice3A_690, %sub3A_680 : vector<128x1xf32>
    %sub3A_692 = arith.subf %mul3A_691, %sub3A_683 : vector<128x1xf32>
    %sub3A_693 = arith.subf %sub3A_692, %sub3A_667 : vector<128x1xf32>
    %mul3A_694 = arith.mulf %slice3A_690, %sub3A_683 : vector<128x1xf32>
    %add3A_695 = arith.addf %mul3A_694, %sub3A_680 : vector<128x1xf32>
    %sub3A_696 = arith.subf %add3A_695, %sub3A_670 : vector<128x1xf32>
    %mul3A_697 = arith.mulf %slice3A_690, %sub3A_686 : vector<128x1xf32>
    %sub3A_698 = arith.subf %mul3A_697, %sub3A_689 : vector<128x1xf32>
    %sub3A_699 = arith.subf %sub3A_698, %sub3A_673 : vector<128x1xf32>
    %mul3A_700 = arith.mulf %slice3A_690, %sub3A_689 : vector<128x1xf32>
    %add3A_701 = arith.addf %mul3A_700, %sub3A_686 : vector<128x1xf32>
    %sub3A_702 = arith.subf %add3A_701, %sub3A_676 : vector<128x1xf32>
    %slice3A_703 = vector.extract_strided_slice %sub3A_542 {offsets = [0, 12], sizes = [128, 1], strides = [1, 1]} : vector<128x16xf32> to vector<128x1xf32>
    %mul3A_704 = arith.mulf %slice3A_703, %sub3A_693 : vector<128x1xf32>
    %sub3A_705 = arith.subf %mul3A_704, %sub3A_696 : vector<128x1xf32>
    %sub3A_706 = arith.subf %sub3A_705, %sub3A_680 : vector<128x1xf32>
    %mul3A_707 = arith.mulf %slice3A_703, %sub3A_696 : vector<128x1xf32>
    %add3A_708 = arith.addf %mul3A_707, %sub3A_693 : vector<128x1xf32>
    %sub3A_709 = arith.subf %add3A_708, %sub3A_683 : vector<128x1xf32>
    %mul3A_710 = arith.mulf %slice3A_703, %sub3A_699 : vector<128x1xf32>
    %sub3A_711 = arith.subf %mul3A_710, %sub3A_702 : vector<128x1xf32>
    %sub3A_712 = arith.subf %sub3A_711, %sub3A_686 : vector<128x1xf32>
    %mul3A_713 = arith.mulf %slice3A_703, %sub3A_702 : vector<128x1xf32>
    %add3A_714 = arith.addf %mul3A_713, %sub3A_699 : vector<128x1xf32>
    %sub3A_715 = arith.subf %add3A_714, %sub3A_689 : vector<128x1xf32>
    %slice3A_716 = vector.extract_strided_slice %sub3A_542 {offsets = [0, 13], sizes = [128, 1], strides = [1, 1]} : vector<128x16xf32> to vector<128x1xf32>
    %mul3A_717 = arith.mulf %slice3A_716, %sub3A_706 : vector<128x1xf32>
    %sub3A_718 = arith.subf %mul3A_717, %sub3A_709 : vector<128x1xf32>
    %sub3A_719 = arith.subf %sub3A_718, %sub3A_693 : vector<128x1xf32>
    %mul3A_720 = arith.mulf %slice3A_716, %sub3A_709 : vector<128x1xf32>
    %add3A_721 = arith.addf %mul3A_720, %sub3A_706 : vector<128x1xf32>
    %sub3A_722 = arith.subf %add3A_721, %sub3A_696 : vector<128x1xf32>
    %mul3A_723 = arith.mulf %slice3A_716, %sub3A_712 : vector<128x1xf32>
    %sub3A_724 = arith.subf %mul3A_723, %sub3A_715 : vector<128x1xf32>
    %sub3A_725 = arith.subf %sub3A_724, %sub3A_699 : vector<128x1xf32>
    %mul3A_726 = arith.mulf %slice3A_716, %sub3A_715 : vector<128x1xf32>
    %add3A_727 = arith.addf %mul3A_726, %sub3A_712 : vector<128x1xf32>
    %sub3A_728 = arith.subf %add3A_727, %sub3A_702 : vector<128x1xf32>
    %slice3A_729 = vector.extract_strided_slice %sub3A_542 {offsets = [0, 14], sizes = [128, 1], strides = [1, 1]} : vector<128x16xf32> to vector<128x1xf32>
    %mul3A_730 = arith.mulf %slice3A_729, %sub3A_719 : vector<128x1xf32>
    %sub3A_731 = arith.subf %mul3A_730, %sub3A_722 : vector<128x1xf32>
    %sub3A_732 = arith.subf %sub3A_731, %sub3A_706 : vector<128x1xf32>
    %mul3A_733 = arith.mulf %slice3A_729, %sub3A_722 : vector<128x1xf32>
    %add3A_734 = arith.addf %mul3A_733, %sub3A_719 : vector<128x1xf32>
    %sub3A_735 = arith.subf %add3A_734, %sub3A_709 : vector<128x1xf32>
    %mul3A_736 = arith.mulf %slice3A_729, %sub3A_725 : vector<128x1xf32>
    %sub3A_737 = arith.subf %mul3A_736, %sub3A_728 : vector<128x1xf32>
    %sub3A_738 = arith.subf %sub3A_737, %sub3A_712 : vector<128x1xf32>
    %mul3A_739 = arith.mulf %slice3A_729, %sub3A_728 : vector<128x1xf32>
    %add3A_740 = arith.addf %mul3A_739, %sub3A_725 : vector<128x1xf32>
    %sub3A_741 = arith.subf %add3A_740, %sub3A_715 : vector<128x1xf32>
    %slice3A_742 = vector.extract_strided_slice %sub3A_542 {offsets = [0, 15], sizes = [128, 1], strides = [1, 1]} : vector<128x16xf32> to vector<128x1xf32>
    %mul3A_743 = arith.mulf %slice3A_742, %sub3A_732 : vector<128x1xf32>
    %sub3A_744 = arith.subf %mul3A_743, %sub3A_735 : vector<128x1xf32>
    %sub3A_745 = arith.subf %sub3A_744, %sub3A_719 : vector<128x1xf32>
    %mul3A_746 = arith.mulf %slice3A_742, %sub3A_735 : vector<128x1xf32>
    %add3A_747 = arith.addf %mul3A_746, %sub3A_732 : vector<128x1xf32>
    %sub3A_748 = arith.subf %add3A_747, %sub3A_722 : vector<128x1xf32>
    %mul3A_749 = arith.mulf %slice3A_742, %sub3A_738 : vector<128x1xf32>
    %sub3A_750 = arith.subf %mul3A_749, %sub3A_741 : vector<128x1xf32>
    %sub3A_751 = arith.subf %sub3A_750, %sub3A_725 : vector<128x1xf32>
    %mul3A_752 = arith.mulf %slice3A_742, %sub3A_741 : vector<128x1xf32>
    %add3A_753 = arith.addf %mul3A_752, %sub3A_738 : vector<128x1xf32>
    %sub3A_754 = arith.subf %add3A_753, %sub3A_728 : vector<128x1xf32>
    %swap3A_755 = arith.constant 0 : index
    %swap3A_756 = arith.constant 0 : index
    %swap3A_757 = vector.load %arg7[%swap3A_755, %swap3A_756] : memref<128x8xf32, #tpu.memory_space<vmem>>, vector<128x1xf32>
    tpu.vector_store %arg7[%swap3A_755, %swap3A_756], %sub3A_732 {strides = array<i32>} : memref<128x8xf32, #tpu.memory_space<vmem>>, vector<128x1xf32>,
    %swap3A_758 = arith.constant 0 : index
    %swap3A_759 = arith.constant 1 : index
    %swap3A_760 = vector.load %arg7[%swap3A_758, %swap3A_759] : memref<128x8xf32, #tpu.memory_space<vmem>>, vector<128x1xf32>
    tpu.vector_store %arg7[%swap3A_758, %swap3A_759], %sub3A_735 {strides = array<i32>} : memref<128x8xf32, #tpu.memory_space<vmem>>, vector<128x1xf32>,
    %swap3A_761 = arith.constant 0 : index
    %swap3A_762 = arith.constant 2 : index
    %swap3A_763 = vector.load %arg7[%swap3A_761, %swap3A_762] : memref<128x8xf32, #tpu.memory_space<vmem>>, vector<128x1xf32>
    tpu.vector_store %arg7[%swap3A_761, %swap3A_762], %sub3A_738 {strides = array<i32>} : memref<128x8xf32, #tpu.memory_space<vmem>>, vector<128x1xf32>,
    %swap3A_764 = arith.constant 0 : index
    %swap3A_765 = arith.constant 3 : index
    %swap3A_766 = vector.load %arg7[%swap3A_764, %swap3A_765] : memref<128x8xf32, #tpu.memory_space<vmem>>, vector<128x1xf32>
    tpu.vector_store %arg7[%swap3A_764, %swap3A_765], %sub3A_741 {strides = array<i32>} : memref<128x8xf32, #tpu.memory_space<vmem>>, vector<128x1xf32>,
    %swap3A_767 = arith.constant 0 : index
    %swap3A_768 = arith.constant 4 : index
    %swap3A_769 = vector.load %arg7[%swap3A_767, %swap3A_768] : memref<128x8xf32, #tpu.memory_space<vmem>>, vector<128x1xf32>
    tpu.vector_store %arg7[%swap3A_767, %swap3A_768], %sub3A_745 {strides = array<i32>} : memref<128x8xf32, #tpu.memory_space<vmem>>, vector<128x1xf32>,
    %swap3A_770 = arith.constant 0 : index
    %swap3A_771 = arith.constant 5 : index
    %swap3A_772 = vector.load %arg7[%swap3A_770, %swap3A_771] : memref<128x8xf32, #tpu.memory_space<vmem>>, vector<128x1xf32>
    tpu.vector_store %arg7[%swap3A_770, %swap3A_771], %sub3A_748 {strides = array<i32>} : memref<128x8xf32, #tpu.memory_space<vmem>>, vector<128x1xf32>,
    %swap3A_773 = arith.constant 0 : index
    %swap3A_774 = arith.constant 6 : index
    %swap3A_775 = vector.load %arg7[%swap3A_773, %swap3A_774] : memref<128x8xf32, #tpu.memory_space<vmem>>, vector<128x1xf32>
    tpu.vector_store %arg7[%swap3A_773, %swap3A_774], %sub3A_751 {strides = array<i32>} : memref<128x8xf32, #tpu.memory_space<vmem>>, vector<128x1xf32>,
    %swap3A_776 = arith.constant 0 : index
    %swap3A_777 = arith.constant 7 : index
    %swap3A_778 = vector.load %arg7[%swap3A_776, %swap3A_777] : memref<128x8xf32, #tpu.memory_space<vmem>>, vector<128x1xf32>
    tpu.vector_store %arg7[%swap3A_776, %swap3A_777], %sub3A_754 {strides = array<i32>} : memref<128x8xf32, #tpu.memory_space<vmem>>, vector<128x1xf32>,
    %broadcast_in_dim3A_779 = arith.constant 0.000000e+00 : f32
    %broadcast_in_dim3A_780 = vector.broadcast %broadcast_in_dim3A_779 : f32 to vector<1x1xf32>
    %scan3A_781 = arith.constant 0 : i32
    %scan3A_782 = arith.constant 128 : i32
    %scan3A_783 = arith.addi %scan3A_781, %scan3A_782 : i32
    %scan3A_784 = arith.constant 1 : i32
    %scan3A_785:2 = scf.for %scan3A_1084 = %scan3A_781 to %scan3A_783 step %scan3A_784 iter_args(%scan3A_1085 = %broadcast_in_dim3A_780, %scan3A_1086 = %broadcast_in_dim3A_780) -> (vector<1x1xf32>, vector<1x1xf32>)  : i32 {
      %concatenate3A = tpu.concatenate %scan3A_1085, %scan3A_1086 in 1 : vector<1x1xf32>, vector<1x1xf32> -> vector<1x2xf32>
      %swap3A_1087 = arith.index_cast %scan3A_1084 : i32 to index
      %swap3A_1088 = arith.constant 0 : index
      %swap3A_1089 = vector.load %arg8[%swap3A_1087, %swap3A_1088] : memref<128x2xf32, #tpu.memory_space<vmem>>, vector<1x2xf32>
      tpu.vector_store %arg8[%swap3A_1087, %swap3A_1088], %concatenate3A {strides = array<i32>} : memref<128x2xf32, #tpu.memory_space<vmem>>, vector<1x2xf32>,
      %get3A_1090 = arith.index_cast %scan3A_1084 : i32 to index
      %get3A_1091 = arith.constant 0 : index
      %get3A_1092 = vector.load %arg7[%get3A_1090, %get3A_1091] : memref<128x8xf32, #tpu.memory_space<vmem>>, vector<1x8xf32>
      %slice3A_1093 = vector.extract_strided_slice %get3A_1092 {offsets = [0, 0], sizes = [1, 1], strides = [1, 1]} : vector<1x8xf32> to vector<1x1xf32>
      %mul3A_1094 = arith.mulf %slice3A_1093, %scan3A_1085 : vector<1x1xf32>
      %slice3A_1095 = vector.extract_strided_slice %get3A_1092 {offsets = [0, 1], sizes = [1, 1], strides = [1, 1]} : vector<1x8xf32> to vector<1x1xf32>
      %mul3A_1096 = arith.mulf %slice3A_1095, %scan3A_1086 : vector<1x1xf32>
      %sub3A_1097 = arith.subf %mul3A_1094, %mul3A_1096 : vector<1x1xf32>
      %slice3A_1098 = vector.extract_strided_slice %get3A_1092 {offsets = [0, 2], sizes = [1, 1], strides = [1, 1]} : vector<1x8xf32> to vector<1x1xf32>
      %add3A_1099 = arith.addf %sub3A_1097, %slice3A_1098 : vector<1x1xf32>
      %slice3A_1100 = vector.extract_strided_slice %get3A_1092 {offsets = [0, 0], sizes = [1, 1], strides = [1, 1]} : vector<1x8xf32> to vector<1x1xf32>
      %mul3A_1101 = arith.mulf %slice3A_1100, %scan3A_1086 : vector<1x1xf32>
      %slice3A_1102 = vector.extract_strided_slice %get3A_1092 {offsets = [0, 1], sizes = [1, 1], strides = [1, 1]} : vector<1x8xf32> to vector<1x1xf32>
      %mul3A_1103 = arith.mulf %slice3A_1102, %scan3A_1085 : vector<1x1xf32>
      %add3A_1104 = arith.addf %mul3A_1101, %mul3A_1103 : vector<1x1xf32>
      %slice3A_1105 = vector.extract_strided_slice %get3A_1092 {offsets = [0, 3], sizes = [1, 1], strides = [1, 1]} : vector<1x8xf32> to vector<1x1xf32>
      %add3A_1106 = arith.addf %add3A_1104, %slice3A_1105 : vector<1x1xf32>
      %slice3A_1107 = vector.extract_strided_slice %get3A_1092 {offsets = [0, 4], sizes = [1, 1], strides = [1, 1]} : vector<1x8xf32> to vector<1x1xf32>
      %mul3A_1108 = arith.mulf %slice3A_1107, %scan3A_1085 : vector<1x1xf32>
      %slice3A_1109 = vector.extract_strided_slice %get3A_1092 {offsets = [0, 5], sizes = [1, 1], strides = [1, 1]} : vector<1x8xf32> to vector<1x1xf32>
      %mul3A_1110 = arith.mulf %slice3A_1109, %scan3A_1086 : vector<1x1xf32>
      %sub3A_1111 = arith.subf %mul3A_1108, %mul3A_1110 : vector<1x1xf32>
      %slice3A_1112 = vector.extract_strided_slice %get3A_1092 {offsets = [0, 6], sizes = [1, 1], strides = [1, 1]} : vector<1x8xf32> to vector<1x1xf32>
      %add3A_1113 = arith.addf %sub3A_1111, %slice3A_1112 : vector<1x1xf32>
      %slice3A_1114 = vector.extract_strided_slice %get3A_1092 {offsets = [0, 4], sizes = [1, 1], strides = [1, 1]} : vector<1x8xf32> to vector<1x1xf32>
      %mul3A_1115 = arith.mulf %slice3A_1114, %scan3A_1086 : vector<1x1xf32>
      %slice3A_1116 = vector.extract_strided_slice %get3A_1092 {offsets = [0, 5], sizes = [1, 1], strides = [1, 1]} : vector<1x8xf32> to vector<1x1xf32>
      %mul3A_1117 = arith.mulf %slice3A_1116, %scan3A_1085 : vector<1x1xf32>
      %add3A_1118 = arith.addf %mul3A_1115, %mul3A_1117 : vector<1x1xf32>
      %slice3A_1119 = vector.extract_strided_slice %get3A_1092 {offsets = [0, 7], sizes = [1, 1], strides = [1, 1]} : vector<1x8xf32> to vector<1x1xf32>
      %add3A_1120 = arith.addf %add3A_1118, %slice3A_1119 : vector<1x1xf32>
      %mul3A_1121 = arith.mulf %add3A_1113, %add3A_1113 : vector<1x1xf32>
      %mul3A_1122 = arith.mulf %add3A_1120, %add3A_1120 : vector<1x1xf32>
      %add3A_1123 = arith.addf %mul3A_1121, %mul3A_1122 : vector<1x1xf32>
      %mul3A_1124 = arith.mulf %add3A_1099, %add3A_1113 : vector<1x1xf32>
      %mul3A_1125 = arith.mulf %add3A_1106, %add3A_1120 : vector<1x1xf32>
      %add3A_1126 = arith.addf %mul3A_1124, %mul3A_1125 : vector<1x1xf32>
      %div3A_1127 = arith.divf %add3A_1126, %add3A_1123 : vector<1x1xf32>
      %mul3A_1128 = arith.mulf %add3A_1106, %add3A_1113 : vector<1x1xf32>
      %mul3A_1129 = arith.mulf %add3A_1099, %add3A_1120 : vector<1x1xf32>
      %sub3A_1130 = arith.subf %mul3A_1128, %mul3A_1129 : vector<1x1xf32>
      %div3A_1131 = arith.divf %sub3A_1130, %add3A_1123 : vector<1x1xf32>
      scf.yield %div3A_1127, %div3A_1131 : vector<1x1xf32>, vector<1x1xf32>
    }
    %scan3A_786 = arith.constant 128 : i32
    %get3A_787 = arith.constant 0 : index
    %get3A_788 = arith.constant 0 : index
    %get3A_789 = vector.load %arg8[%get3A_787, %get3A_788] : memref<128x2xf32, #tpu.memory_space<vmem>>, vector<128x1xf32>
    %get3A_790 = arith.constant 0 : index
    %get3A_791 = arith.constant 1 : index
    %get3A_792 = vector.load %arg8[%get3A_790, %get3A_791] : memref<128x2xf32, #tpu.memory_space<vmem>>, vector<128x1xf32>
    %swap3A_793 = arith.constant 0 : index
    %swap3A_794 = arith.constant 0 : index
    %swap3A_795 = vector.load %arg5[%swap3A_793, %swap3A_794] : memref<128x16xf32, #tpu.memory_space<vmem>>, vector<128x1xf32>
    tpu.vector_store %arg5[%swap3A_793, %swap3A_794], %get3A_789 {strides = array<i32>} : memref<128x16xf32, #tpu.memory_space<vmem>>, vector<128x1xf32>,
    %swap3A_796 = arith.constant 0 : index
    %swap3A_797 = arith.constant 0 : index
    %swap3A_798 = vector.load %arg6[%swap3A_796, %swap3A_797] : memref<128x16xf32, #tpu.memory_space<vmem>>, vector<128x1xf32>
    tpu.vector_store %arg6[%swap3A_796, %swap3A_797], %get3A_792 {strides = array<i32>} : memref<128x16xf32, #tpu.memory_space<vmem>>, vector<128x1xf32>,
    %slice3A_799 = vector.extract_strided_slice %sub3A_542 {offsets = [0, 0], sizes = [128, 1], strides = [1, 1]} : vector<128x16xf32> to vector<128x1xf32>
    %sub3A_800 = arith.subf %slice3A_799, %get3A_789 : vector<128x1xf32>
    %sub3A_801 = arith.constant 1.000000e+00 : f32
    %sub3A_802 = vector.broadcast %sub3A_801 : f32 to vector<128x1xf32>
    %sub3A_803 = arith.subf %sub3A_802, %get3A_792 : vector<128x1xf32>
    %mul3A_804 = arith.mulf %sub3A_800, %sub3A_800 : vector<128x1xf32>
    %mul3A_805 = arith.mulf %sub3A_803, %sub3A_803 : vector<128x1xf32>
    %add3A_806 = arith.addf %mul3A_804, %mul3A_805 : vector<128x1xf32>
    %div3A_807 = arith.divf %sub3A_800, %add3A_806 : vector<128x1xf32>
    %neg3A_808 = arith.constant 0.000000e+00 : f32
    %neg3A_809 = vector.broadcast %neg3A_808 : f32 to vector<128x1xf32>
    %neg3A_810 = arith.subf %neg3A_809, %sub3A_803 : vector<128x1xf32>
    %div3A_811 = arith.divf %neg3A_810, %add3A_806 : vector<128x1xf32>
    %swap3A_812 = arith.constant 0 : index
    %swap3A_813 = arith.constant 1 : index
    %swap3A_814 = vector.load %arg5[%swap3A_812, %swap3A_813] : memref<128x16xf32, #tpu.memory_space<vmem>>, vector<128x1xf32>
    tpu.vector_store %arg5[%swap3A_812, %swap3A_813], %div3A_807 {strides = array<i32>} : memref<128x16xf32, #tpu.memory_space<vmem>>, vector<128x1xf32>,
    %swap3A_815 = arith.constant 0 : index
    %swap3A_816 = arith.constant 1 : index
    %swap3A_817 = vector.load %arg6[%swap3A_815, %swap3A_816] : memref<128x16xf32, #tpu.memory_space<vmem>>, vector<128x1xf32>
    tpu.vector_store %arg6[%swap3A_815, %swap3A_816], %div3A_811 {strides = array<i32>} : memref<128x16xf32, #tpu.memory_space<vmem>>, vector<128x1xf32>,
    %slice3A_818 = vector.extract_strided_slice %sub3A_542 {offsets = [0, 1], sizes = [128, 1], strides = [1, 1]} : vector<128x16xf32> to vector<128x1xf32>
    %sub3A_819 = arith.subf %slice3A_818, %div3A_807 : vector<128x1xf32>
    %sub3A_820 = arith.constant 1.000000e+00 : f32
    %sub3A_821 = vector.broadcast %sub3A_820 : f32 to vector<128x1xf32>
    %sub3A_822 = arith.subf %sub3A_821, %div3A_811 : vector<128x1xf32>
    %mul3A_823 = arith.mulf %sub3A_819, %sub3A_819 : vector<128x1xf32>
    %mul3A_824 = arith.mulf %sub3A_822, %sub3A_822 : vector<128x1xf32>
    %add3A_825 = arith.addf %mul3A_823, %mul3A_824 : vector<128x1xf32>
    %div3A_826 = arith.divf %sub3A_819, %add3A_825 : vector<128x1xf32>
    %neg3A_827 = arith.constant 0.000000e+00 : f32
    %neg3A_828 = vector.broadcast %neg3A_827 : f32 to vector<128x1xf32>
    %neg3A_829 = arith.subf %neg3A_828, %sub3A_822 : vector<128x1xf32>
    %div3A_830 = arith.divf %neg3A_829, %add3A_825 : vector<128x1xf32>
    %swap3A_831 = arith.constant 0 : index
    %swap3A_832 = arith.constant 2 : index
    %swap3A_833 = vector.load %arg5[%swap3A_831, %swap3A_832] : memref<128x16xf32, #tpu.memory_space<vmem>>, vector<128x1xf32>
    tpu.vector_store %arg5[%swap3A_831, %swap3A_832], %div3A_826 {strides = array<i32>} : memref<128x16xf32, #tpu.memory_space<vmem>>, vector<128x1xf32>,
    %swap3A_834 = arith.constant 0 : index
    %swap3A_835 = arith.constant 2 : index
    %swap3A_836 = vector.load %arg6[%swap3A_834, %swap3A_835] : memref<128x16xf32, #tpu.memory_space<vmem>>, vector<128x1xf32>
    tpu.vector_store %arg6[%swap3A_834, %swap3A_835], %div3A_830 {strides = array<i32>} : memref<128x16xf32, #tpu.memory_space<vmem>>, vector<128x1xf32>,
    %slice3A_837 = vector.extract_strided_slice %sub3A_542 {offsets = [0, 2], sizes = [128, 1], strides = [1, 1]} : vector<128x16xf32> to vector<128x1xf32>
    %sub3A_838 = arith.subf %slice3A_837, %div3A_826 : vector<128x1xf32>
    %sub3A_839 = arith.constant 1.000000e+00 : f32
    %sub3A_840 = vector.broadcast %sub3A_839 : f32 to vector<128x1xf32>
    %sub3A_841 = arith.subf %sub3A_840, %div3A_830 : vector<128x1xf32>
    %mul3A_842 = arith.mulf %sub3A_838, %sub3A_838 : vector<128x1xf32>
    %mul3A_843 = arith.mulf %sub3A_841, %sub3A_841 : vector<128x1xf32>
    %add3A_844 = arith.addf %mul3A_842, %mul3A_843 : vector<128x1xf32>
    %div3A_845 = arith.divf %sub3A_838, %add3A_844 : vector<128x1xf32>
    %neg3A_846 = arith.constant 0.000000e+00 : f32
    %neg3A_847 = vector.broadcast %neg3A_846 : f32 to vector<128x1xf32>
    %neg3A_848 = arith.subf %neg3A_847, %sub3A_841 : vector<128x1xf32>
    %div3A_849 = arith.divf %neg3A_848, %add3A_844 : vector<128x1xf32>
    %swap3A_850 = arith.constant 0 : index
    %swap3A_851 = arith.constant 3 : index
    %swap3A_852 = vector.load %arg5[%swap3A_850, %swap3A_851] : memref<128x16xf32, #tpu.memory_space<vmem>>, vector<128x1xf32>
    tpu.vector_store %arg5[%swap3A_850, %swap3A_851], %div3A_845 {strides = array<i32>} : memref<128x16xf32, #tpu.memory_space<vmem>>, vector<128x1xf32>,
    %swap3A_853 = arith.constant 0 : index
    %swap3A_854 = arith.constant 3 : index
    %swap3A_855 = vector.load %arg6[%swap3A_853, %swap3A_854] : memref<128x16xf32, #tpu.memory_space<vmem>>, vector<128x1xf32>
    tpu.vector_store %arg6[%swap3A_853, %swap3A_854], %div3A_849 {strides = array<i32>} : memref<128x16xf32, #tpu.memory_space<vmem>>, vector<128x1xf32>,
    %slice3A_856 = vector.extract_strided_slice %sub3A_542 {offsets = [0, 3], sizes = [128, 1], strides = [1, 1]} : vector<128x16xf32> to vector<128x1xf32>
    %sub3A_857 = arith.subf %slice3A_856, %div3A_845 : vector<128x1xf32>
    %sub3A_858 = arith.constant 1.000000e+00 : f32
    %sub3A_859 = vector.broadcast %sub3A_858 : f32 to vector<128x1xf32>
    %sub3A_860 = arith.subf %sub3A_859, %div3A_849 : vector<128x1xf32>
    %mul3A_861 = arith.mulf %sub3A_857, %sub3A_857 : vector<128x1xf32>
    %mul3A_862 = arith.mulf %sub3A_860, %sub3A_860 : vector<128x1xf32>
    %add3A_863 = arith.addf %mul3A_861, %mul3A_862 : vector<128x1xf32>
    %div3A_864 = arith.divf %sub3A_857, %add3A_863 : vector<128x1xf32>
    %neg3A_865 = arith.constant 0.000000e+00 : f32
    %neg3A_866 = vector.broadcast %neg3A_865 : f32 to vector<128x1xf32>
    %neg3A_867 = arith.subf %neg3A_866, %sub3A_860 : vector<128x1xf32>
    %div3A_868 = arith.divf %neg3A_867, %add3A_863 : vector<128x1xf32>
    %swap3A_869 = arith.constant 0 : index
    %swap3A_870 = arith.constant 4 : index
    %swap3A_871 = vector.load %arg5[%swap3A_869, %swap3A_870] : memref<128x16xf32, #tpu.memory_space<vmem>>, vector<128x1xf32>
    tpu.vector_store %arg5[%swap3A_869, %swap3A_870], %div3A_864 {strides = array<i32>} : memref<128x16xf32, #tpu.memory_space<vmem>>, vector<128x1xf32>,
    %swap3A_872 = arith.constant 0 : index
    %swap3A_873 = arith.constant 4 : index
    %swap3A_874 = vector.load %arg6[%swap3A_872, %swap3A_873] : memref<128x16xf32, #tpu.memory_space<vmem>>, vector<128x1xf32>
    tpu.vector_store %arg6[%swap3A_872, %swap3A_873], %div3A_868 {strides = array<i32>} : memref<128x16xf32, #tpu.memory_space<vmem>>, vector<128x1xf32>,
    %slice3A_875 = vector.extract_strided_slice %sub3A_542 {offsets = [0, 4], sizes = [128, 1], strides = [1, 1]} : vector<128x16xf32> to vector<128x1xf32>
    %sub3A_876 = arith.subf %slice3A_875, %div3A_864 : vector<128x1xf32>
    %sub3A_877 = arith.constant 1.000000e+00 : f32
    %sub3A_878 = vector.broadcast %sub3A_877 : f32 to vector<128x1xf32>
    %sub3A_879 = arith.subf %sub3A_878, %div3A_868 : vector<128x1xf32>
    %mul3A_880 = arith.mulf %sub3A_876, %sub3A_876 : vector<128x1xf32>
    %mul3A_881 = arith.mulf %sub3A_879, %sub3A_879 : vector<128x1xf32>
    %add3A_882 = arith.addf %mul3A_880, %mul3A_881 : vector<128x1xf32>
    %div3A_883 = arith.divf %sub3A_876, %add3A_882 : vector<128x1xf32>
    %neg3A_884 = arith.constant 0.000000e+00 : f32
    %neg3A_885 = vector.broadcast %neg3A_884 : f32 to vector<128x1xf32>
    %neg3A_886 = arith.subf %neg3A_885, %sub3A_879 : vector<128x1xf32>
    %div3A_887 = arith.divf %neg3A_886, %add3A_882 : vector<128x1xf32>
    %swap3A_888 = arith.constant 0 : index
    %swap3A_889 = arith.constant 5 : index
    %swap3A_890 = vector.load %arg5[%swap3A_888, %swap3A_889] : memref<128x16xf32, #tpu.memory_space<vmem>>, vector<128x1xf32>
    tpu.vector_store %arg5[%swap3A_888, %swap3A_889], %div3A_883 {strides = array<i32>} : memref<128x16xf32, #tpu.memory_space<vmem>>, vector<128x1xf32>,
    %swap3A_891 = arith.constant 0 : index
    %swap3A_892 = arith.constant 5 : index
    %swap3A_893 = vector.load %arg6[%swap3A_891, %swap3A_892] : memref<128x16xf32, #tpu.memory_space<vmem>>, vector<128x1xf32>
    tpu.vector_store %arg6[%swap3A_891, %swap3A_892], %div3A_887 {strides = array<i32>} : memref<128x16xf32, #tpu.memory_space<vmem>>, vector<128x1xf32>,
    %slice3A_894 = vector.extract_strided_slice %sub3A_542 {offsets = [0, 5], sizes = [128, 1], strides = [1, 1]} : vector<128x16xf32> to vector<128x1xf32>
    %sub3A_895 = arith.subf %slice3A_894, %div3A_883 : vector<128x1xf32>
    %sub3A_896 = arith.constant 1.000000e+00 : f32
    %sub3A_897 = vector.broadcast %sub3A_896 : f32 to vector<128x1xf32>
    %sub3A_898 = arith.subf %sub3A_897, %div3A_887 : vector<128x1xf32>
    %mul3A_899 = arith.mulf %sub3A_895, %sub3A_895 : vector<128x1xf32>
    %mul3A_900 = arith.mulf %sub3A_898, %sub3A_898 : vector<128x1xf32>
    %add3A_901 = arith.addf %mul3A_899, %mul3A_900 : vector<128x1xf32>
    %div3A_902 = arith.divf %sub3A_895, %add3A_901 : vector<128x1xf32>
    %neg3A_903 = arith.constant 0.000000e+00 : f32
    %neg3A_904 = vector.broadcast %neg3A_903 : f32 to vector<128x1xf32>
    %neg3A_905 = arith.subf %neg3A_904, %sub3A_898 : vector<128x1xf32>
    %div3A_906 = arith.divf %neg3A_905, %add3A_901 : vector<128x1xf32>
    %swap3A_907 = arith.constant 0 : index
    %swap3A_908 = arith.constant 6 : index
    %swap3A_909 = vector.load %arg5[%swap3A_907, %swap3A_908] : memref<128x16xf32, #tpu.memory_space<vmem>>, vector<128x1xf32>
    tpu.vector_store %arg5[%swap3A_907, %swap3A_908], %div3A_902 {strides = array<i32>} : memref<128x16xf32, #tpu.memory_space<vmem>>, vector<128x1xf32>,
    %swap3A_910 = arith.constant 0 : index
    %swap3A_911 = arith.constant 6 : index
    %swap3A_912 = vector.load %arg6[%swap3A_910, %swap3A_911] : memref<128x16xf32, #tpu.memory_space<vmem>>, vector<128x1xf32>
    tpu.vector_store %arg6[%swap3A_910, %swap3A_911], %div3A_906 {strides = array<i32>} : memref<128x16xf32, #tpu.memory_space<vmem>>, vector<128x1xf32>,
    %slice3A_913 = vector.extract_strided_slice %sub3A_542 {offsets = [0, 6], sizes = [128, 1], strides = [1, 1]} : vector<128x16xf32> to vector<128x1xf32>
    %sub3A_914 = arith.subf %slice3A_913, %div3A_902 : vector<128x1xf32>
    %sub3A_915 = arith.constant 1.000000e+00 : f32
    %sub3A_916 = vector.broadcast %sub3A_915 : f32 to vector<128x1xf32>
    %sub3A_917 = arith.subf %sub3A_916, %div3A_906 : vector<128x1xf32>
    %mul3A_918 = arith.mulf %sub3A_914, %sub3A_914 : vector<128x1xf32>
    %mul3A_919 = arith.mulf %sub3A_917, %sub3A_917 : vector<128x1xf32>
    %add3A_920 = arith.addf %mul3A_918, %mul3A_919 : vector<128x1xf32>
    %div3A_921 = arith.divf %sub3A_914, %add3A_920 : vector<128x1xf32>
    %neg3A_922 = arith.constant 0.000000e+00 : f32
    %neg3A_923 = vector.broadcast %neg3A_922 : f32 to vector<128x1xf32>
    %neg3A_924 = arith.subf %neg3A_923, %sub3A_917 : vector<128x1xf32>
    %div3A_925 = arith.divf %neg3A_924, %add3A_920 : vector<128x1xf32>
    %swap3A_926 = arith.constant 0 : index
    %swap3A_927 = arith.constant 7 : index
    %swap3A_928 = vector.load %arg5[%swap3A_926, %swap3A_927] : memref<128x16xf32, #tpu.memory_space<vmem>>, vector<128x1xf32>
    tpu.vector_store %arg5[%swap3A_926, %swap3A_927], %div3A_921 {strides = array<i32>} : memref<128x16xf32, #tpu.memory_space<vmem>>, vector<128x1xf32>,
    %swap3A_929 = arith.constant 0 : index
    %swap3A_930 = arith.constant 7 : index
    %swap3A_931 = vector.load %arg6[%swap3A_929, %swap3A_930] : memref<128x16xf32, #tpu.memory_space<vmem>>, vector<128x1xf32>
    tpu.vector_store %arg6[%swap3A_929, %swap3A_930], %div3A_925 {strides = array<i32>} : memref<128x16xf32, #tpu.memory_space<vmem>>, vector<128x1xf32>,
    %slice3A_932 = vector.extract_strided_slice %sub3A_542 {offsets = [0, 7], sizes = [128, 1], strides = [1, 1]} : vector<128x16xf32> to vector<128x1xf32>
    %sub3A_933 = arith.subf %slice3A_932, %div3A_921 : vector<128x1xf32>
    %sub3A_934 = arith.constant 1.000000e+00 : f32
    %sub3A_935 = vector.broadcast %sub3A_934 : f32 to vector<128x1xf32>
    %sub3A_936 = arith.subf %sub3A_935, %div3A_925 : vector<128x1xf32>
    %mul3A_937 = arith.mulf %sub3A_933, %sub3A_933 : vector<128x1xf32>
    %mul3A_938 = arith.mulf %sub3A_936, %sub3A_936 : vector<128x1xf32>
    %add3A_939 = arith.addf %mul3A_937, %mul3A_938 : vector<128x1xf32>
    %div3A_940 = arith.divf %sub3A_933, %add3A_939 : vector<128x1xf32>
    %neg3A_941 = arith.constant 0.000000e+00 : f32
    %neg3A_942 = vector.broadcast %neg3A_941 : f32 to vector<128x1xf32>
    %neg3A_943 = arith.subf %neg3A_942, %sub3A_936 : vector<128x1xf32>
    %div3A_944 = arith.divf %neg3A_943, %add3A_939 : vector<128x1xf32>
    %swap3A_945 = arith.constant 0 : index
    %swap3A_946 = arith.constant 8 : index
    %swap3A_947 = vector.load %arg5[%swap3A_945, %swap3A_946] : memref<128x16xf32, #tpu.memory_space<vmem>>, vector<128x1xf32>
    tpu.vector_store %arg5[%swap3A_945, %swap3A_946], %div3A_940 {strides = array<i32>} : memref<128x16xf32, #tpu.memory_space<vmem>>, vector<128x1xf32>,
    %swap3A_948 = arith.constant 0 : index
    %swap3A_949 = arith.constant 8 : index
    %swap3A_950 = vector.load %arg6[%swap3A_948, %swap3A_949] : memref<128x16xf32, #tpu.memory_space<vmem>>, vector<128x1xf32>
    tpu.vector_store %arg6[%swap3A_948, %swap3A_949], %div3A_944 {strides = array<i32>} : memref<128x16xf32, #tpu.memory_space<vmem>>, vector<128x1xf32>,
    %slice3A_951 = vector.extract_strided_slice %sub3A_542 {offsets = [0, 8], sizes = [128, 1], strides = [1, 1]} : vector<128x16xf32> to vector<128x1xf32>
    %sub3A_952 = arith.subf %slice3A_951, %div3A_940 : vector<128x1xf32>
    %sub3A_953 = arith.constant 1.000000e+00 : f32
    %sub3A_954 = vector.broadcast %sub3A_953 : f32 to vector<128x1xf32>
    %sub3A_955 = arith.subf %sub3A_954, %div3A_944 : vector<128x1xf32>
    %mul3A_956 = arith.mulf %sub3A_952, %sub3A_952 : vector<128x1xf32>
    %mul3A_957 = arith.mulf %sub3A_955, %sub3A_955 : vector<128x1xf32>
    %add3A_958 = arith.addf %mul3A_956, %mul3A_957 : vector<128x1xf32>
    %div3A_959 = arith.divf %sub3A_952, %add3A_958 : vector<128x1xf32>
    %neg3A_960 = arith.constant 0.000000e+00 : f32
    %neg3A_961 = vector.broadcast %neg3A_960 : f32 to vector<128x1xf32>
    %neg3A_962 = arith.subf %neg3A_961, %sub3A_955 : vector<128x1xf32>
    %div3A_963 = arith.divf %neg3A_962, %add3A_958 : vector<128x1xf32>
    %swap3A_964 = arith.constant 0 : index
    %swap3A_965 = arith.constant 9 : index
    %swap3A_966 = vector.load %arg5[%swap3A_964, %swap3A_965] : memref<128x16xf32, #tpu.memory_space<vmem>>, vector<128x1xf32>
    tpu.vector_store %arg5[%swap3A_964, %swap3A_965], %div3A_959 {strides = array<i32>} : memref<128x16xf32, #tpu.memory_space<vmem>>, vector<128x1xf32>,
    %swap3A_967 = arith.constant 0 : index
    %swap3A_968 = arith.constant 9 : index
    %swap3A_969 = vector.load %arg6[%swap3A_967, %swap3A_968] : memref<128x16xf32, #tpu.memory_space<vmem>>, vector<128x1xf32>
    tpu.vector_store %arg6[%swap3A_967, %swap3A_968], %div3A_963 {strides = array<i32>} : memref<128x16xf32, #tpu.memory_space<vmem>>, vector<128x1xf32>,
    %slice3A_970 = vector.extract_strided_slice %sub3A_542 {offsets = [0, 9], sizes = [128, 1], strides = [1, 1]} : vector<128x16xf32> to vector<128x1xf32>
    %sub3A_971 = arith.subf %slice3A_970, %div3A_959 : vector<128x1xf32>
    %sub3A_972 = arith.constant 1.000000e+00 : f32
    %sub3A_973 = vector.broadcast %sub3A_972 : f32 to vector<128x1xf32>
    %sub3A_974 = arith.subf %sub3A_973, %div3A_963 : vector<128x1xf32>
    %mul3A_975 = arith.mulf %sub3A_971, %sub3A_971 : vector<128x1xf32>
    %mul3A_976 = arith.mulf %sub3A_974, %sub3A_974 : vector<128x1xf32>
    %add3A_977 = arith.addf %mul3A_975, %mul3A_976 : vector<128x1xf32>
    %div3A_978 = arith.divf %sub3A_971, %add3A_977 : vector<128x1xf32>
    %neg3A_979 = arith.constant 0.000000e+00 : f32
    %neg3A_980 = vector.broadcast %neg3A_979 : f32 to vector<128x1xf32>
    %neg3A_981 = arith.subf %neg3A_980, %sub3A_974 : vector<128x1xf32>
    %div3A_982 = arith.divf %neg3A_981, %add3A_977 : vector<128x1xf32>
    %swap3A_983 = arith.constant 0 : index
    %swap3A_984 = arith.constant 10 : index
    %swap3A_985 = vector.load %arg5[%swap3A_983, %swap3A_984] : memref<128x16xf32, #tpu.memory_space<vmem>>, vector<128x1xf32>
    tpu.vector_store %arg5[%swap3A_983, %swap3A_984], %div3A_978 {strides = array<i32>} : memref<128x16xf32, #tpu.memory_space<vmem>>, vector<128x1xf32>,
    %swap3A_986 = arith.constant 0 : index
    %swap3A_987 = arith.constant 10 : index
    %swap3A_988 = vector.load %arg6[%swap3A_986, %swap3A_987] : memref<128x16xf32, #tpu.memory_space<vmem>>, vector<128x1xf32>
    tpu.vector_store %arg6[%swap3A_986, %swap3A_987], %div3A_982 {strides = array<i32>} : memref<128x16xf32, #tpu.memory_space<vmem>>, vector<128x1xf32>,
    %slice3A_989 = vector.extract_strided_slice %sub3A_542 {offsets = [0, 10], sizes = [128, 1], strides = [1, 1]} : vector<128x16xf32> to vector<128x1xf32>
    %sub3A_990 = arith.subf %slice3A_989, %div3A_978 : vector<128x1xf32>
    %sub3A_991 = arith.constant 1.000000e+00 : f32
    %sub3A_992 = vector.broadcast %sub3A_991 : f32 to vector<128x1xf32>
    %sub3A_993 = arith.subf %sub3A_992, %div3A_982 : vector<128x1xf32>
    %mul3A_994 = arith.mulf %sub3A_990, %sub3A_990 : vector<128x1xf32>
    %mul3A_995 = arith.mulf %sub3A_993, %sub3A_993 : vector<128x1xf32>
    %add3A_996 = arith.addf %mul3A_994, %mul3A_995 : vector<128x1xf32>
    %div3A_997 = arith.divf %sub3A_990, %add3A_996 : vector<128x1xf32>
    %neg3A_998 = arith.constant 0.000000e+00 : f32
    %neg3A_999 = vector.broadcast %neg3A_998 : f32 to vector<128x1xf32>
    %neg3A_1000 = arith.subf %neg3A_999, %sub3A_993 : vector<128x1xf32>
    %div3A_1001 = arith.divf %neg3A_1000, %add3A_996 : vector<128x1xf32>
    %swap3A_1002 = arith.constant 0 : index
    %swap3A_1003 = arith.constant 11 : index
    %swap3A_1004 = vector.load %arg5[%swap3A_1002, %swap3A_1003] : memref<128x16xf32, #tpu.memory_space<vmem>>, vector<128x1xf32>
    tpu.vector_store %arg5[%swap3A_1002, %swap3A_1003], %div3A_997 {strides = array<i32>} : memref<128x16xf32, #tpu.memory_space<vmem>>, vector<128x1xf32>,
    %swap3A_1005 = arith.constant 0 : index
    %swap3A_1006 = arith.constant 11 : index
    %swap3A_1007 = vector.load %arg6[%swap3A_1005, %swap3A_1006] : memref<128x16xf32, #tpu.memory_space<vmem>>, vector<128x1xf32>
    tpu.vector_store %arg6[%swap3A_1005, %swap3A_1006], %div3A_1001 {strides = array<i32>} : memref<128x16xf32, #tpu.memory_space<vmem>>, vector<128x1xf32>,
    %slice3A_1008 = vector.extract_strided_slice %sub3A_542 {offsets = [0, 11], sizes = [128, 1], strides = [1, 1]} : vector<128x16xf32> to vector<128x1xf32>
    %sub3A_1009 = arith.subf %slice3A_1008, %div3A_997 : vector<128x1xf32>
    %sub3A_1010 = arith.constant 1.000000e+00 : f32
    %sub3A_1011 = vector.broadcast %sub3A_1010 : f32 to vector<128x1xf32>
    %sub3A_1012 = arith.subf %sub3A_1011, %div3A_1001 : vector<128x1xf32>
    %mul3A_1013 = arith.mulf %sub3A_1009, %sub3A_1009 : vector<128x1xf32>
    %mul3A_1014 = arith.mulf %sub3A_1012, %sub3A_1012 : vector<128x1xf32>
    %add3A_1015 = arith.addf %mul3A_1013, %mul3A_1014 : vector<128x1xf32>
    %div3A_1016 = arith.divf %sub3A_1009, %add3A_1015 : vector<128x1xf32>
    %neg3A_1017 = arith.constant 0.000000e+00 : f32
    %neg3A_1018 = vector.broadcast %neg3A_1017 : f32 to vector<128x1xf32>
    %neg3A_1019 = arith.subf %neg3A_1018, %sub3A_1012 : vector<128x1xf32>
    %div3A_1020 = arith.divf %neg3A_1019, %add3A_1015 : vector<128x1xf32>
    %swap3A_1021 = arith.constant 0 : index
    %swap3A_1022 = arith.constant 12 : index
    %swap3A_1023 = vector.load %arg5[%swap3A_1021, %swap3A_1022] : memref<128x16xf32, #tpu.memory_space<vmem>>, vector<128x1xf32>
    tpu.vector_store %arg5[%swap3A_1021, %swap3A_1022], %div3A_1016 {strides = array<i32>} : memref<128x16xf32, #tpu.memory_space<vmem>>, vector<128x1xf32>,
    %swap3A_1024 = arith.constant 0 : index
    %swap3A_1025 = arith.constant 12 : index
    %swap3A_1026 = vector.load %arg6[%swap3A_1024, %swap3A_1025] : memref<128x16xf32, #tpu.memory_space<vmem>>, vector<128x1xf32>
    tpu.vector_store %arg6[%swap3A_1024, %swap3A_1025], %div3A_1020 {strides = array<i32>} : memref<128x16xf32, #tpu.memory_space<vmem>>, vector<128x1xf32>,
    %slice3A_1027 = vector.extract_strided_slice %sub3A_542 {offsets = [0, 12], sizes = [128, 1], strides = [1, 1]} : vector<128x16xf32> to vector<128x1xf32>
    %sub3A_1028 = arith.subf %slice3A_1027, %div3A_1016 : vector<128x1xf32>
    %sub3A_1029 = arith.constant 1.000000e+00 : f32
    %sub3A_1030 = vector.broadcast %sub3A_1029 : f32 to vector<128x1xf32>
    %sub3A_1031 = arith.subf %sub3A_1030, %div3A_1020 : vector<128x1xf32>
    %mul3A_1032 = arith.mulf %sub3A_1028, %sub3A_1028 : vector<128x1xf32>
    %mul3A_1033 = arith.mulf %sub3A_1031, %sub3A_1031 : vector<128x1xf32>
    %add3A_1034 = arith.addf %mul3A_1032, %mul3A_1033 : vector<128x1xf32>
    %div3A_1035 = arith.divf %sub3A_1028, %add3A_1034 : vector<128x1xf32>
    %neg3A_1036 = arith.constant 0.000000e+00 : f32
    %neg3A_1037 = vector.broadcast %neg3A_1036 : f32 to vector<128x1xf32>
    %neg3A_1038 = arith.subf %neg3A_1037, %sub3A_1031 : vector<128x1xf32>
    %div3A_1039 = arith.divf %neg3A_1038, %add3A_1034 : vector<128x1xf32>
    %swap3A_1040 = arith.constant 0 : index
    %swap3A_1041 = arith.constant 13 : index
    %swap3A_1042 = vector.load %arg5[%swap3A_1040, %swap3A_1041] : memref<128x16xf32, #tpu.memory_space<vmem>>, vector<128x1xf32>
    tpu.vector_store %arg5[%swap3A_1040, %swap3A_1041], %div3A_1035 {strides = array<i32>} : memref<128x16xf32, #tpu.memory_space<vmem>>, vector<128x1xf32>,
    %swap3A_1043 = arith.constant 0 : index
    %swap3A_1044 = arith.constant 13 : index
    %swap3A_1045 = vector.load %arg6[%swap3A_1043, %swap3A_1044] : memref<128x16xf32, #tpu.memory_space<vmem>>, vector<128x1xf32>
    tpu.vector_store %arg6[%swap3A_1043, %swap3A_1044], %div3A_1039 {strides = array<i32>} : memref<128x16xf32, #tpu.memory_space<vmem>>, vector<128x1xf32>,
    %slice3A_1046 = vector.extract_strided_slice %sub3A_542 {offsets = [0, 13], sizes = [128, 1], strides = [1, 1]} : vector<128x16xf32> to vector<128x1xf32>
    %sub3A_1047 = arith.subf %slice3A_1046, %div3A_1035 : vector<128x1xf32>
    %sub3A_1048 = arith.constant 1.000000e+00 : f32
    %sub3A_1049 = vector.broadcast %sub3A_1048 : f32 to vector<128x1xf32>
    %sub3A_1050 = arith.subf %sub3A_1049, %div3A_1039 : vector<128x1xf32>
    %mul3A_1051 = arith.mulf %sub3A_1047, %sub3A_1047 : vector<128x1xf32>
    %mul3A_1052 = arith.mulf %sub3A_1050, %sub3A_1050 : vector<128x1xf32>
    %add3A_1053 = arith.addf %mul3A_1051, %mul3A_1052 : vector<128x1xf32>
    %div3A_1054 = arith.divf %sub3A_1047, %add3A_1053 : vector<128x1xf32>
    %neg3A_1055 = arith.constant 0.000000e+00 : f32
    %neg3A_1056 = vector.broadcast %neg3A_1055 : f32 to vector<128x1xf32>
    %neg3A_1057 = arith.subf %neg3A_1056, %sub3A_1050 : vector<128x1xf32>
    %div3A_1058 = arith.divf %neg3A_1057, %add3A_1053 : vector<128x1xf32>
    %swap3A_1059 = arith.constant 0 : index
    %swap3A_1060 = arith.constant 14 : index
    %swap3A_1061 = vector.load %arg5[%swap3A_1059, %swap3A_1060] : memref<128x16xf32, #tpu.memory_space<vmem>>, vector<128x1xf32>
    tpu.vector_store %arg5[%swap3A_1059, %swap3A_1060], %div3A_1054 {strides = array<i32>} : memref<128x16xf32, #tpu.memory_space<vmem>>, vector<128x1xf32>,
    %swap3A_1062 = arith.constant 0 : index
    %swap3A_1063 = arith.constant 14 : index
    %swap3A_1064 = vector.load %arg6[%swap3A_1062, %swap3A_1063] : memref<128x16xf32, #tpu.memory_space<vmem>>, vector<128x1xf32>
    tpu.vector_store %arg6[%swap3A_1062, %swap3A_1063], %div3A_1058 {strides = array<i32>} : memref<128x16xf32, #tpu.memory_space<vmem>>, vector<128x1xf32>,
    %slice3A_1065 = vector.extract_strided_slice %sub3A_542 {offsets = [0, 14], sizes = [128, 1], strides = [1, 1]} : vector<128x16xf32> to vector<128x1xf32>
    %sub3A_1066 = arith.subf %slice3A_1065, %div3A_1054 : vector<128x1xf32>
    %sub3A_1067 = arith.constant 1.000000e+00 : f32
    %sub3A_1068 = vector.broadcast %sub3A_1067 : f32 to vector<128x1xf32>
    %sub3A_1069 = arith.subf %sub3A_1068, %div3A_1058 : vector<128x1xf32>
    %mul3A_1070 = arith.mulf %sub3A_1066, %sub3A_1066 : vector<128x1xf32>
    %mul3A_1071 = arith.mulf %sub3A_1069, %sub3A_1069 : vector<128x1xf32>
    %add3A_1072 = arith.addf %mul3A_1070, %mul3A_1071 : vector<128x1xf32>
    %div3A_1073 = arith.divf %sub3A_1066, %add3A_1072 : vector<128x1xf32>
    %neg3A_1074 = arith.constant 0.000000e+00 : f32
    %neg3A_1075 = vector.broadcast %neg3A_1074 : f32 to vector<128x1xf32>
    %neg3A_1076 = arith.subf %neg3A_1075, %sub3A_1069 : vector<128x1xf32>
    %div3A_1077 = arith.divf %neg3A_1076, %add3A_1072 : vector<128x1xf32>
    %swap3A_1078 = arith.constant 0 : index
    %swap3A_1079 = arith.constant 15 : index
    %swap3A_1080 = vector.load %arg5[%swap3A_1078, %swap3A_1079] : memref<128x16xf32, #tpu.memory_space<vmem>>, vector<128x1xf32>
    tpu.vector_store %arg5[%swap3A_1078, %swap3A_1079], %div3A_1073 {strides = array<i32>} : memref<128x16xf32, #tpu.memory_space<vmem>>, vector<128x1xf32>,
    %swap3A_1081 = arith.constant 0 : index
    %swap3A_1082 = arith.constant 15 : index
    %swap3A_1083 = vector.load %arg6[%swap3A_1081, %swap3A_1082] : memref<128x16xf32, #tpu.memory_space<vmem>>, vector<128x1xf32>
    tpu.vector_store %arg6[%swap3A_1081, %swap3A_1082], %div3A_1077 {strides = array<i32>} : memref<128x16xf32, #tpu.memory_space<vmem>>, vector<128x1xf32>,
    return
  }
  func.func @transform_0(%arg0: i32) -> (i32, i32) {
    %c0_i32 = arith.constant 0 : i32
    %c0_i32_0 = arith.constant 0 : i32
    %c0_i32_1 = arith.constant 0 : i32
    return %c0_i32, %c0_i32_0 : i32, i32
  }
  func.func @transform_1(%arg0: i32) -> (i32, i32) {
    %c0_i32 = arith.constant 0 : i32
    %c0_i32_0 = arith.constant 0 : i32
    %c0_i32_1 = arith.constant 0 : i32
    return %c0_i32, %c0_i32_0 : i32, i32
  }
  func.func @transform_2(%arg0: i32) -> (i32, i32) {
    %c0_i32 = arith.constant 0 : i32
    %c0_i32_0 = arith.constant 0 : i32
    %c0_i32_1 = arith.constant 0 : i32
    return %c0_i32, %c0_i32_0 : i32, i32
  }
  func.func @transform_3(%arg0: i32) -> (i32, i32) {
    %c0_i32 = arith.constant 0 : i32
    %c0_i32_0 = arith.constant 0 : i32
    %c0_i32_1 = arith.constant 0 : i32
    return %c0_i32, %c0_i32_0 : i32, i32
  }
  func.func @transform_4(%arg0: i32) -> (i32, i32) {
    %c0_i32 = arith.constant 0 : i32
    %c0_i32_0 = arith.constant 0 : i32
    %c0_i32_1 = arith.constant 0 : i32
    return %c0_i32, %c0_i32_0 : i32, i32
  }
  func.func @transform_5(%arg0: i32) -> (i32, i32) {
    %c0_i32 = arith.constant 0 : i32
    %c0_i32_0 = arith.constant 0 : i32
    %c0_i32_1 = arith.constant 0 : i32
    return %c0_i32, %c0_i32_0 : i32, i32
  }
}

module attributes {stable_mosaic.version = 14 : i64} {
  func.func @_combine_body(%arg0: i32, %arg1: memref<2048x768xf32, #tpu.memory_space<vmem>>, %arg2: memref<2048x1xf32, #tpu.memory_space<vmem>>, %arg3: memref<2048x1xf32, #tpu.memory_space<vmem>>, %arg4: memref<2048x1xf32, #tpu.memory_space<vmem>>, %arg5: memref<2048x1xf32, #tpu.memory_space<vmem>>, %arg6: memref<2048x1xf32, #tpu.memory_space<vmem>>, %arg7: memref<2x768xf32, #tpu.memory_space<vmem>>, %arg8: memref<1x768xf32, #tpu.memory_space<vmem>>, %arg9: memref<1x1xf32, #tpu.memory_space<smem>>, %arg10: memref<2048x768xf32, #tpu.memory_space<vmem>>) attributes {dimension_semantics = [#tpu.dimension_semantics<arbitrary>], iteration_bounds = array<i64: 1>, scalar_prefetch = 0 : i64, scratch_operands = 0 : i64, tpu.core_type = #tpu.core_type<tc>, window_params = [{pipeline_mode = #tpu.pipeline_mode<synchronous>, transform_indices = @transform_0, window_bounds = array<i64: 2048, 768>}, {pipeline_mode = #tpu.pipeline_mode<synchronous>, transform_indices = @transform_1, window_bounds = array<i64: 2048, 1>}, {pipeline_mode = #tpu.pipeline_mode<synchronous>, transform_indices = @transform_2, window_bounds = array<i64: 2048, 1>}, {pipeline_mode = #tpu.pipeline_mode<synchronous>, transform_indices = @transform_3, window_bounds = array<i64: 2048, 1>}, {pipeline_mode = #tpu.pipeline_mode<synchronous>, transform_indices = @transform_4, window_bounds = array<i64: 2048, 1>}, {pipeline_mode = #tpu.pipeline_mode<synchronous>, transform_indices = @transform_5, window_bounds = array<i64: 2048, 1>}, {pipeline_mode = #tpu.pipeline_mode<synchronous>, transform_indices = @transform_6, window_bounds = array<i64: 2, 768>}, {pipeline_mode = #tpu.pipeline_mode<synchronous>, transform_indices = @transform_7, window_bounds = array<i64: 1, 768>}, {transform_indices = @transform_8, window_bounds = array<i64: 1, 1>}, {pipeline_mode = #tpu.pipeline_mode<synchronous>, transform_indices = @transform_9, window_bounds = array<i64: 2048, 768>}]} {
    %get3A = arith.constant 0 : index
    %get3A_0 = arith.constant 0 : index
    %get3A_1 = vector.load %arg2[%get3A, %get3A_0] : memref<2048x1xf32, #tpu.memory_space<vmem>>, vector<2048x1xf32>
    %sub3A = arith.constant 2.000000e+00 : f32
    %sub3A_2 = vector.broadcast %sub3A : f32 to vector<2048x1xf32>
    %sub3A_3 = arith.subf %sub3A_2, %get3A_1 : vector<2048x1xf32>
    %get3A_4 = arith.constant 0 : index
    %get3A_5 = arith.constant 0 : index
    %get3A_6 = vector.load %arg3[%get3A_4, %get3A_5] : memref<2048x1xf32, #tpu.memory_space<vmem>>, vector<2048x1xf32>
    %sub3A_7 = arith.subf %sub3A_3, %get3A_6 : vector<2048x1xf32>
    %get3A_8 = arith.constant 0 : index
    %get3A_9 = arith.constant 0 : index
    %get3A_10 = vector.load %arg5[%get3A_8, %get3A_9] : memref<2048x1xf32, #tpu.memory_space<vmem>>, vector<2048x1xf32>
    %sub3A_11 = arith.subf %sub3A_7, %get3A_10 : vector<2048x1xf32>
    %get3A_12 = arith.constant 0 : index
    %get3A_13 = arith.constant 0 : index
    %get3A_14 = vector.load %arg4[%get3A_12, %get3A_13] : memref<2048x1xf32, #tpu.memory_space<vmem>>, vector<2048x1xf32>
    %sub3A_15 = arith.constant 1.000000e+00 : f32
    %sub3A_16 = vector.broadcast %sub3A_15 : f32 to vector<2048x1xf32>
    %sub3A_17 = arith.subf %sub3A_16, %get3A_14 : vector<2048x1xf32>
    %get3A_18 = arith.constant 0 : index
    %get3A_19 = arith.constant 0 : index
    %get3A_20 = vector.load %arg6[%get3A_18, %get3A_19] : memref<2048x1xf32, #tpu.memory_space<vmem>>, vector<2048x1xf32>
    %sub3A_21 = arith.subf %sub3A_17, %get3A_20 : vector<2048x1xf32>
    %mul3A = arith.mulf %sub3A_11, %sub3A_11 : vector<2048x1xf32>
    %mul3A_22 = arith.mulf %sub3A_21, %sub3A_21 : vector<2048x1xf32>
    %add3A = arith.addf %mul3A, %mul3A_22 : vector<2048x1xf32>
    %div3A = arith.divf %sub3A_11, %add3A : vector<2048x1xf32>
    %jit3A = arith.constant -1.000000e+01 : f32
    %jit3A_23 = arith.constant 1.000000e+01 : f32
    %max3A = vector.broadcast %jit3A : f32 to vector<2048x1xf32>
    %max3A_24 = arith.maximumf %max3A, %div3A : vector<2048x1xf32>
    %min3A = vector.broadcast %jit3A_23 : f32 to vector<2048x1xf32>
    %min3A_25 = arith.minimumf %min3A, %max3A_24 : vector<2048x1xf32>
    %neg3A = arith.constant 0.000000e+00 : f32
    %neg3A_26 = vector.broadcast %neg3A : f32 to vector<2048x1xf32>
    %neg3A_27 = arith.subf %neg3A_26, %sub3A_21 : vector<2048x1xf32>
    %div3A_28 = arith.divf %neg3A_27, %add3A : vector<2048x1xf32>
    %jit3A_29 = arith.constant -1.000000e+01 : f32
    %jit3A_30 = arith.constant 1.000000e+01 : f32
    %max3A_31 = vector.broadcast %jit3A_29 : f32 to vector<2048x1xf32>
    %max3A_32 = arith.maximumf %max3A_31, %div3A_28 : vector<2048x1xf32>
    %min3A_33 = vector.broadcast %jit3A_30 : f32 to vector<2048x1xf32>
    %min3A_34 = arith.minimumf %min3A_33, %max3A_32 : vector<2048x1xf32>
    %get3A_35 = arith.constant 0 : index
    %get3A_36 = arith.constant 0 : index
    %get3A_37 = vector.load %arg7[%get3A_35, %get3A_36] : memref<2x768xf32, #tpu.memory_space<vmem>>, vector<1x768xf32>
    %mul3A_38 = vector.broadcast %min3A_25 : vector<2048x1xf32> to vector<2048x768xf32>
    %mul3A_39 = vector.broadcast %get3A_37 : vector<1x768xf32> to vector<2048x768xf32>
    %mul3A_40 = arith.mulf %mul3A_38, %mul3A_39 : vector<2048x768xf32>
    %get3A_41 = arith.constant 1 : index
    %get3A_42 = arith.constant 0 : index
    %get3A_43 = vector.load %arg7[%get3A_41, %get3A_42] : memref<2x768xf32, #tpu.memory_space<vmem>>, vector<1x768xf32>
    %mul3A_44 = vector.broadcast %min3A_34 : vector<2048x1xf32> to vector<2048x768xf32>
    %mul3A_45 = vector.broadcast %get3A_43 : vector<1x768xf32> to vector<2048x768xf32>
    %mul3A_46 = arith.mulf %mul3A_44, %mul3A_45 : vector<2048x768xf32>
    %add3A_47 = arith.addf %mul3A_40, %mul3A_46 : vector<2048x768xf32>
    %get3A_48 = arith.constant 0 : index
    %get3A_49 = arith.constant 0 : index
    %get3A_50 = vector.load %arg8[%get3A_48, %get3A_49] : memref<1x768xf32, #tpu.memory_space<vmem>>, vector<1x768xf32>
    %add3A_51 = vector.broadcast %get3A_50 : vector<1x768xf32> to vector<2048x768xf32>
    %add3A_52 = arith.addf %add3A_47, %add3A_51 : vector<2048x768xf32>
    %get3A_53 = arith.constant 0 : index
    %get3A_54 = arith.constant 0 : index
    %get3A_55 = vector.load %arg1[%get3A_53, %get3A_54] : memref<2048x768xf32, #tpu.memory_space<vmem>>, vector<2048x768xf32>
    %get3A_56 = arith.constant 0 : index
    %get3A_57 = arith.constant 0 : index
    %get3A_58 = memref.load %arg9[%get3A_56, %get3A_57] : memref<1x1xf32, #tpu.memory_space<smem>>
    %mul3A_59 = vector.broadcast %get3A_58 : f32 to vector<2048x768xf32>
    %mul3A_60 = arith.mulf %mul3A_59, %add3A_52 : vector<2048x768xf32>
    %add3A_61 = arith.addf %get3A_55, %mul3A_60 : vector<2048x768xf32>
    %swap3A = arith.constant 0 : index
    %swap3A_62 = arith.constant 0 : index
    %swap3A_63 = vector.load %arg10[%swap3A, %swap3A_62] : memref<2048x768xf32, #tpu.memory_space<vmem>>, vector<2048x768xf32>
    tpu.vector_store %arg10[%swap3A, %swap3A_62], %add3A_61 {strides = array<i32>} : memref<2048x768xf32, #tpu.memory_space<vmem>>, vector<2048x768xf32>,
    return
  }
  func.func @transform_0(%arg0: i32) -> (i32, i32) {
    %c0_i32 = arith.constant 0 : i32
    %c0_i32_0 = arith.constant 0 : i32
    %c0_i32_1 = arith.constant 0 : i32
    return %c0_i32, %c0_i32_0 : i32, i32
  }
  func.func @transform_1(%arg0: i32) -> (i32, i32) {
    %c0_i32 = arith.constant 0 : i32
    %c0_i32_0 = arith.constant 0 : i32
    %c0_i32_1 = arith.constant 0 : i32
    return %c0_i32, %c0_i32_0 : i32, i32
  }
  func.func @transform_2(%arg0: i32) -> (i32, i32) {
    %c0_i32 = arith.constant 0 : i32
    %c0_i32_0 = arith.constant 0 : i32
    %c0_i32_1 = arith.constant 0 : i32
    return %c0_i32, %c0_i32_0 : i32, i32
  }
  func.func @transform_3(%arg0: i32) -> (i32, i32) {
    %c0_i32 = arith.constant 0 : i32
    %c0_i32_0 = arith.constant 0 : i32
    %c0_i32_1 = arith.constant 0 : i32
    return %c0_i32, %c0_i32_0 : i32, i32
  }
  func.func @transform_4(%arg0: i32) -> (i32, i32) {
    %c0_i32 = arith.constant 0 : i32
    %c0_i32_0 = arith.constant 0 : i32
    %c0_i32_1 = arith.constant 0 : i32
    return %c0_i32, %c0_i32_0 : i32, i32
  }
  func.func @transform_5(%arg0: i32) -> (i32, i32) {
    %c0_i32 = arith.constant 0 : i32
    %c0_i32_0 = arith.constant 0 : i32
    %c0_i32_1 = arith.constant 0 : i32
    return %c0_i32, %c0_i32_0 : i32, i32
  }
  func.func @transform_6(%arg0: i32) -> (i32, i32) {
    %c0_i32 = arith.constant 0 : i32
    %c0_i32_0 = arith.constant 0 : i32
    %c0_i32_1 = arith.constant 0 : i32
    return %c0_i32, %c0_i32_0 : i32, i32
  }
  func.func @transform_7(%arg0: i32) -> (i32, i32) {
    %c0_i32 = arith.constant 0 : i32
    %c0_i32_0 = arith.constant 0 : i32
    %c0_i32_1 = arith.constant 0 : i32
    return %c0_i32, %c0_i32_0 : i32, i32
  }
  func.func @transform_8(%arg0: i32) -> (i32, i32) {
    %c0_i32 = arith.constant 0 : i32
    %c0_i32_0 = arith.constant 0 : i32
    %c0_i32_1 = arith.constant 0 : i32
    return %c0_i32, %c0_i32_0 : i32, i32
  }
  func.func @transform_9(%arg0: i32) -> (i32, i32) {
    %c0_i32 = arith.constant 0 : i32
    %c0_i32_0 = arith.constant 0 : i32
    %c0_i32_1 = arith.constant 0 : i32
    return %c0_i32, %c0_i32_0 : i32, i32
  }
}

</mosaic_0001>

<sc_bundles>
// kernel: kernel.12.cloned.1.call-start
scs
__scs_entry_jumppad:
0x0: {  	(pc) =	sbr.rel $0x88, $3  }
0x1: {  	(tag) =	ssettag $0x0;
	lr =	simm.s32 $0x1  }
0x2: {  	[smem:$0x3F95] =	sst lr;
	_ =	strace $0xD0000000  }
0x3: {  	_ = 	snop  }
0x4: {  	_ = 	snop  }
0x5: {  	_ = 	snop  }
0x6: {  	_ = 	snop  }
0x7: {  	_ = 	snop  }
__scs_overlays_trampoline_lowered:
0x8: {  	[smem:$0x3FA4] =	sst s0  }
0x9: {  	[smem:$0x3FA5] =	sst s1  }
0xa: {  	[smem:$0x3FA6] =	sst s2  }
0xb: {  	[smem:$0x3FA7] =	sst s3  }
0xc: {  	[smem:$0x3FA8] =	sst s4  }
0xd: {  	[smem:$0x3FA9] =	sst s5  }
0xe: {  	[smem:$0x3FAA] =	sst s6  }
0xf: {  	[smem:$0x3FAB] =	sst s7  }
0x10: {  	[smem:$0x3FAC] =	sst s8  }
0x11: {  	[smem:$0x3FAD] =	sst s9;
	s0 =	simm.s32 @!p0 $0x0  }
0x12: {  	s1 =	sld [smem:$0x3F93];
	s0 =	simm.s32 @p0 $0x1  }
0x13: {  	[smem:$0x3FAE] =	sst s0;
	s0 =	simm.s32 @!p1 $0x0  }
0x14: {  	s2 =	sld [smem:$0x3F92];
	s0 =	simm.s32 @p1 $0x1  }
0x15: {  	[smem:$0x3FAF] =	sst s0;
	s0 =	simm.s32 @!p2 $0x0  }
0x16: {  	s3 =	sld [smem:$0x3FDB];
	s0 =	simm.s32 @p2 $0x1  }
0x17: {  	s4 =	simm.s32 $0x1BF5;
	[smem:$0x3FB1] =	sst s0  }
0x18: {  	s0 =	sld [smem:$0x3F94];
	_ =	swait.ge [sflag:s4], $0x0  }
0x19: {  	s7 =	sld [smem:$0x3F95]  }
0x1a: {  	s8 =	sadd.s32 $0xFFFFE003, lr  }
0x1b: {  	s9 =	sadd.s32 $0xFFFFFEF7, lr;
	s5 =	simm.s32 $0xFFFFFFFF;
	p2 =	slt.u32 s8, $0xFFFFF086  }
0x1c: {  	p1 =	slt.u32 s9, $0xF7A;
	s5 =	simm.s32 @!p2 $0x0  }
0x1d: {  	s5 =	simm.s32 @p1 $0x1;
	p0 =	seq.s32 s7, s2  }
0x1e: {  	s7 =	smul.u32 @!p0 $0xF7A, s2;
	p2 =	seq.s32 @!p0 s5, $0x0  }
0x1f: {  	s9 =	smul.u32 $0xF7A, s1;
	s8 =	simm.s32 @!p0 $0x1BF5;
	p2 =	por !p2, p0  }
0x20: {  	[sflag:s8] =	ssyncset.s32 @!p0 $0xFFFFF086;
	s6 =	sadd.s32 @!p0 s3, s7;
	s7 =	simm.s32 @!p0 $0x108  }
0x21: {  	s3 =	sadd.s32 s3, s9;
	s6 =	sadd.s32 @!p0 $0x88, s6;
	s7 =	simm.s32 @p2 $0x1082  }
0x22: {  	[simem:s7], [sflag:s8] =	dma.local @!p0 [hbm:s6], $0xF7A  }
0x23: {  	s9 =	sor.u32 $0xD0000000, s2;
	s6 =	simm.s32 $0x108;
	_ =	swait.ge @!p0 [sflag:s8], $0x0  }
0x24: {  	s3 =	sadd.s32 $0x88, s3;
	s6 =	simm.s32 @!p1 $0x1082;
	[sflag:s4] =	ssyncset.s32 $0xFFFFF086  }
0x25: {  	[simem:s6], [sflag:s4] =	dma.local [hbm:s3], $0xF7A  }
0x26: {  	[smem:$0x3F95] =	sst s1;
	(tag) =	ssettag s2;
	_ =	strace s9  }
0x27: {  	s1 =	sld [smem:$0x3FA5]  }
0x28: {  	s2 =	sld [smem:$0x3FA6]  }
0x29: {  	s4 =	sld [smem:$0x3FA8]  }
0x2a: {  	p0 =	seq.s32 s5, $0x0;
	s5 =	sld [smem:$0x3FA9]  }
0x2b: {  	s6 =	sld [smem:$0x3FAA]  }
0x2c: {  	s7 =	sld [smem:$0x3FAB]  }
0x2d: {  	s3 =	simm.s32 $0x108;
	s8 =	sld [smem:$0x3FAC]  }
0x2e: {  	s3 =	simm.s32 @!p0 $0x1082;
	s9 =	sld [smem:$0x3FAD]  }
0x2f: {  	lr =	sadd.s32 s0, s3;
	s0 =	sld [smem:$0x3FA4]  }
0x30: {  	s3 =	sld [smem:$0x3FA7]  }
0x31: {  	[smem:$0x3FB0] =	sst s10  }
0x32: {  	s10 =	sld [smem:$0x3FAE];
	_ =	sdelay $0x3  }
0x33: {  	p0 =	seq.s32 s10, $0x1;
	s10 =	sld [smem:$0x3FB0];
	_ =	sdelay $0x3  }
0x34: {  	[smem:$0x3FB0] =	sst s10  }
0x35: {  	s10 =	sld [smem:$0x3FAF];
	_ =	sdelay $0x3  }
0x36: {  	p1 =	seq.s32 s10, $0x1;
	s10 =	sld [smem:$0x3FB0];
	_ =	sdelay $0x3  }
0x37: {  	[smem:$0x3FB0] =	sst s10  }
0x38: {  	s10 =	sld [smem:$0x3FB1]  }
0x39: {  	_ = 	snop;
	(pc) =	sbr.ind lr, $3  }
0x3a: {  	_ = 	snop  }
0x3b: {  	_ = 	snop  }
0x3c: {  	p2 =	seq.s32 s10, $0x1;
	s10 =	sld [smem:$0x3FB0]  }
0x3d: {  	_ =	shalt  }
0x3e: {  	_ =	shalt  }
0x3f: {  	_ =	shalt  }
0x40: {  	_ =	shalt  }
0x41: {  	_ =	shalt  }
0x42: {  	_ =	shalt  }
0x43: {  	_ =	shalt  }
0x44: {  	_ =	shalt  }
0x45: {  	_ =	shalt  }
0x46: {  	_ =	shalt  }
0x47: {  	_ =	shalt  }
0x48: {  	_ =	shalt  }
0x49: {  	_ =	shalt  }
0x4a: {  	_ =	shalt  }
0x4b: {  	_ =	shalt  }
0x4c: {  	_ =	shalt  }
0x4d: {  	_ =	shalt  }
0x4e: {  	_ =	shalt  }
0x4f: {  	_ =	shalt  }
0x50: {  	_ =	shalt  }
0x51: {  	_ =	shalt  }
0x52: {  	_ =	shalt  }
0x53: {  	_ =	shalt  }
0x54: {  	_ =	shalt  }
0x55: {  	_ =	shalt  }
0x56: {  	_ =	shalt  }
0x57: {  	_ =	shalt  }
0x58: {  	_ =	shalt  }
0x59: {  	_ =	shalt  }
0x5a: {  	_ =	shalt  }
0x5b: {  	_ =	shalt  }
0x5c: {  	_ =	shalt  }
0x5d: {  	_ =	shalt  }
0x5e: {  	_ =	shalt  }
0x5f: {  	_ =	shalt  }
0x60: {  	_ =	shalt  }
0x61: {  	_ =	shalt  }
0x62: {  	_ =	shalt  }
0x63: {  	_ =	shalt  }
0x64: {  	_ =	shalt  }
0x65: {  	_ =	shalt  }
0x66: {  	_ =	shalt  }
0x67: {  	_ =	shalt  }
0x68: {  	_ =	shalt  }
0x69: {  	_ =	shalt  }
0x6a: {  	_ =	shalt  }
0x6b: {  	_ =	shalt  }
0x6c: {  	_ =	shalt  }
0x6d: {  	_ =	shalt  }
0x6e: {  	_ =	shalt  }
0x6f: {  	_ =	shalt  }
0x70: {  	_ =	shalt  }
0x71: {  	_ =	shalt  }
0x72: {  	_ =	shalt  }
0x73: {  	_ =	shalt  }
0x74: {  	_ =	shalt  }
0x75: {  	_ =	shalt  }
0x76: {  	_ =	shalt  }
0x77: {  	_ =	shalt  }
0x78: {  	_ =	shalt  }
0x79: {  	_ =	shalt  }
0x7a: {  	_ =	shalt  }
0x7b: {  	_ =	shalt  }
0x7c: {  	_ =	shalt  }
0x7d: {  	_ =	shalt  }
0x7e: {  	_ =	shalt  }
0x7f: {  	_ =	shalt  }
0x80: {  	_ =	shalt  }
0x81: {  	_ =	shalt  }
0x82: {  	_ =	shalt  }
0x83: {  	_ =	shalt  }
0x84: {  	_ =	shalt  }
0x85: {  	_ =	shalt  }
0x86: {  	_ =	shalt  }
0x87: {  	_ =	shalt  }
.Lfunc_end0:
.L_simem_size_0:
called_computation.1_lowered:
.L_overlay_start_0:
0x88: {  	s2 =	sld [smem:$0x3FD9]  }
0x89: {  	s3 =	sld [smem:$0x3FFE];
	_ =	sdelay $0x1  }
0x8a: {  	s1 =	srdreg.scid  }
0x8b: {  	s0 =	sand.u32 $0x1, s1  }
0x8c: {  	s16 =	sshll.u32 s0, $0xA;
	s2 =	sadd.s32 s3, s2  }
0x8d: {  	s2 =	sadd.s32 s2, s16  }
0x8e: {  	[smem:$0x3FBC] =	sst s2  }
0x8f: {  	_ = 	snop  }
0x90: {  	(tm) =	ssettm $0x1  }
0x91: {  	s17 =	sld [smem:$0x3FFB];
	_ =	sdelay $0x3  }
0x92: {  	_ =	strace s17  }
0x93: {  	s2 =	sld [smem:$0x3FFC];
	_ =	sdelay $0x3  }
0x94: {  	_ =	strace s2  }
0x95: {  	s2 =	sld [smem:$0x3FFD];
	_ =	sdelay $0x3  }
0x96: {  	_ =	strace s2  }
0x97: {  	_ =	strace $0x8FFFFFFF  }
0x98: {  	s18 =	sld [smem:$0x3FDB];
	_ =	sdelay $0x1  }
0x99: {  	s19 =	simm.s32 $_scs_section_size  }
0x9a: {  	s4 =	simm.s32 $_size__tile_overlayer_lowered;
	s5 =	simm.s32 $_tile_overlayer_lowered  }
0x9b: {  	s22 =	simm.s32 $0x1BFF;
	s21 =	sshll.u32 s5, $0x1;
	s2 =	sadd.s32 s19, s18  }
0x9c: {  	s6 =	simm.s32 $0x0;
	s20 =	sshll.u32 s4, $0x1;
	s4 =	sadd.s32 s21, s2  }
0x9d: {  	[timem:s6], [sflag:s22] =	dma.local [hbm:s4], s20  }
0x9e: {  	_ =	swait.ge [sflag:s22], s20  }
0x9f: {  	s3 =	ssub.s32 $0x0, s20;
	[sflag:s22] =	ssyncset.done $0x0  }
0xa0: {  	[sflag:s22] =	ssyncadd.s32 s3;
	_ =	sdelay $0x1  }
0xa1: {  	s23 =	simm.s32 $0x1B8B  }
0xa2: {  	_ =	swait.ge [sflag:s23], $0x1  }
0xa3: {  	[sflag:s23] =	ssyncset.done $0x0  }
0xa4: {  	s25 =	simm.s32 $0x1B8E;
	s24 =	sld [smem:$0x3FFE];
	[sflag:s23] =	ssyncadd.s32 $0xFFFFFFFF  }
0xa5: {  	s26 =	simm.s32 $execute0_lowered;
	[smem:$0x3FD2] =	sst s25  }
0xa6: {  	s4 =	sshll.u32 s26, $0x1;
	_ =	strace $0x80000049;
	[dreg:$0x1] =	wrdreg $0xFFFFFFFF  }
0xa7: {  	s28 =	simm.s32 $_size_execute0_lowered;
	s2 =	sadd.s32 s2, s4;
	[dreg:$0x0] =	wrdreg $0x0  }
0xa8: {  	s4 =	sshll.u32 s28, $0x1;
	[dreg:$0x2] =	wrdreg s2  }
0xa9: {  	[dreg:$0x3] =	wrdreg s4  }
0xaa: {  	[dreg:$0x4] =	wrdreg $0xC0  }
0xab: {  	_ =	task [dreg:s6], $0x5FFFF  }
0xac: {  	[dreg:$0x1] =	wrdreg $0xFFFFFFFF  }
0xad: {  	[dreg:$0x0] =	wrdreg $0x60  }
0xae: {  	[dreg:$0x2] =	wrdreg s24  }
0xaf: {  	[dreg:$0x3] =	wrdreg $0x9  }
0xb0: {  	_ =	task.clear_ibuf [dreg:s6], $0x4FFFF;
	_ =	strace $0x90000049  }
0xb1: {  	s29 =	simm.s32 $0x9;
	_ =	strace $0x8000004B  }
0xb2: {  	_ =	swait.ge [sflag:s29], $0x1  }
0xb3: {  	[sflag:s29] =	ssyncadd.s32 $0xFFFFFFFF  }
0xb4: {  	_ =	strace $0x9000004B  }
0xb5: {  	_ =	sfence  }
0xb6: {  	s30 =	sld [smem:$0x0];
	_ =	sdelay $0x2  }
0xb7: {  	s31 =	sshll.u32 s1, $0xD;
	s1 =	sshrl.u32 s1, $0x2  }
0xb8: {  	s3 =	sand.u32 $0x4000, s31;
	s1 =	sadd.s32 s1, s30  }
0xb9: {  	s0 =	sor.u32 s3, s0;
	s1 =	sshll.u32 s1, $0x11  }
0xba: {  	s0 =	sor.u32 s1, s0  }
0xbb: {  	s0 =	sadd.s32 $0x8F2B, s0  }
0xbc: {  	[sflag:s0] =	ssyncadd.remote.s32 $0x1  }
0xbd: {  	_ =	sfence.sel $0xFFFF  }
0xbe: {  	[dreg:$0x0] =	wrdreg $0xFFFFFFFF;
	(pc) =	sbr.abs _section_cstart, $3  }
0xbf: {  	[dreg:$0x1] =	wrdreg $0xFFFFFFFF  }
0xc0: {  	_ =	task.clear_ibuf [dreg:s6], $0x2FFFF;
	_ =	strace $0x9FFFFFFF  }
0xc1: {  	(tm) =	ssettm $0x7FFFFFFF  }
tec
execute0_lowered:
.L_overlay_start_1:
0x0: {  	(tag) =	ssettag $0x1  }
0x1: {  	s1 =	srdreg.scid  }
0x2: {  	s0 =	stileid.u32;
	s1 =	sand.u32 $0x1, s1  }
0x3: {  	s3 =	sshll.u32 s0, $0x5;
	s4 =	sshll.u32 s1, $0x4  }
0x4: {  	s2 =	rddreg [dreg:$0x0];
	s4 =	sor.u32 s4, s3;
	s3 =	simm.s32 $0x0  }
0x5: {  	s26 =	simm.s32 $0x880;
	[smem:$0x7FF] =	sst s3  }
0x6: {  	s0 =	simm.s32 $0x1080;
	_ =	strace $0x8000004A;
	[dreg:$0x4] =	wrdreg s26  }
0x7: {  	s6 =	simm.s32 $0x2080;
	[dreg:$0x5] =	wrdreg s0  }
0x8: {  	s7 =	simm.s32 $0x2880;
	[dreg:$0x7] =	wrdreg s6  }
0x9: {  	s8 =	simm.s32 $0x3080;
	[dreg:$0x8] =	wrdreg s7  }
0xa: {  	s9 =	simm.s32 $0x3880;
	[dreg:$0x9] =	wrdreg s8  }
0xb: {  	s10 =	simm.s32 $0x4080;
	[dreg:$0xa] =	wrdreg s9  }
0xc: {  	s11 =	simm.s32 $0x4880;
	[dreg:$0xb] =	wrdreg s10  }
0xd: {  	s12 =	simm.s32 $0x5080;
	s13 =	simm.s32 $0x5880;
	[dreg:$0xc] =	wrdreg s11  }
0xe: {  	s14 =	simm.s32 $0x6080;
	s15 =	simm.s32 $0x6880;
	[dreg:$0xd] =	wrdreg s12  }
0xf: {  	s16 =	simm.s32 $0x7080;
	s17 =	simm.s32 $0x7880;
	[dreg:$0xe] =	wrdreg s13  }
0x10: {  	s18 =	simm.s32 $0x8080;
	s19 =	simm.s32 $0x8880;
	[dreg:$0xf] =	wrdreg s14  }
0x11: {  	s20 =	simm.s32 $0x9080;
	s22 =	simm.s32 $0x9880;
	[dreg:$0x10] =	wrdreg s15  }
0x12: {  	s23 =	simm.s32 $0xA080;
	s24 =	simm.s32 $0xB880;
	[dreg:$0x11] =	wrdreg s16  }
0x13: {  	s28 =	simm.s32 $0x16080;
	s29 =	simm.s32 $0x16880;
	[dreg:$0x12] =	wrdreg s17  }
0x14: {  	s30 =	simm.s32 $0x17080;
	s1 =	ssub.s32 $0x2, s1;
	[dreg:$0x13] =	wrdreg s18  }
0x15: {  	s31 =	simm.s32 $0x17880;
	s21 =	sshrl.u32 s1, $0x1;
	[dreg:$0x14] =	wrdreg s19  }
0x16: {  	s5 =	smul.u32 $0x300, s4;
	s4 =	sadd.s32 s4, s2;
	[dreg:$0x15] =	wrdreg s20  }
0x17: {  	s1 =	ssub.s32 s1, s21;
	s21 =	simm.s32 $0x13080;
	[dreg:$0x16] =	wrdreg s22  }
0x18: {  	s4 =	sadd.s32 $0x78000, s4;
	[dreg:$0x17] =	wrdreg s23;
	s6 =	simm.s32 $0xA880  }
0x19: {  	s7 =	simm.s32 $0xB080;
	[dreg:$0x1a] =	wrdreg s24;
	s8 =	simm.s32 $0x80  }
0x1a: {  	s26 =	simm.s32 $0xC880;
	s10 =	simm.s32 $0xD880;
	s11 =	simm.s32 $0xE080  }
0x1b: {  	s12 =	simm.s32 $0xE880;
	s13 =	simm.s32 $0xF080;
	s14 =	simm.s32 $0xF880  }
0x1c: {  	s15 =	simm.s32 $0x10080;
	s16 =	simm.s32 $0x10880;
	s17 =	simm.s32 $0x11080  }
0x1d: {  	s18 =	simm.s32 $0x11880;
	s19 =	simm.s32 $0x12080;
	s20 =	simm.s32 $0x12880  }
0x1e: {  	s22 =	simm.s32 $0x13880;
	s23 =	simm.s32 $0x14080;
	[dreg:$0x2] =	wrdreg s4  }
0x1f: {  	s24 =	simm.s32 $0x14880;
	s5 =	sadd.s32 s5, s2;
	[dreg:$0x18] =	wrdreg s6  }
0x20: {  	s4 =	sadd.s32 $0x100, s2;
	s6 =	smax.u32 s1, $0x1;
	[dreg:$0x19] =	wrdreg s7  }
0x21: {  	s7 =	simm.s32 $0x2;
	[dreg:$0x1c] =	wrdreg s26;
	s25 =	sadd.s32 $0x78200, s5  }
0x22: {  	v2 =	vlaneseq.u32;
	s26 =	simm.s32 $0x15880;
	s5 =	simm.s32 $0x1880;
	[dreg:$0x3] =	wrdreg s25  }
0x23: {  	vm0 =	vmmov $0xffff;
	v1 =	vshrl.u32 v2, $0x3;
	s1 =	simm.s32 $0x1;
	[dreg:$0x6] =	wrdreg s5;
	s25 =	simm.s32 $0xC080  }
0x24: {  	v0 =	vand.u32 $0x7, v2;
	v2 =	vor.u32 $0x8, v2;
	v1 =	vmul.u32 $0x8, v1;
	s5 =	sadd.s32 $0x200, s2;
	[dreg:$0x1b] =	wrdreg s25;
	s25 =	simm.s32 $0x15080  }
.LBB2_1:
0x25: {  	s0 =	rddreg [dreg:$0x2]  }
0x26: {  	[tilespmem:s3], [sflag:$0x2] =	stream.linear.gather [hbm4b:s0+s3], $0x80, $0x38;
	[tilespmem:$0x18080] =	vst v63  }
0x27: {  	_ =	swait.ge [sflag:s7], $0x80  }
0x28: {  	[sflag:s7] =	ssyncset.done $0x0  }
0x29: {  	[sflag:s7] =	ssyncadd.s32 $0xFFFFFF80  }
0x2a: {  	v3 =	vld [tilespmem:$0x0];
	_ =	sdelay $0x4  }
0x2b: {  	v4 =	vshrl.u32 v3, $0x3  }
0x2c: {  	v4 =	vmul.u32 $0x30, v4  }
0x2d: {  	v3 =	vand.u32 $0x7, v3  }
0x2e: {  	v3 =	vor.u32 v3, v4  }
0x2f: {  	v4 =	vperm.xlane v3, v0;
	_ =	sdelay $0x1  }
0x30: {  	v4 =	vadd.s32 v1, v4;
	_ =	sdelay $0x3  }
0x31: {  	v3 =	vperm.xlane v3, v2  }
0x32: {  	[tilespmem:s8], [sflag:$0x1] =	stream.indirect_vreg.gather [hbm4b:s2+s3], $0x80, v4, vm0, $0xb8;
	[tilespmem:$0x18080] =	vst v63  }
0x33: {  	s0 =	rddreg [dreg:$0x4];
	v3 =	vadd.s32 v1, v3  }
0x34: {  	[tilespmem:s0], [sflag:$0x1] =	stream.indirect_vreg.gather [hbm4b:s4+s3], $0x80, v4, vm0, $0xb8;
	[tilespmem:$0x18080] =	vst v63  }
0x35: {  	s9 =	rddreg [dreg:$0x5]  }
0x36: {  	[tilespmem:s9], [sflag:$0x1] =	stream.indirect_vreg.gather [hbm4b:s5+s3], $0x80, v4, vm0, $0xb8;
	[tilespmem:$0x18080] =	vst v63  }
0x37: {  	s0 =	rddreg [dreg:$0x6]  }
0x38: {  	[tilespmem:s0], [sflag:$0x1] =	stream.indirect_vreg.gather [hbm4b:s2+s3], $0x80, v3, vm0, $0xb8;
	[tilespmem:$0x18080] =	vst v63  }
0x39: {  	s9 =	rddreg [dreg:$0x7]  }
0x3a: {  	[tilespmem:s9], [sflag:$0x1] =	stream.indirect_vreg.gather [hbm4b:s4+s3], $0x80, v3, vm0, $0xb8;
	[tilespmem:$0x18080] =	vst v63  }
0x3b: {  	s0 =	rddreg [dreg:$0x8]  }
0x3c: {  	[tilespmem:s0], [sflag:$0x1] =	stream.indirect_vreg.gather [hbm4b:s5+s3], $0x80, v3, vm0, $0xb8;
	[tilespmem:$0x18080] =	vst v63  }
0x3d: {  	v3 =	vld [tilespmem:$0x10];
	_ =	sdelay $0x4  }
0x3e: {  	v57 =	vshrl.u32 v3, $0x3  }
0x3f: {  	v4 =	vmul.u32 $0x30, v57  }
0x40: {  	v3 =	vand.u32 $0x7, v3  }
0x41: {  	v3 =	vor.u32 v3, v4  }
0x42: {  	v4 =	vperm.xlane v3, v0;
	_ =	sdelay $0x1  }
0x43: {  	v4 =	vadd.s32 v1, v4;
	_ =	sdelay $0x3  }
0x44: {  	s0 =	rddreg [dreg:$0x9];
	v3 =	vperm.xlane v3, v2  }
0x45: {  	[tilespmem:s0], [sflag:$0x1] =	stream.indirect_vreg.gather [hbm4b:s2+s3], $0x80, v4, vm0, $0xb8;
	[tilespmem:$0x18080] =	vst v63  }
0x46: {  	s9 =	rddreg [dreg:$0xa];
	v3 =	vadd.s32 v1, v3  }
0x47: {  	[tilespmem:s9], [sflag:$0x1] =	stream.indirect_vreg.gather [hbm4b:s4+s3], $0x80, v4, vm0, $0xb8;
	[tilespmem:$0x18080] =	vst v63  }
0x48: {  	s0 =	rddreg [dreg:$0xb]  }
0x49: {  	[tilespmem:s0], [sflag:$0x1] =	stream.indirect_vreg.gather [hbm4b:s5+s3], $0x80, v4, vm0, $0xb8;
	[tilespmem:$0x18080] =	vst v63  }
0x4a: {  	s9 =	rddreg [dreg:$0xc]  }
0x4b: {  	[tilespmem:s9], [sflag:$0x1] =	stream.indirect_vreg.gather [hbm4b:s2+s3], $0x80, v3, vm0, $0xb8;
	[tilespmem:$0x18080] =	vst v63  }
0x4c: {  	s0 =	rddreg [dreg:$0xd]  }
0x4d: {  	[tilespmem:s0], [sflag:$0x1] =	stream.indirect_vreg.gather [hbm4b:s4+s3], $0x80, v3, vm0, $0xb8;
	[tilespmem:$0x18080] =	vst v63  }
0x4e: {  	s9 =	rddreg [dreg:$0xe]  }
0x4f: {  	[tilespmem:s9], [sflag:$0x1] =	stream.indirect_vreg.gather [hbm4b:s5+s3], $0x80, v3, vm0, $0xb8;
	[tilespmem:$0x18080] =	vst v63  }
0x50: {  	v3 =	vld [tilespmem:$0x20];
	_ =	sdelay $0x4  }
0x51: {  	v58 =	vshrl.u32 v3, $0x3  }
0x52: {  	v4 =	vmul.u32 $0x30, v58  }
0x53: {  	v3 =	vand.u32 $0x7, v3  }
0x54: {  	v3 =	vor.u32 v3, v4  }
0x55: {  	v4 =	vperm.xlane v3, v0;
	_ =	sdelay $0x1  }
0x56: {  	v4 =	vadd.s32 v1, v4;
	_ =	sdelay $0x3  }
0x57: {  	s0 =	rddreg [dreg:$0xf];
	v3 =	vperm.xlane v3, v2  }
0x58: {  	[tilespmem:s0], [sflag:$0x1] =	stream.indirect_vreg.gather [hbm4b:s2+s3], $0x80, v4, vm0, $0xb8;
	[tilespmem:$0x18080] =	vst v63  }
0x59: {  	s9 =	rddreg [dreg:$0x10];
	v3 =	vadd.s32 v1, v3  }
0x5a: {  	[tilespmem:s9], [sflag:$0x1] =	stream.indirect_vreg.gather [hbm4b:s4+s3], $0x80, v4, vm0, $0xb8;
	[tilespmem:$0x18080] =	vst v63  }
0x5b: {  	s0 =	rddreg [dreg:$0x11]  }
0x5c: {  	[tilespmem:s0], [sflag:$0x1] =	stream.indirect_vreg.gather [hbm4b:s5+s3], $0x80, v4, vm0, $0xb8;
	[tilespmem:$0x18080] =	vst v63  }
0x5d: {  	s9 =	rddreg [dreg:$0x12]  }
0x5e: {  	[tilespmem:s9], [sflag:$0x1] =	stream.indirect_vreg.gather [hbm4b:s2+s3], $0x80, v3, vm0, $0xb8;
	[tilespmem:$0x18080] =	vst v63  }
0x5f: {  	s0 =	rddreg [dreg:$0x13]  }
0x60: {  	[tilespmem:s0], [sflag:$0x1] =	stream.indirect_vreg.gather [hbm4b:s4+s3], $0x80, v3, vm0, $0xb8;
	[tilespmem:$0x18080] =	vst v63  }
0x61: {  	s9 =	rddreg [dreg:$0x14]  }
0x62: {  	[tilespmem:s9], [sflag:$0x1] =	stream.indirect_vreg.gather [hbm4b:s5+s3], $0x80, v3, vm0, $0xb8;
	[tilespmem:$0x18080] =	vst v63  }
0x63: {  	v3 =	vld [tilespmem:$0x30];
	_ =	sdelay $0x4  }
0x64: {  	v59 =	vshrl.u32 v3, $0x3  }
0x65: {  	v4 =	vmul.u32 $0x30, v59  }
0x66: {  	v3 =	vand.u32 $0x7, v3  }
0x67: {  	v3 =	vor.u32 v3, v4  }
0x68: {  	v4 =	vperm.xlane v3, v0;
	_ =	sdelay $0x1  }
0x69: {  	v4 =	vadd.s32 v1, v4;
	_ =	sdelay $0x3  }
0x6a: {  	s0 =	rddreg [dreg:$0x15];
	v3 =	vperm.xlane v3, v2  }
0x6b: {  	[tilespmem:s0], [sflag:$0x1] =	stream.indirect_vreg.gather [hbm4b:s2+s3], $0x80, v4, vm0, $0xb8;
	[tilespmem:$0x18080] =	vst v63  }
0x6c: {  	s9 =	rddreg [dreg:$0x16];
	v3 =	vadd.s32 v1, v3  }
0x6d: {  	[tilespmem:s9], [sflag:$0x1] =	stream.indirect_vreg.gather [hbm4b:s4+s3], $0x80, v4, vm0, $0xb8;
	[tilespmem:$0x18080] =	vst v63  }
0x6e: {  	s0 =	rddreg [dreg:$0x17]  }
0x6f: {  	[tilespmem:s0], [sflag:$0x1] =	stream.indirect_vreg.gather [hbm4b:s5+s3], $0x80, v4, vm0, $0xb8;
	[tilespmem:$0x18080] =	vst v63  }
0x70: {  	s9 =	rddreg [dreg:$0x18]  }
0x71: {  	[tilespmem:s9], [sflag:$0x1] =	stream.indirect_vreg.gather [hbm4b:s2+s3], $0x80, v3, vm0, $0xb8;
	[tilespmem:$0x18080] =	vst v63  }
0x72: {  	s0 =	rddreg [dreg:$0x19]  }
0x73: {  	[tilespmem:s0], [sflag:$0x1] =	stream.indirect_vreg.gather [hbm4b:s4+s3], $0x80, v3, vm0, $0xb8;
	[tilespmem:$0x18080] =	vst v63  }
0x74: {  	s9 =	rddreg [dreg:$0x1a]  }
0x75: {  	[tilespmem:s9], [sflag:$0x1] =	stream.indirect_vreg.gather [hbm4b:s5+s3], $0x80, v3, vm0, $0xb8;
	[tilespmem:$0x18080] =	vst v63  }
0x76: {  	v3 =	vld [tilespmem:$0x40];
	_ =	sdelay $0x4  }
0x77: {  	v60 =	vshrl.u32 v3, $0x3  }
0x78: {  	v4 =	vmul.u32 $0x30, v60  }
0x79: {  	v3 =	vand.u32 $0x7, v3  }
0x7a: {  	v3 =	vor.u32 v3, v4  }
0x7b: {  	v4 =	vperm.xlane v3, v0;
	_ =	sdelay $0x1  }
0x7c: {  	v4 =	vadd.s32 v1, v4;
	_ =	sdelay $0x3  }
0x7d: {  	s0 =	rddreg [dreg:$0x1b];
	v3 =	vperm.xlane v3, v2  }
0x7e: {  	[tilespmem:s0], [sflag:$0x1] =	stream.indirect_vreg.gather [hbm4b:s2+s3], $0x80, v4, vm0, $0xb8;
	[tilespmem:$0x18080] =	vst v63  }
0x7f: {  	s9 =	rddreg [dreg:$0x1c];
	v3 =	vadd.s32 v1, v3  }
0x80: {  	[tilespmem:s9], [sflag:$0x1] =	stream.indirect_vreg.gather [hbm4b:s4+s3], $0x80, v4, vm0, $0xb8;
	[tilespmem:$0x18080] =	vst v63  }
0x81: {  	s9 =	simm.s32 $0xD080  }
0x82: {  	[tilespmem:s9], [sflag:$0x1] =	stream.indirect_vreg.gather [hbm4b:s5+s3], $0x80, v4, vm0, $0xb8;
	[tilespmem:$0x18080] =	vst v63  }
0x83: {  	_ = 	snop  }
0x84: {  	[tilespmem:s10], [sflag:$0x1] =	stream.indirect_vreg.gather [hbm4b:s2+s3], $0x80, v3, vm0, $0xb8;
	[tilespmem:$0x18080] =	vst v63  }
0x85: {  	_ = 	snop  }
0x86: {  	[tilespmem:s11], [sflag:$0x1] =	stream.indirect_vreg.gather [hbm4b:s4+s3], $0x80, v3, vm0, $0xb8;
	[tilespmem:$0x18080] =	vst v63  }
0x87: {  	_ = 	snop  }
0x88: {  	[tilespmem:s12], [sflag:$0x1] =	stream.indirect_vreg.gather [hbm4b:s5+s3], $0x80, v3, vm0, $0xb8;
	[tilespmem:$0x18080] =	vst v63  }
0x89: {  	v3 =	vld [tilespmem:$0x50];
	_ =	sdelay $0x4  }
0x8a: {  	v61 =	vshrl.u32 v3, $0x3  }
0x8b: {  	v4 =	vmul.u32 $0x30, v61  }
0x8c: {  	v3 =	vand.u32 $0x7, v3  }
0x8d: {  	v3 =	vor.u32 v3, v4  }
0x8e: {  	v4 =	vperm.xlane v3, v0;
	_ =	sdelay $0x1  }
0x8f: {  	v4 =	vadd.s32 v1, v4;
	_ =	sdelay $0x3  }
0x90: {  	v3 =	vperm.xlane v3, v2  }
0x91: {  	[tilespmem:s13], [sflag:$0x1] =	stream.indirect_vreg.gather [hbm4b:s2+s3], $0x80, v4, vm0, $0xb8;
	[tilespmem:$0x18080] =	vst v63  }
0x92: {  	v3 =	vadd.s32 v1, v3  }
0x93: {  	[tilespmem:s14], [sflag:$0x1] =	stream.indirect_vreg.gather [hbm4b:s4+s3], $0x80, v4, vm0, $0xb8;
	[tilespmem:$0x18080] =	vst v63  }
0x94: {  	_ = 	snop  }
0x95: {  	[tilespmem:s15], [sflag:$0x1] =	stream.indirect_vreg.gather [hbm4b:s5+s3], $0x80, v4, vm0, $0xb8;
	[tilespmem:$0x18080] =	vst v63  }
0x96: {  	_ = 	snop  }
0x97: {  	[tilespmem:s16], [sflag:$0x1] =	stream.indirect_vreg.gather [hbm4b:s2+s3], $0x80, v3, vm0, $0xb8;
	[tilespmem:$0x18080] =	vst v63  }
0x98: {  	_ = 	snop  }
0x99: {  	[tilespmem:s17], [sflag:$0x1] =	stream.indirect_vreg.gather [hbm4b:s4+s3], $0x80, v3, vm0, $0xb8;
	[tilespmem:$0x18080] =	vst v63  }
0x9a: {  	_ = 	snop  }
0x9b: {  	[tilespmem:s18], [sflag:$0x1] =	stream.indirect_vreg.gather [hbm4b:s5+s3], $0x80, v3, vm0, $0xb8;
	[tilespmem:$0x18080] =	vst v63  }
0x9c: {  	v3 =	vld [tilespmem:$0x60];
	_ =	sdelay $0x4  }
0x9d: {  	v62 =	vshrl.u32 v3, $0x3  }
0x9e: {  	v4 =	vmul.u32 $0x30, v62  }
0x9f: {  	v3 =	vand.u32 $0x7, v3  }
0xa0: {  	v3 =	vor.u32 v3, v4  }
0xa1: {  	v4 =	vperm.xlane v3, v0;
	_ =	sdelay $0x1  }
0xa2: {  	v4 =	vadd.s32 v1, v4;
	_ =	sdelay $0x3  }
0xa3: {  	v3 =	vperm.xlane v3, v2  }
0xa4: {  	[tilespmem:s19], [sflag:$0x1] =	stream.indirect_vreg.gather [hbm4b:s2+s3], $0x80, v4, vm0, $0xb8;
	[tilespmem:$0x18080] =	vst v63  }
0xa5: {  	v3 =	vadd.s32 v1, v3  }
0xa6: {  	[tilespmem:s20], [sflag:$0x1] =	stream.indirect_vreg.gather [hbm4b:s4+s3], $0x80, v4, vm0, $0xb8;
	[tilespmem:$0x18080] =	vst v63  }
0xa7: {  	_ = 	snop  }
0xa8: {  	[tilespmem:s21], [sflag:$0x1] =	stream.indirect_vreg.gather [hbm4b:s5+s3], $0x80, v4, vm0, $0xb8;
	[tilespmem:$0x18080] =	vst v63  }
0xa9: {  	_ = 	snop  }
0xaa: {  	[tilespmem:s22], [sflag:$0x1] =	stream.indirect_vreg.gather [hbm4b:s2+s3], $0x80, v3, vm0, $0xb8;
	[tilespmem:$0x18080] =	vst v63  }
0xab: {  	_ = 	snop  }
0xac: {  	[tilespmem:s23], [sflag:$0x1] =	stream.indirect_vreg.gather [hbm4b:s4+s3], $0x80, v3, vm0, $0xb8;
	[tilespmem:$0x18080] =	vst v63  }
0xad: {  	_ = 	snop  }
0xae: {  	[tilespmem:s24], [sflag:$0x1] =	stream.indirect_vreg.gather [hbm4b:s5+s3], $0x80, v3, vm0, $0xb8;
	[tilespmem:$0x18080] =	vst v63  }
0xaf: {  	v3 =	vld [tilespmem:$0x70];
	_ =	sdelay $0x4  }
0xb0: {  	v63 =	vshrl.u32 v3, $0x3  }
0xb1: {  	v4 =	vmul.u32 $0x30, v63  }
0xb2: {  	v3 =	vand.u32 $0x7, v3  }
0xb3: {  	v3 =	vor.u32 v3, v4  }
0xb4: {  	v4 =	vperm.xlane v3, v0;
	_ =	sdelay $0x1  }
0xb5: {  	v4 =	vadd.s32 v1, v4;
	_ =	sdelay $0x3  }
0xb6: {  	v3 =	vperm.xlane v3, v2  }
0xb7: {  	[tilespmem:s25], [sflag:$0x1] =	stream.indirect_vreg.gather [hbm4b:s2+s3], $0x80, v4, vm0, $0xb8;
	[tilespmem:$0x18080] =	vst v63  }
0xb8: {  	v3 =	vadd.s32 v1, v3  }
0xb9: {  	[tilespmem:s26], [sflag:$0x1] =	stream.indirect_vreg.gather [hbm4b:s4+s3], $0x80, v4, vm0, $0xb8;
	[tilespmem:$0x18080] =	vst v63  }
0xba: {  	_ = 	snop  }
0xbb: {  	[tilespmem:s28], [sflag:$0x1] =	stream.indirect_vreg.gather [hbm4b:s5+s3], $0x80, v4, vm0, $0xb8;
	[tilespmem:$0x18080] =	vst v63  }
0xbc: {  	_ = 	snop  }
0xbd: {  	[tilespmem:s29], [sflag:$0x1] =	stream.indirect_vreg.gather [hbm4b:s2+s3], $0x80, v3, vm0, $0xb8;
	[tilespmem:$0x18080] =	vst v63  }
0xbe: {  	_ = 	snop  }
0xbf: {  	[tilespmem:s30], [sflag:$0x1] =	stream.indirect_vreg.gather [hbm4b:s4+s3], $0x80, v3, vm0, $0xb8;
	[tilespmem:$0x18080] =	vst v63  }
0xc0: {  	_ = 	snop  }
0xc1: {  	[tilespmem:s31], [sflag:$0x1] =	stream.indirect_vreg.gather [hbm4b:s5+s3], $0x80, v3, vm0, $0xb8;
	[tilespmem:$0x18080] =	vst v63  }
0xc2: {  	_ =	swait.ge [sflag:s1], $0x18000  }
0xc3: {  	p0 =	sne.s32 s6, $0x1;
	[sflag:s1] =	ssyncset.done $0x0  }
.Ltmp0:
0xc4: {  	s9 =	rddreg [dreg:$0x3];
	[sflag:s1] =	ssyncadd.s32 $0xFFFE8000;
	(pc) =	sbr.rel @p0 .LBB2_1-.Ltmp0, $4  }
0xc5: {  	[hbm4b:s9+s3] =	stream.linear.scatter [tilespmem:s8], [sflag:$0x2], $0x18000, $0x38;
	[tilespmem:$0x18080] =	vst v63  }
0xc6: {  	_ =	swait.ge [sflag:s7], $0x18000  }
0xc7: {  	[sflag:s7] =	ssyncset.done $0x0  }
0xc8: {  	s6 =	sadd.s32 $0xFFFFFFFF, s6;
	[sflag:s7] =	ssyncadd.s32 $0xFFFE8000  }
0xc9: {  	_ =	sfence.sel $0x180000  }
0xca: {  	[bflag:$0x0] =	sbarrier.arrive $0xFFFF  }
0xcb: {  	_ =	strace $0x9000004A  }
0xcc: {  	s0 =	stileid.u32;
	[bflag:$0x2] =	sbarrier.arrive $0xFFFF  }
0xcd: {  	p0 =	sne.s32 s0, $0x0;
	s0 =	rddreg [dreg:$0x1]  }
0xce: {  	s0 =	sadd.s32 @!p0 $0x100000, s0  }
0xcf: {  	[sflag:s0] =	ssyncadd.tile.s32 @!p0 $0x1;
	_ =	shalt  }
.Lfunc_end2:
_tile_overlayer_lowered:
.L_overlay_start_2:
0xd0: {  	(tag) =	ssettag $0x2  }
0xd1: {  	s0 =	rddreg [dreg:$0x0];
	s2 =	stileid.u32  }
0xd2: {  	s1 =	rddreg [dreg:$0x1];
	p0 =	sne.s32 s2, $0x0  }
0xd3: {  	s3 =	rddreg [dreg:$0x2];
	[bflag:$0x3] =	sbarrier.arrive $0xFFFF;
	s2 =	simm.s32 @!p0 $0x1C02  }
0xd4: {  	[timem:s3], [sflag:s2] =	dma.local @!p0 [hbm:s0], s1  }
0xd5: {  	s0 =	simm.s32 @!p0 $0x2  }
0xd6: {  	_ =	swait.ge @!p0 [sflag:s0], s1  }
0xd7: {  	s1 =	ssub.s32 @!p0 $0x0, s1;
	[sflag:s0] =	ssyncset.done @!p0 $0x0  }
0xd8: {  	[sflag:s0] =	ssyncadd.s32 @!p0 s1  }
0xd9: {  	[bflag:$0x3] =	sbarrier.arrive $0xFFFF  }
0xda: {  	_ =	shalt  }

// kernel: kernel.9.cloned.1.call-start
scs
__scs_entry_jumppad:
0x0: {  	(pc) =	sbr.rel $0x88, $3  }
0x1: {  	(tag) =	ssettag $0x0;
	lr =	simm.s32 $0x1  }
0x2: {  	[smem:$0x3F95] =	sst lr;
	_ =	strace $0xD0000000  }
0x3: {  	_ = 	snop  }
0x4: {  	_ = 	snop  }
0x5: {  	_ = 	snop  }
0x6: {  	_ = 	snop  }
0x7: {  	_ = 	snop  }
__scs_overlays_trampoline_lowered:
0x8: {  	[smem:$0x3FA4] =	sst s0  }
0x9: {  	[smem:$0x3FA5] =	sst s1  }
0xa: {  	[smem:$0x3FA6] =	sst s2  }
0xb: {  	[smem:$0x3FA7] =	sst s3  }
0xc: {  	[smem:$0x3FA8] =	sst s4  }
0xd: {  	[smem:$0x3FA9] =	sst s5  }
0xe: {  	[smem:$0x3FAA] =	sst s6  }
0xf: {  	[smem:$0x3FAB] =	sst s7  }
0x10: {  	[smem:$0x3FAC] =	sst s8  }
0x11: {  	[smem:$0x3FAD] =	sst s9;
	s0 =	simm.s32 @!p0 $0x0  }
0x12: {  	s1 =	sld [smem:$0x3F93];
	s0 =	simm.s32 @p0 $0x1  }
0x13: {  	[smem:$0x3FAE] =	sst s0;
	s0 =	simm.s32 @!p1 $0x0  }
0x14: {  	s2 =	sld [smem:$0x3F92];
	s0 =	simm.s32 @p1 $0x1  }
0x15: {  	[smem:$0x3FAF] =	sst s0;
	s0 =	simm.s32 @!p2 $0x0  }
0x16: {  	s3 =	sld [smem:$0x3FDB];
	s0 =	simm.s32 @p2 $0x1  }
0x17: {  	s4 =	simm.s32 $0x1BF5;
	[smem:$0x3FB1] =	sst s0  }
0x18: {  	s0 =	sld [smem:$0x3F94];
	_ =	swait.ge [sflag:s4], $0x0  }
0x19: {  	s7 =	sld [smem:$0x3F95]  }
0x1a: {  	s8 =	sadd.s32 $0xFFFFE003, lr  }
0x1b: {  	s9 =	sadd.s32 $0xFFFFFEF7, lr;
	s5 =	simm.s32 $0xFFFFFFFF;
	p2 =	slt.u32 s8, $0xFFFFF086  }
0x1c: {  	p1 =	slt.u32 s9, $0xF7A;
	s5 =	simm.s32 @!p2 $0x0  }
0x1d: {  	s5 =	simm.s32 @p1 $0x1;
	p0 =	seq.s32 s7, s2  }
0x1e: {  	s7 =	smul.u32 @!p0 $0xF7A, s2;
	p2 =	seq.s32 @!p0 s5, $0x0  }
0x1f: {  	s9 =	smul.u32 $0xF7A, s1;
	s8 =	simm.s32 @!p0 $0x1BF5;
	p2 =	por !p2, p0  }
0x20: {  	[sflag:s8] =	ssyncset.s32 @!p0 $0xFFFFF086;
	s6 =	sadd.s32 @!p0 s3, s7;
	s7 =	simm.s32 @!p0 $0x108  }
0x21: {  	s3 =	sadd.s32 s3, s9;
	s6 =	sadd.s32 @!p0 $0x88, s6;
	s7 =	simm.s32 @p2 $0x1082  }
0x22: {  	[simem:s7], [sflag:s8] =	dma.local @!p0 [hbm:s6], $0xF7A  }
0x23: {  	s9 =	sor.u32 $0xD0000000, s2;
	s6 =	simm.s32 $0x108;
	_ =	swait.ge @!p0 [sflag:s8], $0x0  }
0x24: {  	s3 =	sadd.s32 $0x88, s3;
	s6 =	simm.s32 @!p1 $0x1082;
	[sflag:s4] =	ssyncset.s32 $0xFFFFF086  }
0x25: {  	[simem:s6], [sflag:s4] =	dma.local [hbm:s3], $0xF7A  }
0x26: {  	[smem:$0x3F95] =	sst s1;
	(tag) =	ssettag s2;
	_ =	strace s9  }
0x27: {  	s1 =	sld [smem:$0x3FA5]  }
0x28: {  	s2 =	sld [smem:$0x3FA6]  }
0x29: {  	s4 =	sld [smem:$0x3FA8]  }
0x2a: {  	p0 =	seq.s32 s5, $0x0;
	s5 =	sld [smem:$0x3FA9]  }
0x2b: {  	s6 =	sld [smem:$0x3FAA]  }
0x2c: {  	s7 =	sld [smem:$0x3FAB]  }
0x2d: {  	s3 =	simm.s32 $0x108;
	s8 =	sld [smem:$0x3FAC]  }
0x2e: {  	s3 =	simm.s32 @!p0 $0x1082;
	s9 =	sld [smem:$0x3FAD]  }
0x2f: {  	lr =	sadd.s32 s0, s3;
	s0 =	sld [smem:$0x3FA4]  }
0x30: {  	s3 =	sld [smem:$0x3FA7]  }
0x31: {  	[smem:$0x3FB0] =	sst s10  }
0x32: {  	s10 =	sld [smem:$0x3FAE];
	_ =	sdelay $0x3  }
0x33: {  	p0 =	seq.s32 s10, $0x1;
	s10 =	sld [smem:$0x3FB0];
	_ =	sdelay $0x3  }
0x34: {  	[smem:$0x3FB0] =	sst s10  }
0x35: {  	s10 =	sld [smem:$0x3FAF];
	_ =	sdelay $0x3  }
0x36: {  	p1 =	seq.s32 s10, $0x1;
	s10 =	sld [smem:$0x3FB0];
	_ =	sdelay $0x3  }
0x37: {  	[smem:$0x3FB0] =	sst s10  }
0x38: {  	s10 =	sld [smem:$0x3FB1]  }
0x39: {  	_ = 	snop;
	(pc) =	sbr.ind lr, $3  }
0x3a: {  	_ = 	snop  }
0x3b: {  	_ = 	snop  }
0x3c: {  	p2 =	seq.s32 s10, $0x1;
	s10 =	sld [smem:$0x3FB0]  }
0x3d: {  	_ =	shalt  }
0x3e: {  	_ =	shalt  }
0x3f: {  	_ =	shalt  }
0x40: {  	_ =	shalt  }
0x41: {  	_ =	shalt  }
0x42: {  	_ =	shalt  }
0x43: {  	_ =	shalt  }
0x44: {  	_ =	shalt  }
0x45: {  	_ =	shalt  }
0x46: {  	_ =	shalt  }
0x47: {  	_ =	shalt  }
0x48: {  	_ =	shalt  }
0x49: {  	_ =	shalt  }
0x4a: {  	_ =	shalt  }
0x4b: {  	_ =	shalt  }
0x4c: {  	_ =	shalt  }
0x4d: {  	_ =	shalt  }
0x4e: {  	_ =	shalt  }
0x4f: {  	_ =	shalt  }
0x50: {  	_ =	shalt  }
0x51: {  	_ =	shalt  }
0x52: {  	_ =	shalt  }
0x53: {  	_ =	shalt  }
0x54: {  	_ =	shalt  }
0x55: {  	_ =	shalt  }
0x56: {  	_ =	shalt  }
0x57: {  	_ =	shalt  }
0x58: {  	_ =	shalt  }
0x59: {  	_ =	shalt  }
0x5a: {  	_ =	shalt  }
0x5b: {  	_ =	shalt  }
0x5c: {  	_ =	shalt  }
0x5d: {  	_ =	shalt  }
0x5e: {  	_ =	shalt  }
0x5f: {  	_ =	shalt  }
0x60: {  	_ =	shalt  }
0x61: {  	_ =	shalt  }
0x62: {  	_ =	shalt  }
0x63: {  	_ =	shalt  }
0x64: {  	_ =	shalt  }
0x65: {  	_ =	shalt  }
0x66: {  	_ =	shalt  }
0x67: {  	_ =	shalt  }
0x68: {  	_ =	shalt  }
0x69: {  	_ =	shalt  }
0x6a: {  	_ =	shalt  }
0x6b: {  	_ =	shalt  }
0x6c: {  	_ =	shalt  }
0x6d: {  	_ =	shalt  }
0x6e: {  	_ =	shalt  }
0x6f: {  	_ =	shalt  }
0x70: {  	_ =	shalt  }
0x71: {  	_ =	shalt  }
0x72: {  	_ =	shalt  }
0x73: {  	_ =	shalt  }
0x74: {  	_ =	shalt  }
0x75: {  	_ =	shalt  }
0x76: {  	_ =	shalt  }
0x77: {  	_ =	shalt  }
0x78: {  	_ =	shalt  }
0x79: {  	_ =	shalt  }
0x7a: {  	_ =	shalt  }
0x7b: {  	_ =	shalt  }
0x7c: {  	_ =	shalt  }
0x7d: {  	_ =	shalt  }
0x7e: {  	_ =	shalt  }
0x7f: {  	_ =	shalt  }
0x80: {  	_ =	shalt  }
0x81: {  	_ =	shalt  }
0x82: {  	_ =	shalt  }
0x83: {  	_ =	shalt  }
0x84: {  	_ =	shalt  }
0x85: {  	_ =	shalt  }
0x86: {  	_ =	shalt  }
0x87: {  	_ =	shalt  }
.Lfunc_end0:
.L_simem_size_0:
called_computation_lowered:
.L_overlay_start_0:
0x88: {  	s2 =	sld [smem:$0x3FD9]  }
0x89: {  	s3 =	sld [smem:$0x3FFE];
	_ =	sdelay $0x1  }
0x8a: {  	s1 =	srdreg.scid  }
0x8b: {  	s0 =	sand.u32 $0x1, s1  }
0x8c: {  	s17 =	sshll.u32 s0, $0xA;
	s2 =	sadd.s32 s3, s2  }
0x8d: {  	s2 =	sadd.s32 s2, s17  }
0x8e: {  	[smem:$0x3FBC] =	sst s2  }
0x8f: {  	_ = 	snop  }
0x90: {  	s2 =	sld [smem:$0x3FC9]  }
0x91: {  	s18 =	sld [smem:$0x3FD0];
	(tm) =	ssettm $0x1  }
0x92: {  	s4 =	sld [smem:$0x3FFB];
	_ =	sdelay $0x3  }
0x93: {  	_ =	strace s4  }
0x94: {  	s4 =	sld [smem:$0x3FFC];
	_ =	sdelay $0x3  }
0x95: {  	_ =	strace s4  }
0x96: {  	s4 =	sld [smem:$0x3FFD];
	_ =	sdelay $0x3  }
0x97: {  	_ =	strace s4  }
0x98: {  	_ =	strace $0x8FFFFFFF  }
0x99: {  	s19 =	sld [smem:$0x3FDB];
	_ =	sdelay $0x1  }
0x9a: {  	s5 =	simm.s32 $_scs_section_size  }
0x9b: {  	s6 =	simm.s32 $_size__tile_overlayer_lowered;
	s7 =	simm.s32 $_tile_overlayer_lowered  }
0x9c: {  	s22 =	simm.s32 $0x1BFF;
	s21 =	sshll.u32 s7, $0x1;
	s4 =	sadd.s32 s5, s19  }
0x9d: {  	s8 =	simm.s32 $0x0;
	s20 =	sshll.u32 s6, $0x1;
	s6 =	sadd.s32 s21, s4  }
0x9e: {  	[timem:s8], [sflag:s22] =	dma.local [hbm:s6], s20  }
0x9f: {  	_ =	swait.ge [sflag:s22], s20  }
0xa0: {  	s5 =	ssub.s32 $0x0, s20;
	[sflag:s22] =	ssyncset.done $0x0  }
0xa1: {  	[sflag:s22] =	ssyncadd.s32 s5;
	_ =	sdelay $0x1  }
0xa2: {  	s23 =	simm.s32 $0x1B8B  }
0xa3: {  	_ =	swait.ge [sflag:s23], $0x1  }
0xa4: {  	[sflag:s23] =	ssyncset.done $0x0  }
0xa5: {  	s25 =	simm.s32 $0x1B8E;
	s24 =	sld [smem:$0x3FFE];
	[sflag:s23] =	ssyncadd.s32 $0xFFFFFFFF  }
0xa6: {  	s26 =	simm.s32 $execute0_lowered;
	[smem:$0x3FD2] =	sst s25  }
0xa7: {  	s6 =	sshll.u32 s26, $0x1;
	_ =	strace $0x80000046;
	[dreg:$0x1] =	wrdreg $0xFFFFFFFF  }
0xa8: {  	s28 =	simm.s32 $_size_execute0_lowered;
	s4 =	sadd.s32 s4, s6;
	[dreg:$0x0] =	wrdreg $0x0  }
0xa9: {  	s6 =	sshll.u32 s28, $0x1;
	[dreg:$0x2] =	wrdreg s4  }
0xaa: {  	[dreg:$0x3] =	wrdreg s6  }
0xab: {  	[dreg:$0x4] =	wrdreg $0xC0  }
0xac: {  	_ =	task [dreg:s8], $0x5FFFF  }
0xad: {  	[dreg:$0x1] =	wrdreg $0xFFFFFFFF  }
0xae: {  	[dreg:$0x0] =	wrdreg $0x60  }
0xaf: {  	[dreg:$0x2] =	wrdreg s2  }
0xb0: {  	[dreg:$0x3] =	wrdreg s18  }
0xb1: {  	[dreg:$0x4] =	wrdreg s24  }
0xb2: {  	[dreg:$0x5] =	wrdreg $0x9  }
0xb3: {  	_ =	task.clear_ibuf [dreg:s8], $0x6FFFF;
	_ =	strace $0x90000046  }
0xb4: {  	s29 =	simm.s32 $0x9;
	_ =	strace $0x80000048  }
0xb5: {  	_ =	swait.ge [sflag:s29], $0x1  }
0xb6: {  	[sflag:s29] =	ssyncadd.s32 $0xFFFFFFFF  }
0xb7: {  	_ =	strace $0x90000048  }
0xb8: {  	_ =	sfence  }
0xb9: {  	s30 =	sld [smem:$0x0];
	_ =	sdelay $0x2  }
0xba: {  	s31 =	sshll.u32 s1, $0xD;
	s1 =	sshrl.u32 s1, $0x2  }
0xbb: {  	s3 =	sand.u32 $0x4000, s31;
	s1 =	sadd.s32 s1, s30  }
0xbc: {  	s0 =	sor.u32 s3, s0;
	s1 =	sshll.u32 s1, $0x11  }
0xbd: {  	s0 =	sor.u32 s1, s0  }
0xbe: {  	s0 =	sadd.s32 $0x8F2B, s0  }
0xbf: {  	[sflag:s0] =	ssyncadd.remote.s32 $0x1  }
0xc0: {  	_ =	sfence.sel $0xFFFF  }
0xc1: {  	[dreg:$0x0] =	wrdreg $0xFFFFFFFF;
	(pc) =	sbr.abs _section_cstart, $3  }
0xc2: {  	[dreg:$0x1] =	wrdreg $0xFFFFFFFF  }
0xc3: {  	_ =	task.clear_ibuf [dreg:s8], $0x2FFFF;
	_ =	strace $0x9FFFFFFF  }
0xc4: {  	(tm) =	ssettm $0x7FFFFFFF  }
0xc5: {  	_ =	shalt  }
tec
execute0_lowered:
.L_overlay_start_1:
0x0: {  	(tag) =	ssettag $0x1  }
0x1: {  	s1 =	rddreg [dreg:$0x0]  }
0x2: {  	s2 =	srdreg.scid;
	s0 =	stileid.u32  }
0x3: {  	s4 =	rddreg [dreg:$0x1];
	s2 =	sand.u32 $0x1, s2;
	s3 =	sshll.u32 s0, $0x1  }
0x4: {  	s5 =	rddreg [dreg:$0x2];
	s6 =	sor.u32 s2, s3;
	s3 =	simm.s32 $0x0  }
0x5: {  	s12 =	simm.s32 $0x900;
	[smem:$0x7FF] =	sst s3  }
0x6: {  	s13 =	simm.s32 $0x1100;
	_ =	strace $0x80000047;
	[dreg:$0x6] =	wrdreg s12  }
0x7: {  	s14 =	simm.s32 $0x1900;
	[dreg:$0x7] =	wrdreg s13  }
0x8: {  	s15 =	simm.s32 $0x2100;
	[dreg:$0x8] =	wrdreg s14  }
0x9: {  	s16 =	simm.s32 $0x2900;
	[dreg:$0x9] =	wrdreg s15  }
0xa: {  	s17 =	simm.s32 $0x3100;
	[dreg:$0xa] =	wrdreg s16  }
0xb: {  	s18 =	simm.s32 $0x3900;
	[dreg:$0xb] =	wrdreg s17  }
0xc: {  	s19 =	simm.s32 $0x4100;
	[dreg:$0xc] =	wrdreg s18  }
0xd: {  	s20 =	simm.s32 $0x4900;
	[dreg:$0xd] =	wrdreg s19  }
0xe: {  	s21 =	simm.s32 $0x5100;
	[dreg:$0xe] =	wrdreg s20  }
0xf: {  	s22 =	simm.s32 $0x5900;
	[dreg:$0xf] =	wrdreg s21  }
0x10: {  	s23 =	simm.s32 $0x6100;
	[dreg:$0x10] =	wrdreg s22  }
0x11: {  	s24 =	simm.s32 $0x6900;
	[dreg:$0x11] =	wrdreg s23  }
0x12: {  	s25 =	simm.s32 $0x7100;
	[dreg:$0x12] =	wrdreg s24  }
0x13: {  	s26 =	simm.s32 $0x7900;
	[dreg:$0x13] =	wrdreg s25  }
0x14: {  	s0 =	simm.s32 $0x8100;
	[dreg:$0x14] =	wrdreg s26  }
0x15: {  	s8 =	simm.s32 $0xA100;
	[dreg:$0x15] =	wrdreg s0  }
0x16: {  	s9 =	simm.s32 $0xA900;
	[dreg:$0x19] =	wrdreg s8  }
0x17: {  	s10 =	simm.s32 $0xB100;
	s28 =	simm.s32 $0x1C100;
	[dreg:$0x1a] =	wrdreg s9  }
0x18: {  	s29 =	simm.s32 $0x1C900;
	[dreg:$0x1b] =	wrdreg s10;
	s12 =	simm.s32 $0xC100  }
0x19: {  	s30 =	simm.s32 $0x1D100;
	s13 =	simm.s32 $0xC900;
	[dreg:$0x1d] =	wrdreg s12  }
0x1a: {  	s31 =	simm.s32 $0x1D900;
	s14 =	simm.s32 $0xD100;
	[dreg:$0x1e] =	wrdreg s13  }
0x1b: {  	s2 =	ssub.s32 $0x2, s2;
	s15 =	simm.s32 $0xD900;
	[dreg:$0x1f] =	wrdreg s14  }
0x1c: {  	s7 =	smul.u32 $0x14, s6;
	s16 =	simm.s32 $0xE100;
	[smem:$0x7F3] =	sst s15  }
0x1d: {  	s6 =	smul.u32 $0x3C00, s6;
	s17 =	simm.s32 $0xE900;
	[smem:$0x7F4] =	sst s16  }
0x1e: {  	s18 =	simm.s32 $0xF100;
	s19 =	sshrl.u32 s2, $0x1;
	[smem:$0x7F5] =	sst s17  }
0x1f: {  	s20 =	simm.s32 $0xF900;
	s21 =	simm.s32 $0x10100;
	[smem:$0x7F6] =	sst s18  }
0x20: {  	s22 =	simm.s32 $0x10900;
	s23 =	simm.s32 $0x11100;
	[smem:$0x7F7] =	sst s20  }
0x21: {  	s24 =	simm.s32 $0x11900;
	s25 =	simm.s32 $0x12100;
	[smem:$0x7F8] =	sst s21  }
0x22: {  	s8 =	simm.s32 $0x100;
	s26 =	simm.s32 $0x12900;
	[smem:$0x7F9] =	sst s22  }
0x23: {  	s10 =	simm.s32 $0x13900;
	s4 =	sadd.s32 s4, s7;
	[smem:$0x7FA] =	sst s23  }
0x24: {  	s11 =	sadd.s32 s5, s6;
	s5 =	simm.s32 $0x8900;
	[smem:$0x7FB] =	sst s24  }
0x25: {  	s6 =	simm.s32 $0x9100;
	s7 =	simm.s32 $0x9900;
	[smem:$0x7FC] =	sst s25  }
0x26: {  	s2 =	ssub.s32 s2, s19;
	[smem:$0x7FD] =	sst s26;
	s12 =	simm.s32 $0x14900  }
0x27: {  	s13 =	simm.s32 $0x15100;
	s14 =	simm.s32 $0x15900;
	s15 =	simm.s32 $0x16100  }
0x28: {  	s16 =	simm.s32 $0x16900;
	s17 =	simm.s32 $0x17100;
	s18 =	simm.s32 $0x17900  }
0x29: {  	s19 =	simm.s32 $0x18100;
	s20 =	simm.s32 $0x18900;
	[dreg:$0x4] =	wrdreg s4  }
0x2a: {  	s21 =	simm.s32 $0x19100;
	s22 =	simm.s32 $0x19900;
	[dreg:$0x5] =	wrdreg s11  }
0x2b: {  	s23 =	simm.s32 $0x1A100;
	s24 =	simm.s32 $0x1A900;
	[dreg:$0x16] =	wrdreg s5  }
0x2c: {  	s25 =	simm.s32 $0x1B100;
	s26 =	simm.s32 $0x1B900;
	[dreg:$0x17] =	wrdreg s6  }
0x2d: {  	v2 =	vlaneseq.u32;
	[dreg:$0x18] =	wrdreg s7;
	s11 =	simm.s32 $0xB900;
	s4 =	sadd.s32 $0x100, s1  }
0x2e: {  	vm0 =	vmmov $0xffff;
	v1 =	vshrl.u32 v2, $0x3;
	s5 =	sadd.s32 $0x200, s1;
	s6 =	smax.u32 s2, $0x1;
	s7 =	simm.s32 $0x2  }
0x2f: {  	v0 =	vand.u32 $0x7, v2;
	v2 =	vor.u32 $0x8, v2;
	v1 =	vmul.u32 $0x8, v1;
	s2 =	simm.s32 $0x1;
	[dreg:$0x1c] =	wrdreg s11;
	s11 =	simm.s32 $0x14100  }
.LBB2_1:
0x30: {  	s0 =	rddreg [dreg:$0x4]  }
0x31: {  	[tilespmem:s3], [sflag:$0x2] =	stream.linear.gather [hbm4b:s0+s3], $0xA0, $0x38;
	[tilespmem:$0x1E100] =	vst v63  }
0x32: {  	_ =	swait.ge [sflag:s7], $0xA0  }
0x33: {  	[sflag:s7] =	ssyncset.done $0x0  }
0x34: {  	[sflag:s7] =	ssyncadd.s32 $0xFFFFFF60  }
0x35: {  	v3 =	vld [tilespmem:$0x0];
	_ =	sdelay $0x4  }
0x36: {  	v4 =	vshrl.u32 v3, $0x3  }
0x37: {  	v4 =	vmul.u32 $0x30, v4  }
0x38: {  	v3 =	vand.u32 $0x7, v3  }
0x39: {  	v3 =	vor.u32 v3, v4  }
0x3a: {  	v4 =	vperm.xlane v3, v0;
	_ =	sdelay $0x1  }
0x3b: {  	v4 =	vadd.s32 v1, v4;
	_ =	sdelay $0x3  }
0x3c: {  	v3 =	vperm.xlane v3, v2  }
0x3d: {  	[tilespmem:s8], [sflag:$0x1] =	stream.indirect_vreg.gather [hbm4b:s1+s3], $0x80, v4, vm0, $0xb8;
	[tilespmem:$0x1E100] =	vst v63  }
0x3e: {  	s0 =	rddreg [dreg:$0x6];
	v3 =	vadd.s32 v1, v3  }
0x3f: {  	[tilespmem:s0], [sflag:$0x1] =	stream.indirect_vreg.gather [hbm4b:s4+s3], $0x80, v4, vm0, $0xb8;
	[tilespmem:$0x1E100] =	vst v63  }
0x40: {  	s9 =	rddreg [dreg:$0x7]  }
0x41: {  	[tilespmem:s9], [sflag:$0x1] =	stream.indirect_vreg.gather [hbm4b:s5+s3], $0x80, v4, vm0, $0xb8;
	[tilespmem:$0x1E100] =	vst v63  }
0x42: {  	s0 =	rddreg [dreg:$0x8]  }
0x43: {  	[tilespmem:s0], [sflag:$0x1] =	stream.indirect_vreg.gather [hbm4b:s1+s3], $0x80, v3, vm0, $0xb8;
	[tilespmem:$0x1E100] =	vst v63  }
0x44: {  	s9 =	rddreg [dreg:$0x9]  }
0x45: {  	[tilespmem:s9], [sflag:$0x1] =	stream.indirect_vreg.gather [hbm4b:s4+s3], $0x80, v3, vm0, $0xb8;
	[tilespmem:$0x1E100] =	vst v63  }
0x46: {  	s0 =	rddreg [dreg:$0xa]  }
0x47: {  	[tilespmem:s0], [sflag:$0x1] =	stream.indirect_vreg.gather [hbm4b:s5+s3], $0x80, v3, vm0, $0xb8;
	[tilespmem:$0x1E100] =	vst v63  }
0x48: {  	v3 =	vld [tilespmem:$0x10];
	_ =	sdelay $0x4  }
0x49: {  	v55 =	vshrl.u32 v3, $0x3  }
0x4a: {  	v4 =	vmul.u32 $0x30, v55  }
0x4b: {  	v3 =	vand.u32 $0x7, v3  }
0x4c: {  	v3 =	vor.u32 v3, v4  }
0x4d: {  	v4 =	vperm.xlane v3, v0;
	_ =	sdelay $0x1  }
0x4e: {  	v4 =	vadd.s32 v1, v4;
	_ =	sdelay $0x3  }
0x4f: {  	s0 =	rddreg [dreg:$0xb];
	v3 =	vperm.xlane v3, v2  }
0x50: {  	[tilespmem:s0], [sflag:$0x1] =	stream.indirect_vreg.gather [hbm4b:s1+s3], $0x80, v4, vm0, $0xb8;
	[tilespmem:$0x1E100] =	vst v63  }
0x51: {  	s9 =	rddreg [dreg:$0xc];
	v3 =	vadd.s32 v1, v3  }
0x52: {  	[tilespmem:s9], [sflag:$0x1] =	stream.indirect_vreg.gather [hbm4b:s4+s3], $0x80, v4, vm0, $0xb8;
	[tilespmem:$0x1E100] =	vst v63  }
0x53: {  	s0 =	rddreg [dreg:$0xd]  }
0x54: {  	[tilespmem:s0], [sflag:$0x1] =	stream.indirect_vreg.gather [hbm4b:s5+s3], $0x80, v4, vm0, $0xb8;
	[tilespmem:$0x1E100] =	vst v63  }
0x55: {  	s9 =	rddreg [dreg:$0xe]  }
0x56: {  	[tilespmem:s9], [sflag:$0x1] =	stream.indirect_vreg.gather [hbm4b:s1+s3], $0x80, v3, vm0, $0xb8;
	[tilespmem:$0x1E100] =	vst v63  }
0x57: {  	s0 =	rddreg [dreg:$0xf]  }
0x58: {  	[tilespmem:s0], [sflag:$0x1] =	stream.indirect_vreg.gather [hbm4b:s4+s3], $0x80, v3, vm0, $0xb8;
	[tilespmem:$0x1E100] =	vst v63  }
0x59: {  	s9 =	rddreg [dreg:$0x10]  }
0x5a: {  	[tilespmem:s9], [sflag:$0x1] =	stream.indirect_vreg.gather [hbm4b:s5+s3], $0x80, v3, vm0, $0xb8;
	[tilespmem:$0x1E100] =	vst v63  }
0x5b: {  	v3 =	vld [tilespmem:$0x20];
	_ =	sdelay $0x4  }
0x5c: {  	v56 =	vshrl.u32 v3, $0x3  }
0x5d: {  	v4 =	vmul.u32 $0x30, v56  }
0x5e: {  	v3 =	vand.u32 $0x7, v3  }
0x5f: {  	v3 =	vor.u32 v3, v4  }
0x60: {  	v4 =	vperm.xlane v3, v0;
	_ =	sdelay $0x1  }
0x61: {  	v4 =	vadd.s32 v1, v4;
	_ =	sdelay $0x3  }
0x62: {  	s0 =	rddreg [dreg:$0x11];
	v3 =	vperm.xlane v3, v2  }
0x63: {  	[tilespmem:s0], [sflag:$0x1] =	stream.indirect_vreg.gather [hbm4b:s1+s3], $0x80, v4, vm0, $0xb8;
	[tilespmem:$0x1E100] =	vst v63  }
0x64: {  	s9 =	rddreg [dreg:$0x12];
	v3 =	vadd.s32 v1, v3  }
0x65: {  	[tilespmem:s9], [sflag:$0x1] =	stream.indirect_vreg.gather [hbm4b:s4+s3], $0x80, v4, vm0, $0xb8;
	[tilespmem:$0x1E100] =	vst v63  }
0x66: {  	s0 =	rddreg [dreg:$0x13]  }
0x67: {  	[tilespmem:s0], [sflag:$0x1] =	stream.indirect_vreg.gather [hbm4b:s5+s3], $0x80, v4, vm0, $0xb8;
	[tilespmem:$0x1E100] =	vst v63  }
0x68: {  	s9 =	rddreg [dreg:$0x14]  }
0x69: {  	[tilespmem:s9], [sflag:$0x1] =	stream.indirect_vreg.gather [hbm4b:s1+s3], $0x80, v3, vm0, $0xb8;
	[tilespmem:$0x1E100] =	vst v63  }
0x6a: {  	s0 =	rddreg [dreg:$0x15]  }
0x6b: {  	[tilespmem:s0], [sflag:$0x1] =	stream.indirect_vreg.gather [hbm4b:s4+s3], $0x80, v3, vm0, $0xb8;
	[tilespmem:$0x1E100] =	vst v63  }
0x6c: {  	s9 =	rddreg [dreg:$0x16]  }
0x6d: {  	[tilespmem:s9], [sflag:$0x1] =	stream.indirect_vreg.gather [hbm4b:s5+s3], $0x80, v3, vm0, $0xb8;
	[tilespmem:$0x1E100] =	vst v63  }
0x6e: {  	v3 =	vld [tilespmem:$0x30];
	_ =	sdelay $0x4  }
0x6f: {  	v57 =	vshrl.u32 v3, $0x3  }
0x70: {  	v4 =	vmul.u32 $0x30, v57  }
0x71: {  	v3 =	vand.u32 $0x7, v3  }
0x72: {  	v3 =	vor.u32 v3, v4  }
0x73: {  	v4 =	vperm.xlane v3, v0;
	_ =	sdelay $0x1  }
0x74: {  	v4 =	vadd.s32 v1, v4;
	_ =	sdelay $0x3  }
0x75: {  	s0 =	rddreg [dreg:$0x17];
	v3 =	vperm.xlane v3, v2  }
0x76: {  	[tilespmem:s0], [sflag:$0x1] =	stream.indirect_vreg.gather [hbm4b:s1+s3], $0x80, v4, vm0, $0xb8;
	[tilespmem:$0x1E100] =	vst v63  }
0x77: {  	s9 =	rddreg [dreg:$0x18];
	v3 =	vadd.s32 v1, v3  }
0x78: {  	[tilespmem:s9], [sflag:$0x1] =	stream.indirect_vreg.gather [hbm4b:s4+s3], $0x80, v4, vm0, $0xb8;
	[tilespmem:$0x1E100] =	vst v63  }
0x79: {  	s0 =	rddreg [dreg:$0x19]  }
0x7a: {  	[tilespmem:s0], [sflag:$0x1] =	stream.indirect_vreg.gather [hbm4b:s5+s3], $0x80, v4, vm0, $0xb8;
	[tilespmem:$0x1E100] =	vst v63  }
0x7b: {  	s9 =	rddreg [dreg:$0x1a]  }
0x7c: {  	[tilespmem:s9], [sflag:$0x1] =	stream.indirect_vreg.gather [hbm4b:s1+s3], $0x80, v3, vm0, $0xb8;
	[tilespmem:$0x1E100] =	vst v63  }
0x7d: {  	s0 =	rddreg [dreg:$0x1b]  }
0x7e: {  	[tilespmem:s0], [sflag:$0x1] =	stream.indirect_vreg.gather [hbm4b:s4+s3], $0x80, v3, vm0, $0xb8;
	[tilespmem:$0x1E100] =	vst v63  }
0x7f: {  	s9 =	rddreg [dreg:$0x1c]  }
0x80: {  	[tilespmem:s9], [sflag:$0x1] =	stream.indirect_vreg.gather [hbm4b:s5+s3], $0x80, v3, vm0, $0xb8;
	[tilespmem:$0x1E100] =	vst v63  }
0x81: {  	v3 =	vld [tilespmem:$0x40];
	_ =	sdelay $0x4  }
0x82: {  	v58 =	vshrl.u32 v3, $0x3  }
0x83: {  	v4 =	vmul.u32 $0x30, v58  }
0x84: {  	v3 =	vand.u32 $0x7, v3  }
0x85: {  	v3 =	vor.u32 v3, v4  }
0x86: {  	v4 =	vperm.xlane v3, v0;
	_ =	sdelay $0x1  }
0x87: {  	v4 =	vadd.s32 v1, v4;
	_ =	sdelay $0x2  }
0x88: {  	s0 =	rddreg [dreg:$0x1d]  }
0x89: {  	s9 =	rddreg [dreg:$0x1e];
	v3 =	vperm.xlane v3, v2  }
0x8a: {  	[tilespmem:s0], [sflag:$0x1] =	stream.indirect_vreg.gather [hbm4b:s1+s3], $0x80, v4, vm0, $0xb8;
	[tilespmem:$0x1E100] =	vst v63  }
0x8b: {  	v3 =	vadd.s32 v1, v3;
	s0 =	rddreg [dreg:$0x1f]  }
0x8c: {  	[tilespmem:s9], [sflag:$0x1] =	stream.indirect_vreg.gather [hbm4b:s4+s3], $0x80, v4, vm0, $0xb8;
	[tilespmem:$0x1E100] =	vst v63  }
0x8d: {  	s9 =	sld [smem:$0x7F3]  }
0x8e: {  	[tilespmem:s0], [sflag:$0x1] =	stream.indirect_vreg.gather [hbm4b:s5+s3], $0x80, v4, vm0, $0xb8;
	[tilespmem:$0x1E100] =	vst v63  }
0x8f: {  	s0 =	sld [smem:$0x7F4]  }
0x90: {  	[tilespmem:s9], [sflag:$0x1] =	stream.indirect_vreg.gather [hbm4b:s1+s3], $0x80, v3, vm0, $0xb8;
	[tilespmem:$0x1E100] =	vst v63  }
0x91: {  	s9 =	sld [smem:$0x7F5]  }
0x92: {  	[tilespmem:s0], [sflag:$0x1] =	stream.indirect_vreg.gather [hbm4b:s4+s3], $0x80, v3, vm0, $0xb8;
	[tilespmem:$0x1E100] =	vst v63  }
0x93: {  	_ = 	snop  }
0x94: {  	[tilespmem:s9], [sflag:$0x1] =	stream.indirect_vreg.gather [hbm4b:s5+s3], $0x80, v3, vm0, $0xb8;
	[tilespmem:$0x1E100] =	vst v63  }
0x95: {  	v3 =	vld [tilespmem:$0x50];
	_ =	sdelay $0x4  }
0x96: {  	v59 =	vshrl.u32 v3, $0x3  }
0x97: {  	v4 =	vmul.u32 $0x30, v59  }
0x98: {  	v3 =	vand.u32 $0x7, v3  }
0x99: {  	v3 =	vor.u32 v3, v4  }
0x9a: {  	v4 =	vperm.xlane v3, v0;
	_ =	sdelay $0x1  }
0x9b: {  	v4 =	vadd.s32 v1, v4;
	_ =	sdelay $0x1  }
0x9c: {  	s0 =	sld [smem:$0x7F6];
	_ =	sdelay $0x1  }
0x9d: {  	s9 =	sld [smem:$0x7F7];
	v3 =	vperm.xlane v3, v2  }
0x9e: {  	[tilespmem:s0], [sflag:$0x1] =	stream.indirect_vreg.gather [hbm4b:s1+s3], $0x80, v4, vm0, $0xb8;
	[tilespmem:$0x1E100] =	vst v63  }
0x9f: {  	v3 =	vadd.s32 v1, v3;
	s0 =	sld [smem:$0x7F8]  }
0xa0: {  	[tilespmem:s9], [sflag:$0x1] =	stream.indirect_vreg.gather [hbm4b:s4+s3], $0x80, v4, vm0, $0xb8;
	[tilespmem:$0x1E100] =	vst v63  }
0xa1: {  	s9 =	sld [smem:$0x7F9]  }
0xa2: {  	[tilespmem:s0], [sflag:$0x1] =	stream.indirect_vreg.gather [hbm4b:s5+s3], $0x80, v4, vm0, $0xb8;
	[tilespmem:$0x1E100] =	vst v63  }
0xa3: {  	s0 =	sld [smem:$0x7FA]  }
0xa4: {  	[tilespmem:s9], [sflag:$0x1] =	stream.indirect_vreg.gather [hbm4b:s1+s3], $0x80, v3, vm0, $0xb8;
	[tilespmem:$0x1E100] =	vst v63  }
0xa5: {  	s9 =	sld [smem:$0x7FB]  }
0xa6: {  	[tilespmem:s0], [sflag:$0x1] =	stream.indirect_vreg.gather [hbm4b:s4+s3], $0x80, v3, vm0, $0xb8;
	[tilespmem:$0x1E100] =	vst v63  }
0xa7: {  	_ = 	snop  }
0xa8: {  	[tilespmem:s9], [sflag:$0x1] =	stream.indirect_vreg.gather [hbm4b:s5+s3], $0x80, v3, vm0, $0xb8;
	[tilespmem:$0x1E100] =	vst v63  }
0xa9: {  	v3 =	vld [tilespmem:$0x60];
	_ =	sdelay $0x4  }
0xaa: {  	v60 =	vshrl.u32 v3, $0x3  }
0xab: {  	v4 =	vmul.u32 $0x30, v60  }
0xac: {  	v3 =	vand.u32 $0x7, v3  }
0xad: {  	v3 =	vor.u32 v3, v4  }
0xae: {  	v4 =	vperm.xlane v3, v0;
	_ =	sdelay $0x1  }
0xaf: {  	v4 =	vadd.s32 v1, v4;
	_ =	sdelay $0x1  }
0xb0: {  	s0 =	sld [smem:$0x7FC];
	_ =	sdelay $0x1  }
0xb1: {  	s9 =	sld [smem:$0x7FD];
	v3 =	vperm.xlane v3, v2  }
0xb2: {  	[tilespmem:s0], [sflag:$0x1] =	stream.indirect_vreg.gather [hbm4b:s1+s3], $0x80, v4, vm0, $0xb8;
	[tilespmem:$0x1E100] =	vst v63  }
0xb3: {  	v3 =	vadd.s32 v1, v3  }
0xb4: {  	[tilespmem:s9], [sflag:$0x1] =	stream.indirect_vreg.gather [hbm4b:s4+s3], $0x80, v4, vm0, $0xb8;
	[tilespmem:$0x1E100] =	vst v63  }
0xb5: {  	s9 =	simm.s32 $0x13100  }
0xb6: {  	[tilespmem:s9], [sflag:$0x1] =	stream.indirect_vreg.gather [hbm4b:s5+s3], $0x80, v4, vm0, $0xb8;
	[tilespmem:$0x1E100] =	vst v63  }
0xb7: {  	_ = 	snop  }
0xb8: {  	[tilespmem:s10], [sflag:$0x1] =	stream.indirect_vreg.gather [hbm4b:s1+s3], $0x80, v3, vm0, $0xb8;
	[tilespmem:$0x1E100] =	vst v63  }
0xb9: {  	_ = 	snop  }
0xba: {  	[tilespmem:s11], [sflag:$0x1] =	stream.indirect_vreg.gather [hbm4b:s4+s3], $0x80, v3, vm0, $0xb8;
	[tilespmem:$0x1E100] =	vst v63  }
0xbb: {  	_ = 	snop  }
0xbc: {  	[tilespmem:s12], [sflag:$0x1] =	stream.indirect_vreg.gather [hbm4b:s5+s3], $0x80, v3, vm0, $0xb8;
	[tilespmem:$0x1E100] =	vst v63  }
0xbd: {  	v3 =	vld [tilespmem:$0x70];
	_ =	sdelay $0x4  }
0xbe: {  	v61 =	vshrl.u32 v3, $0x3  }
0xbf: {  	v4 =	vmul.u32 $0x30, v61  }
0xc0: {  	v3 =	vand.u32 $0x7, v3  }
0xc1: {  	v3 =	vor.u32 v3, v4  }
0xc2: {  	v4 =	vperm.xlane v3, v0;
	_ =	sdelay $0x1  }
0xc3: {  	v4 =	vadd.s32 v1, v4;
	_ =	sdelay $0x3  }
0xc4: {  	v3 =	vperm.xlane v3, v2  }
0xc5: {  	[tilespmem:s13], [sflag:$0x1] =	stream.indirect_vreg.gather [hbm4b:s1+s3], $0x80, v4, vm0, $0xb8;
	[tilespmem:$0x1E100] =	vst v63  }
0xc6: {  	v3 =	vadd.s32 v1, v3  }
0xc7: {  	[tilespmem:s14], [sflag:$0x1] =	stream.indirect_vreg.gather [hbm4b:s4+s3], $0x80, v4, vm0, $0xb8;
	[tilespmem:$0x1E100] =	vst v63  }
0xc8: {  	_ = 	snop  }
0xc9: {  	[tilespmem:s15], [sflag:$0x1] =	stream.indirect_vreg.gather [hbm4b:s5+s3], $0x80, v4, vm0, $0xb8;
	[tilespmem:$0x1E100] =	vst v63  }
0xca: {  	_ = 	snop  }
0xcb: {  	[tilespmem:s16], [sflag:$0x1] =	stream.indirect_vreg.gather [hbm4b:s1+s3], $0x80, v3, vm0, $0xb8;
	[tilespmem:$0x1E100] =	vst v63  }
0xcc: {  	_ = 	snop  }
0xcd: {  	[tilespmem:s17], [sflag:$0x1] =	stream.indirect_vreg.gather [hbm4b:s4+s3], $0x80, v3, vm0, $0xb8;
	[tilespmem:$0x1E100] =	vst v63  }
0xce: {  	_ = 	snop  }
0xcf: {  	[tilespmem:s18], [sflag:$0x1] =	stream.indirect_vreg.gather [hbm4b:s5+s3], $0x80, v3, vm0, $0xb8;
	[tilespmem:$0x1E100] =	vst v63  }
0xd0: {  	v3 =	vld [tilespmem:$0x80];
	_ =	sdelay $0x4  }
0xd1: {  	v62 =	vshrl.u32 v3, $0x3  }
0xd2: {  	v4 =	vmul.u32 $0x30, v62  }
0xd3: {  	v3 =	vand.u32 $0x7, v3  }
0xd4: {  	v3 =	vor.u32 v3, v4  }
0xd5: {  	v4 =	vperm.xlane v3, v0;
	_ =	sdelay $0x1  }
0xd6: {  	v4 =	vadd.s32 v1, v4;
	_ =	sdelay $0x3  }
0xd7: {  	v3 =	vperm.xlane v3, v2  }
0xd8: {  	[tilespmem:s19], [sflag:$0x1] =	stream.indirect_vreg.gather [hbm4b:s1+s3], $0x80, v4, vm0, $0xb8;
	[tilespmem:$0x1E100] =	vst v63  }
0xd9: {  	v3 =	vadd.s32 v1, v3  }
0xda: {  	[tilespmem:s20], [sflag:$0x1] =	stream.indirect_vreg.gather [hbm4b:s4+s3], $0x80, v4, vm0, $0xb8;
	[tilespmem:$0x1E100] =	vst v63  }
0xdb: {  	_ = 	snop  }
0xdc: {  	[tilespmem:s21], [sflag:$0x1] =	stream.indirect_vreg.gather [hbm4b:s5+s3], $0x80, v4, vm0, $0xb8;
	[tilespmem:$0x1E100] =	vst v63  }
0xdd: {  	_ = 	snop  }
0xde: {  	[tilespmem:s22], [sflag:$0x1] =	stream.indirect_vreg.gather [hbm4b:s1+s3], $0x80, v3, vm0, $0xb8;
	[tilespmem:$0x1E100] =	vst v63  }
0xdf: {  	_ = 	snop  }
0xe0: {  	[tilespmem:s23], [sflag:$0x1] =	stream.indirect_vreg.gather [hbm4b:s4+s3], $0x80, v3, vm0, $0xb8;
	[tilespmem:$0x1E100] =	vst v63  }
0xe1: {  	_ = 	snop  }
0xe2: {  	[tilespmem:s24], [sflag:$0x1] =	stream.indirect_vreg.gather [hbm4b:s5+s3], $0x80, v3, vm0, $0xb8;
	[tilespmem:$0x1E100] =	vst v63  }
0xe3: {  	v3 =	vld [tilespmem:$0x90];
	_ =	sdelay $0x4  }
0xe4: {  	v63 =	vshrl.u32 v3, $0x3  }
0xe5: {  	v4 =	vmul.u32 $0x30, v63  }
0xe6: {  	v3 =	vand.u32 $0x7, v3  }
0xe7: {  	v3 =	vor.u32 v3, v4  }
0xe8: {  	v4 =	vperm.xlane v3, v0;
	_ =	sdelay $0x1  }
0xe9: {  	v4 =	vadd.s32 v1, v4;
	_ =	sdelay $0x3  }
0xea: {  	v3 =	vperm.xlane v3, v2  }
0xeb: {  	[tilespmem:s25], [sflag:$0x1] =	stream.indirect_vreg.gather [hbm4b:s1+s3], $0x80, v4, vm0, $0xb8;
	[tilespmem:$0x1E100] =	vst v63  }
0xec: {  	v3 =	vadd.s32 v1, v3  }
0xed: {  	[tilespmem:s26], [sflag:$0x1] =	stream.indirect_vreg.gather [hbm4b:s4+s3], $0x80, v4, vm0, $0xb8;
	[tilespmem:$0x1E100] =	vst v63  }
0xee: {  	_ = 	snop  }
0xef: {  	[tilespmem:s28], [sflag:$0x1] =	stream.indirect_vreg.gather [hbm4b:s5+s3], $0x80, v4, vm0, $0xb8;
	[tilespmem:$0x1E100] =	vst v63  }
0xf0: {  	_ = 	snop  }
0xf1: {  	[tilespmem:s29], [sflag:$0x1] =	stream.indirect_vreg.gather [hbm4b:s1+s3], $0x80, v3, vm0, $0xb8;
	[tilespmem:$0x1E100] =	vst v63  }
0xf2: {  	_ = 	snop  }
0xf3: {  	[tilespmem:s30], [sflag:$0x1] =	stream.indirect_vreg.gather [hbm4b:s4+s3], $0x80, v3, vm0, $0xb8;
	[tilespmem:$0x1E100] =	vst v63  }
0xf4: {  	_ = 	snop  }
0xf5: {  	[tilespmem:s31], [sflag:$0x1] =	stream.indirect_vreg.gather [hbm4b:s5+s3], $0x80, v3, vm0, $0xb8;
	[tilespmem:$0x1E100] =	vst v63  }
0xf6: {  	_ =	swait.ge [sflag:s2], $0x1E000  }
0xf7: {  	p0 =	sne.s32 s6, $0x1;
	[sflag:s2] =	ssyncset.done $0x0  }
.Ltmp0:
0xf8: {  	s9 =	rddreg [dreg:$0x5];
	[sflag:s2] =	ssyncadd.s32 $0xFFFE2000;
	(pc) =	sbr.rel @p0 .LBB2_1-.Ltmp0, $4  }
0xf9: {  	[hbm4b:s9+s3] =	stream.linear.scatter [tilespmem:s8], [sflag:$0x2], $0x1E000, $0x38;
	[tilespmem:$0x1E100] =	vst v63  }
0xfa: {  	_ =	swait.ge [sflag:s7], $0x1E000  }
0xfb: {  	[sflag:s7] =	ssyncset.done $0x0  }
0xfc: {  	s6 =	sadd.s32 $0xFFFFFFFF, s6;
	[sflag:s7] =	ssyncadd.s32 $0xFFFE2000  }
0xfd: {  	_ =	sfence.sel $0x180000  }
0xfe: {  	[bflag:$0x0] =	sbarrier.arrive $0xFFFF  }
0xff: {  	_ =	strace $0x90000047  }
0x100: {  	s0 =	stileid.u32;
	[bflag:$0x2] =	sbarrier.arrive $0xFFFF  }
0x101: {  	p0 =	sne.s32 s0, $0x0;
	s0 =	rddreg [dreg:$0x3]  }
0x102: {  	s0 =	sadd.s32 @!p0 $0x100000, s0  }
0x103: {  	[sflag:s0] =	ssyncadd.tile.s32 @!p0 $0x1;
	_ =	shalt  }
.Lfunc_end2:
_tile_overlayer_lowered:
.L_overlay_start_2:
0x104: {  	(tag) =	ssettag $0x2  }
0x105: {  	s0 =	rddreg [dreg:$0x0];
	s2 =	stileid.u32  }
0x106: {  	s1 =	rddreg [dreg:$0x1];
	p0 =	sne.s32 s2, $0x0  }
0x107: {  	s3 =	rddreg [dreg:$0x2];
	[bflag:$0x3] =	sbarrier.arrive $0xFFFF;
	s2 =	simm.s32 @!p0 $0x1C02  }
0x108: {  	[timem:s3], [sflag:s2] =	dma.local @!p0 [hbm:s0], s1  }
0x109: {  	s0 =	simm.s32 @!p0 $0x2  }
0x10a: {  	_ =	swait.ge @!p0 [sflag:s0], s1  }
0x10b: {  	s1 =	ssub.s32 @!p0 $0x0, s1;
	[sflag:s0] =	ssyncset.done @!p0 $0x0  }
0x10c: {  	[sflag:s0] =	ssyncadd.s32 @!p0 s1  }
0x10d: {  	[bflag:$0x3] =	sbarrier.arrive $0xFFFF  }
0x10e: {  	_ =	shalt  }

</sc_bundles>
